<compile_context>
chip_gen: v7x
topology: tpu7x:2x2x1
jax: 0.10.2.dev20260603
libtpu: 0.0.44.dev20260713+nightly
codegen_flags: <defaults>
</compile_context>

<pallas_src>
import functools

import jax
import jax.numpy as jnp
from jax import lax
from jax.experimental import pallas as pl
from jax.experimental.pallas import tpu as pltpu
from jax.experimental.pallas import tpu_sc as plsc

N = 10000
D = 128
E = 320000
L = 4

NC = 2
NS = 16
NW = NC * NS
B = 128
NBUF = 2
CH = 80
NCHUNK = NW * CH
SCH = 40
EPT = CH * B
E_PAD = EPT * NW
N_ACC = 10240
RPT = N_ACC // NS
BN = 1000

_mesh = plsc.VectorSubcoreMesh(core_axis_name="c", subcore_axis_name="s")


def _agg_body(h_hbm, src_hbm, dst_hbm, z_hbm, p_hbm, src_v, dst_v,
              rows0, rows1, acc_sh, sem0, sem1):
    c = lax.axis_index("c")
    s = lax.axis_index("s")
    wid = c * NS + s
    rows = (rows0, rows1)
    sems = (sem0, sem1)
    pltpu.sync_copy(z_hbm, acc_sh.at[pl.ds(s * RPT, RPT)])
    plsc.subcore_barrier()

    def stage(t, carry):
        base = wid * CH + t * SCH
        pltpu.sync_copy(src_hbm.at[pl.ds(base, SCH)], src_v)
        pltpu.sync_copy(dst_hbm.at[pl.ds(base, SCH)], dst_v)
        for k in range(NBUF):
            pltpu.async_copy(h_hbm.at[src_v.at[k]], rows[k], sems[k])

        def group(i, carry2):
            j = i * NBUF
            for k in range(NBUF):
                pltpu.make_async_copy(h_hbm.at[src_v.at[j + k]], rows[k],
                                      sems[k]).wait()
                pltpu.sync_copy(rows[k], acc_sh.at[dst_v.at[j + k]],
                                add=True)

                @pl.when(j + k + NBUF < SCH)
                def _():
                    pltpu.async_copy(h_hbm.at[src_v.at[j + k + NBUF]],
                                     rows[k], sems[k])

            return carry2

        lax.fori_loop(0, SCH // NBUF, group, 0)
        return carry

    lax.fori_loop(0, CH // SCH, stage, 0)
    plsc.subcore_barrier()
    pltpu.sync_copy(acc_sh.at[pl.ds(s * RPT, RPT)],
                    p_hbm.at[pl.ds(c * N_ACC + s * RPT, RPT)])


_agg = pl.kernel(
    _agg_body,
    out_type=jax.ShapeDtypeStruct((NC * N_ACC, D), jnp.float32),
    mesh=_mesh,
    scratch_types=[
        pltpu.VMEM((SCH, B), jnp.int32),
        pltpu.VMEM((SCH, B), jnp.int32),
        pltpu.VMEM((B, D), jnp.float32),
        pltpu.VMEM((B, D), jnp.float32),
        pltpu.VMEM_SHARED((N_ACC, D), jnp.float32),
        pltpu.SemaphoreType.DMA,
        pltpu.SemaphoreType.DMA,
    ],
)


def _deg_body(dst_hbm, ones_hbm, z_hbm, pd_hbm, dst_v, ones_v, acc_sh):
    c = lax.axis_index("c")
    s = lax.axis_index("s")
    wid = c * NS + s
    pltpu.sync_copy(z_hbm, acc_sh.at[pl.ds(s * RPT, RPT)])
    pltpu.sync_copy(ones_hbm, ones_v)
    plsc.subcore_barrier()

    for block in range(CH // SCH):
        base = wid * CH + block * SCH
        pltpu.sync_copy(dst_hbm.at[pl.ds(base, SCH)], dst_v)

        def chunk(j, carry):
            pltpu.sync_copy(ones_v, acc_sh.at[dst_v.at[j]], add=True)
            return carry

        lax.fori_loop(0, SCH, chunk, 0)
    plsc.subcore_barrier()
    pltpu.sync_copy(acc_sh.at[pl.ds(s * RPT, RPT)],
                    pd_hbm.at[pl.ds(c * N_ACC + s * RPT, RPT)])


_deg = pl.kernel(
    _deg_body,
    out_type=jax.ShapeDtypeStruct((NC * N_ACC, D), jnp.float32),
    mesh=_mesh,
    scratch_types=[
        pltpu.VMEM((SCH, B), jnp.int32),
        pltpu.VMEM((B, D), jnp.float32),
        pltpu.VMEM_SHARED((N_ACC, D), jnp.float32),
    ],
)


def _inv_body(d0_ref, d1_ref, o_ref):
    o_ref[...] = 1.0 / jnp.maximum(d0_ref[...] + d1_ref[...], 1.0)


_inv = pl.pallas_call(
    _inv_body,
    out_shape=jax.ShapeDtypeStruct((N, D), jnp.float32),
    grid=(N // BN,),
    in_specs=[
        pl.BlockSpec((BN, D), lambda i: (i, 0)),
        pl.BlockSpec((BN, D), lambda i: (i, 0)),
    ],
    out_specs=pl.BlockSpec((BN, D), lambda i: (i, 0)),
)


def _dense_body(h_ref, p0_ref, p1_ref, inv_ref, wr_ref, wn_ref, b_ref, g_ref,
                be_ref, o_ref):
    h = h_ref[...]
    agg = (p0_ref[...] + p1_ref[...]) * inv_ref[...]
    out = jnp.dot(h, wr_ref[...], preferred_element_type=jnp.float32)
    out = out + jnp.dot(agg, wn_ref[...], preferred_element_type=jnp.float32)
    out = out + b_ref[...]
    mu = jnp.mean(out, axis=-1, keepdims=True)
    var = jnp.mean((out - mu) ** 2, axis=-1, keepdims=True)
    out = (out - mu) * lax.rsqrt(var + 1e-5) * g_ref[...] + be_ref[...]
    o_ref[...] = h + jnp.maximum(out, 0.0)


_dense = pl.pallas_call(
    _dense_body,
    out_shape=jax.ShapeDtypeStruct((N, D), jnp.float32),
    grid=(N // BN,),
    in_specs=[
        pl.BlockSpec((BN, D), lambda i: (i, 0)),
        pl.BlockSpec((BN, D), lambda i: (i, 0)),
        pl.BlockSpec((BN, D), lambda i: (i, 0)),
        pl.BlockSpec((BN, D), lambda i: (i, 0)),
        pl.BlockSpec((D, D), lambda i: (0, 0)),
        pl.BlockSpec((D, D), lambda i: (0, 0)),
        pl.BlockSpec((1, D), lambda i: (0, 0)),
        pl.BlockSpec((1, D), lambda i: (0, 0)),
        pl.BlockSpec((1, D), lambda i: (0, 0)),
    ],
    out_specs=pl.BlockSpec((BN, D), lambda i: (i, 0)),
)


def kernel(x, edge_index, W_root, W_neigh, b, gamma, beta):
    src = edge_index[0]
    dst = edge_index[1]
    pad_e = E_PAD - E
    src_p = jnp.concatenate(
        [src, jnp.zeros((pad_e,), jnp.int32)]).reshape(NW * CH, B)
    pad_dst = N + jnp.arange(pad_e, dtype=jnp.int32) % (N_ACC - N)
    dst_p = jnp.concatenate([dst, pad_dst]).reshape(NW * CH, B)
    zeros = jnp.zeros((RPT, D), jnp.float32)
    ones = jnp.ones((B, D), jnp.float32)

    pd = _deg(dst_p, ones, zeros)
    inv = _inv(pd[:N], pd[N_ACC:N_ACC + N])

    h = x
    for i in range(L):
        p = _agg(h, src_p, dst_p, zeros)
        h = _dense(h, p[:N], p[N_ACC:N_ACC + N], inv,
                   W_root[i], W_neigh[i],
                   b[i].reshape(1, D), gamma[i].reshape(1, D),
                   beta[i].reshape(1, D))
    return h

# --- scband reference (transcript-rebuilt; emitter-appended) ---
"""Pipeline reference for scband-gnnbackbone-89077621719404 (READ-ONLY COPY).

The authoritative reference and input builder live on the scoring server;
editing this copy changes nothing except your own understanding.
"""

import jax, jax.numpy as jnp
import numpy as np

N = 10000
E = 320000
D = 128
L = 4


def setup_inputs(seed: int = 0) -> dict:
    key = jax.random.key(seed)
    ks = jax.random.split(key, 6)
    x = jax.random.normal(ks[0], (N, D), dtype=jnp.float32)
    edge_index = jax.random.randint(ks[1], (2, E), 0, N, dtype=jnp.int32)
    W_root = jax.random.normal(ks[2], (L, D, D), dtype=jnp.float32) * 0.05
    W_neigh = jax.random.normal(ks[3], (L, D, D), dtype=jnp.float32) * 0.05
    b = jnp.zeros((L, D), dtype=jnp.float32)
    gamma = jnp.ones((L, D), dtype=jnp.float32)
    beta = jnp.zeros((L, D), dtype=jnp.float32)
    return {"x": x, "edge_index": edge_index, "W_root": W_root, "W_neigh": W_neigh, "b": b, "gamma": gamma, "beta": beta}


def reference(x, edge_index, W_root, W_neigh, b, gamma, beta):
    # GNNBackbone with conv_type='sage' (mean aggregation), layernorm, relu, residual.
    # in_channels == hidden_dim so input_proj is None.
    src = edge_index[0]
    dst = edge_index[1]
    deg = jax.ops.segment_sum(jnp.ones((E,), jnp.float32), dst, num_segments=N)
    deg = jnp.maximum(deg, 1.0)
    h = x
    for i in range(L):
        msgs = jnp.take(h, src, axis=0)                       # gather over edges
        agg = jax.ops.segment_sum(msgs, dst, num_segments=N)  # scatter-add to dst nodes
        agg = agg / deg[:, None]                              # mean aggregation
        out = h @ W_root[i] + agg @ W_neigh[i] + b[i]
        mu = jnp.mean(out, axis=-1, keepdims=True)
        var = jnp.var(out, axis=-1, keepdims=True)
        out = (out - mu) / jnp.sqrt(var + 1e-5) * gamma[i] + beta[i]
        out = jax.nn.relu(out)
        h = h + out  # residual skip
    return h

if __name__ == "__main__":
    import jax
    _d = setup_inputs()
    print(jax.jit(kernel)(*tuple(_d.values())))

</pallas_src>

<mosaic_0001>
#map = affine_map<(d0, d1) -> (0, 0)>
module attributes {stable_mosaic.version = 14 : i64} {
  func.func @_agg_body(%arg0: i32, %arg1: i32, %arg2: memref<10000x128xf32, #tpu.memory_space<hbm>>, %arg3: memref<2560x128xi32, #tpu.memory_space<hbm>>, %arg4: memref<2560x128xi32, #tpu.memory_space<hbm>>, %arg5: memref<640x128xf32, #tpu.memory_space<hbm>>, %arg6: memref<20480x128xf32, #tpu.memory_space<hbm>>, %arg7: memref<40x128xi32, #tpu.memory_space<vmem>>, %arg8: memref<40x128xi32, #tpu.memory_space<vmem>>, %arg9: memref<128x128xf32, #tpu.memory_space<vmem>>, %arg10: memref<128x128xf32, #tpu.memory_space<vmem>>, %arg11: memref<10240x128xf32, #tpu.memory_space<vmem_shared>>, %arg12: memref<!tpu.dma_semaphore, #tpu.memory_space<semaphore_mem>>, %arg13: memref<!tpu.dma_semaphore, #tpu.memory_space<semaphore_mem>>) attributes {dimension_semantics = [#tpu.dimension_semantics<core_parallel>, #tpu.dimension_semantics<subcore_parallel>], iteration_bounds = array<i64: 2, 16>, scalar_prefetch = 0 : i64, scratch_operands = 7 : i64, tpu.core_type = #tpu.core_type<sc_vector_subcore>, window_params = [{transform_indices = #map}, {transform_indices = #map}, {transform_indices = #map}, {transform_indices = #map}, {transform_indices = #map}]} {
    %mul3A = arith.constant 16 : i32
    %mul3A_0 = arith.muli %arg0, %mul3A : i32
    %add3A = arith.addi %mul3A_0, %arg1 : i32
    %mul3A_1 = arith.constant 640 : i32
    %mul3A_2 = arith.muli %arg1, %mul3A_1 : i32
    "tpu.region"() ({
      %run_scoped3A = tpu.sem_alloc : memref<!tpu.dma_semaphore, #tpu.memory_space<semaphore_mem>>
      %dma_start3A = arith.constant 0 : i32
      %dma_start3A_16 = tpu.memref_slice %arg11[%mul3A_2, %dma_start3A] : memref<10240x128xf32, #tpu.memory_space<vmem_shared>> -> memref<640x128xf32, #tpu.memory_space<vmem_shared>>
      tpu.enqueue_dma source(%arg5 : memref<640x128xf32, #tpu.memory_space<hbm>>) target(%dma_start3A_16 : memref<640x128xf32, #tpu.memory_space<vmem_shared>>) target_semaphore(%run_scoped3A : memref<!tpu.dma_semaphore, #tpu.memory_space<semaphore_mem>>)
      %dma_wait3A = arith.constant 0 : i32
      %dma_wait3A_17 = tpu.memref_slice %arg11[%mul3A_2, %dma_wait3A] : memref<10240x128xf32, #tpu.memory_space<vmem_shared>> -> memref<640x128xf32, #tpu.memory_space<vmem_shared>>
      tpu.wait_dma2 semaphore(%run_scoped3A : memref<!tpu.dma_semaphore, #tpu.memory_space<semaphore_mem>>) src(%arg5 : memref<640x128xf32, #tpu.memory_space<hbm>>) dst(%dma_wait3A_17 : memref<640x128xf32, #tpu.memory_space<vmem_shared>>)
      tpu.yield
    }) : () -> ()
    %barrier3A = arith.constant 0 : index
    tpu.barrier barrier_id(%barrier3A)
    %scan3A = arith.constant 0 : i32
    %scan3A_3 = arith.constant 0 : i32
    %scan3A_4 = arith.constant 2 : i32
    %scan3A_5 = arith.addi %scan3A_3, %scan3A_4 : i32
    %scan3A_6 = arith.constant 1 : i32
    scf.for %scan3A_16 = %scan3A_3 to %scan3A_5 step %scan3A_6  : i32 {
      %mul3A_17 = arith.constant 80 : i32
      %mul3A_18 = arith.muli %add3A, %mul3A_17 : i32
      %mul3A_19 = arith.constant 40 : i32
      %mul3A_20 = arith.muli %scan3A_16, %mul3A_19 : i32
      %add3A_21 = arith.addi %mul3A_18, %mul3A_20 : i32
      "tpu.region"() ({
        %run_scoped3A = tpu.sem_alloc : memref<!tpu.dma_semaphore, #tpu.memory_space<semaphore_mem>>
        %dma_start3A_41 = arith.constant 0 : i32
        %dma_start3A_42 = tpu.memref_slice %arg3[%add3A_21, %dma_start3A_41] : memref<2560x128xi32, #tpu.memory_space<hbm>> -> memref<40x128xi32, #tpu.memory_space<hbm>>
        %dma_start3A_43 = arith.constant 0 : i32
        %dma_start3A_44 = tpu.memref_slice %arg3[%add3A_21, %dma_start3A_43] : memref<2560x128xi32, #tpu.memory_space<hbm>> -> memref<40x128xi32, #tpu.memory_space<hbm>>
        tpu.enqueue_dma source(%dma_start3A_44 : memref<40x128xi32, #tpu.memory_space<hbm>>) target(%arg7 : memref<40x128xi32, #tpu.memory_space<vmem>>) target_semaphore(%run_scoped3A : memref<!tpu.dma_semaphore, #tpu.memory_space<semaphore_mem>>)
        %dma_wait3A = arith.constant 0 : i32
        %dma_wait3A_45 = tpu.memref_slice %arg3[%add3A_21, %dma_wait3A] : memref<2560x128xi32, #tpu.memory_space<hbm>> -> memref<40x128xi32, #tpu.memory_space<hbm>>
        %dma_wait3A_46 = arith.constant 0 : i32
        %dma_wait3A_47 = tpu.memref_slice %arg3[%add3A_21, %dma_wait3A_46] : memref<2560x128xi32, #tpu.memory_space<hbm>> -> memref<40x128xi32, #tpu.memory_space<hbm>>
        tpu.wait_dma2 semaphore(%run_scoped3A : memref<!tpu.dma_semaphore, #tpu.memory_space<semaphore_mem>>) src(%dma_wait3A_47 : memref<40x128xi32, #tpu.memory_space<hbm>>) dst(%arg7 : memref<40x128xi32, #tpu.memory_space<vmem>>)
        tpu.yield
      }) : () -> ()
      "tpu.region"() ({
        %run_scoped3A = tpu.sem_alloc : memref<!tpu.dma_semaphore, #tpu.memory_space<semaphore_mem>>
        %dma_start3A_41 = arith.constant 0 : i32
        %dma_start3A_42 = tpu.memref_slice %arg4[%add3A_21, %dma_start3A_41] : memref<2560x128xi32, #tpu.memory_space<hbm>> -> memref<40x128xi32, #tpu.memory_space<hbm>>
        %dma_start3A_43 = arith.constant 0 : i32
        %dma_start3A_44 = tpu.memref_slice %arg4[%add3A_21, %dma_start3A_43] : memref<2560x128xi32, #tpu.memory_space<hbm>> -> memref<40x128xi32, #tpu.memory_space<hbm>>
        tpu.enqueue_dma source(%dma_start3A_44 : memref<40x128xi32, #tpu.memory_space<hbm>>) target(%arg8 : memref<40x128xi32, #tpu.memory_space<vmem>>) target_semaphore(%run_scoped3A : memref<!tpu.dma_semaphore, #tpu.memory_space<semaphore_mem>>)
        %dma_wait3A = arith.constant 0 : i32
        %dma_wait3A_45 = tpu.memref_slice %arg4[%add3A_21, %dma_wait3A] : memref<2560x128xi32, #tpu.memory_space<hbm>> -> memref<40x128xi32, #tpu.memory_space<hbm>>
        %dma_wait3A_46 = arith.constant 0 : i32
        %dma_wait3A_47 = tpu.memref_slice %arg4[%add3A_21, %dma_wait3A_46] : memref<2560x128xi32, #tpu.memory_space<hbm>> -> memref<40x128xi32, #tpu.memory_space<hbm>>
        tpu.wait_dma2 semaphore(%run_scoped3A : memref<!tpu.dma_semaphore, #tpu.memory_space<semaphore_mem>>) src(%dma_wait3A_47 : memref<40x128xi32, #tpu.memory_space<hbm>>) dst(%arg8 : memref<40x128xi32, #tpu.memory_space<vmem>>)
        tpu.yield
      }) : () -> ()
      %dma_start3A = arith.constant 0 : i32
      %dma_start3A_22 = arith.constant 0 : i32
      %dma_start3A_23 = tpu.memref_slice %arg7[%dma_start3A, %dma_start3A_22] : memref<40x128xi32, #tpu.memory_space<vmem>> -> memref<1x128xi32, #tpu.memory_space<vmem>>
      %dma_start3A_24 = tpu.memref_squeeze %dma_start3A_23 : memref<1x128xi32, #tpu.memory_space<vmem>> -> memref<128xi32, #tpu.memory_space<vmem>>
      %dma_start3A_25 = arith.constant 0 : i32
      %dma_start3A_26 = arith.constant 0 : i32
      %dma_start3A_27 = tpu.memref_slice %arg2[%dma_start3A_25, %dma_start3A_26] : memref<10000x128xf32, #tpu.memory_space<hbm>> -> memref<10000x128xf32, #tpu.memory_space<hbm>>
      tpu.enqueue_indirect_dma source(%dma_start3A_27 : memref<10000x128xf32, #tpu.memory_space<hbm>>) target(%arg9 : memref<128x128xf32, #tpu.memory_space<vmem>>) offsets(%dma_start3A_24 : memref<128xi32, #tpu.memory_space<vmem>>) semaphore(%arg12 : memref<!tpu.dma_semaphore, #tpu.memory_space<semaphore_mem>>)
      %dma_start3A_28 = arith.constant 1 : i32
      %dma_start3A_29 = arith.constant 0 : i32
      %dma_start3A_30 = tpu.memref_slice %arg7[%dma_start3A_28, %dma_start3A_29] : memref<40x128xi32, #tpu.memory_space<vmem>> -> memref<1x128xi32, #tpu.memory_space<vmem>>
      %dma_start3A_31 = tpu.memref_squeeze %dma_start3A_30 : memref<1x128xi32, #tpu.memory_space<vmem>> -> memref<128xi32, #tpu.memory_space<vmem>>
      %dma_start3A_32 = arith.constant 0 : i32
      %dma_start3A_33 = arith.constant 0 : i32
      %dma_start3A_34 = tpu.memref_slice %arg2[%dma_start3A_32, %dma_start3A_33] : memref<10000x128xf32, #tpu.memory_space<hbm>> -> memref<10000x128xf32, #tpu.memory_space<hbm>>
      tpu.enqueue_indirect_dma source(%dma_start3A_34 : memref<10000x128xf32, #tpu.memory_space<hbm>>) target(%arg10 : memref<128x128xf32, #tpu.memory_space<vmem>>) offsets(%dma_start3A_31 : memref<128xi32, #tpu.memory_space<vmem>>) semaphore(%arg13 : memref<!tpu.dma_semaphore, #tpu.memory_space<semaphore_mem>>)
      %scan3A_35 = arith.constant 0 : i32
      %scan3A_36 = arith.constant 0 : i32
      %scan3A_37 = arith.constant 20 : i32
      %scan3A_38 = arith.addi %scan3A_36, %scan3A_37 : i32
      %scan3A_39 = arith.constant 1 : i32
      scf.for %scan3A_41 = %scan3A_36 to %scan3A_38 step %scan3A_39  : i32 {
        %mul3A_42 = arith.constant 2 : i32
        %mul3A_43 = arith.muli %scan3A_41, %mul3A_42 : i32
        %add3A_44 = arith.constant 0 : i32
        %add3A_45 = arith.addi %mul3A_43, %add3A_44 : i32
        %dma_wait3A = arith.constant 0 : i32
        %dma_wait3A_46 = tpu.memref_slice %arg7[%add3A_45, %dma_wait3A] : memref<40x128xi32, #tpu.memory_space<vmem>> -> memref<1x128xi32, #tpu.memory_space<vmem>>
        %dma_wait3A_47 = tpu.memref_squeeze %dma_wait3A_46 : memref<1x128xi32, #tpu.memory_space<vmem>> -> memref<128xi32, #tpu.memory_space<vmem>>
        %dma_wait3A_48 = arith.constant 0 : i32
        %dma_wait3A_49 = arith.constant 0 : i32
        %dma_wait3A_50 = tpu.memref_slice %arg2[%dma_wait3A_48, %dma_wait3A_49] : memref<10000x128xf32, #tpu.memory_space<hbm>> -> memref<10000x128xf32, #tpu.memory_space<hbm>>
        tpu.wait_indirect_dma semaphore(%arg12 : memref<!tpu.dma_semaphore, #tpu.memory_space<semaphore_mem>>) src(%dma_wait3A_50 : memref<10000x128xf32, #tpu.memory_space<hbm>>) dst(%arg9 : memref<128x128xf32, #tpu.memory_space<vmem>>)
        %add3A_51 = arith.constant 0 : i32
        %add3A_52 = arith.addi %mul3A_43, %add3A_51 : i32
        "tpu.region"() ({
          %run_scoped3A = tpu.sem_alloc : memref<!tpu.dma_semaphore, #tpu.memory_space<semaphore_mem>>
          %dma_start3A_78 = arith.constant 0 : i32
          %dma_start3A_79 = tpu.memref_slice %arg8[%add3A_52, %dma_start3A_78] : memref<40x128xi32, #tpu.memory_space<vmem>> -> memref<1x128xi32, #tpu.memory_space<vmem>>
          %dma_start3A_80 = tpu.memref_squeeze %dma_start3A_79 : memref<1x128xi32, #tpu.memory_space<vmem>> -> memref<128xi32, #tpu.memory_space<vmem>>
          %dma_start3A_81 = arith.constant 0 : i32
          %dma_start3A_82 = arith.constant 0 : i32
          %dma_start3A_83 = tpu.memref_slice %arg11[%dma_start3A_81, %dma_start3A_82] : memref<10240x128xf32, #tpu.memory_space<vmem_shared>> -> memref<10240x128xf32, #tpu.memory_space<vmem_shared>>
          tpu.enqueue_indirect_dma source(%arg9 : memref<128x128xf32, #tpu.memory_space<vmem>>) target(%dma_start3A_83 : memref<10240x128xf32, #tpu.memory_space<vmem_shared>>) offsets(%dma_start3A_80 : memref<128xi32, #tpu.memory_space<vmem>>) semaphore(%run_scoped3A : memref<!tpu.dma_semaphore, #tpu.memory_space<semaphore_mem>>) {add = true}
          %dma_wait3A_84 = arith.constant 0 : i32
          %dma_wait3A_85 = tpu.memref_slice %arg8[%add3A_52, %dma_wait3A_84] : memref<40x128xi32, #tpu.memory_space<vmem>> -> memref<1x128xi32, #tpu.memory_space<vmem>>
          %dma_wait3A_86 = tpu.memref_squeeze %dma_wait3A_85 : memref<1x128xi32, #tpu.memory_space<vmem>> -> memref<128xi32, #tpu.memory_space<vmem>>
          %dma_wait3A_87 = arith.constant 0 : i32
          %dma_wait3A_88 = arith.constant 0 : i32
          %dma_wait3A_89 = tpu.memref_slice %arg11[%dma_wait3A_87, %dma_wait3A_88] : memref<10240x128xf32, #tpu.memory_space<vmem_shared>> -> memref<10240x128xf32, #tpu.memory_space<vmem_shared>>
          tpu.wait_indirect_dma semaphore(%run_scoped3A : memref<!tpu.dma_semaphore, #tpu.memory_space<semaphore_mem>>) src(%arg9 : memref<128x128xf32, #tpu.memory_space<vmem>>) dst(%dma_wait3A_89 : memref<10240x128xf32, #tpu.memory_space<vmem_shared>>)
          tpu.yield
        }) : () -> ()
        %add3A_53 = arith.constant 0 : i32
        %add3A_54 = arith.addi %mul3A_43, %add3A_53 : i32
        %add3A_55 = arith.constant 2 : i32
        %add3A_56 = arith.addi %add3A_54, %add3A_55 : i32
        %lt3A = arith.constant 40 : i32
        %lt3A_57 = arith.cmpi slt, %add3A_56, %lt3A : i32
        %convert_element_type3A = arith.extui %lt3A_57 : i1 to i32
        %cond3A = arith.constant 0 : i32
        %cond3A_58 = arith.cmpi ne, %convert_element_type3A, %cond3A : i32
        scf.if %cond3A_58 {
          %add3A_78 = arith.constant 0 : i32
          %add3A_79 = arith.addi %mul3A_43, %add3A_78 : i32
          %add3A_80 = arith.constant 2 : i32
          %add3A_81 = arith.addi %add3A_79, %add3A_80 : i32
          %dma_start3A_82 = arith.constant 0 : i32
          %dma_start3A_83 = tpu.memref_slice %arg7[%add3A_81, %dma_start3A_82] : memref<40x128xi32, #tpu.memory_space<vmem>> -> memref<1x128xi32, #tpu.memory_space<vmem>>
          %dma_start3A_84 = tpu.memref_squeeze %dma_start3A_83 : memref<1x128xi32, #tpu.memory_space<vmem>> -> memref<128xi32, #tpu.memory_space<vmem>>
          %dma_start3A_85 = arith.constant 0 : i32
          %dma_start3A_86 = arith.constant 0 : i32
          %dma_start3A_87 = tpu.memref_slice %arg2[%dma_start3A_85, %dma_start3A_86] : memref<10000x128xf32, #tpu.memory_space<hbm>> -> memref<10000x128xf32, #tpu.memory_space<hbm>>
          tpu.enqueue_indirect_dma source(%dma_start3A_87 : memref<10000x128xf32, #tpu.memory_space<hbm>>) target(%arg9 : memref<128x128xf32, #tpu.memory_space<vmem>>) offsets(%dma_start3A_84 : memref<128xi32, #tpu.memory_space<vmem>>) semaphore(%arg12 : memref<!tpu.dma_semaphore, #tpu.memory_space<semaphore_mem>>)
        } else {
        }
        %add3A_59 = arith.constant 1 : i32
        %add3A_60 = arith.addi %mul3A_43, %add3A_59 : i32
        %dma_wait3A_61 = arith.constant 0 : i32
        %dma_wait3A_62 = tpu.memref_slice %arg7[%add3A_60, %dma_wait3A_61] : memref<40x128xi32, #tpu.memory_space<vmem>> -> memref<1x128xi32, #tpu.memory_space<vmem>>
        %dma_wait3A_63 = tpu.memref_squeeze %dma_wait3A_62 : memref<1x128xi32, #tpu.memory_space<vmem>> -> memref<128xi32, #tpu.memory_space<vmem>>
        %dma_wait3A_64 = arith.constant 0 : i32
        %dma_wait3A_65 = arith.constant 0 : i32
        %dma_wait3A_66 = tpu.memref_slice %arg2[%dma_wait3A_64, %dma_wait3A_65] : memref<10000x128xf32, #tpu.memory_space<hbm>> -> memref<10000x128xf32, #tpu.memory_space<hbm>>
        tpu.wait_indirect_dma semaphore(%arg13 : memref<!tpu.dma_semaphore, #tpu.memory_space<semaphore_mem>>) src(%dma_wait3A_66 : memref<10000x128xf32, #tpu.memory_space<hbm>>) dst(%arg10 : memref<128x128xf32, #tpu.memory_space<vmem>>)
        %add3A_67 = arith.constant 1 : i32
        %add3A_68 = arith.addi %mul3A_43, %add3A_67 : i32
        "tpu.region"() ({
          %run_scoped3A = tpu.sem_alloc : memref<!tpu.dma_semaphore, #tpu.memory_space<semaphore_mem>>
          %dma_start3A_78 = arith.constant 0 : i32
          %dma_start3A_79 = tpu.memref_slice %arg8[%add3A_68, %dma_start3A_78] : memref<40x128xi32, #tpu.memory_space<vmem>> -> memref<1x128xi32, #tpu.memory_space<vmem>>
          %dma_start3A_80 = tpu.memref_squeeze %dma_start3A_79 : memref<1x128xi32, #tpu.memory_space<vmem>> -> memref<128xi32, #tpu.memory_space<vmem>>
          %dma_start3A_81 = arith.constant 0 : i32
          %dma_start3A_82 = arith.constant 0 : i32
          %dma_start3A_83 = tpu.memref_slice %arg11[%dma_start3A_81, %dma_start3A_82] : memref<10240x128xf32, #tpu.memory_space<vmem_shared>> -> memref<10240x128xf32, #tpu.memory_space<vmem_shared>>
          tpu.enqueue_indirect_dma source(%arg10 : memref<128x128xf32, #tpu.memory_space<vmem>>) target(%dma_start3A_83 : memref<10240x128xf32, #tpu.memory_space<vmem_shared>>) offsets(%dma_start3A_80 : memref<128xi32, #tpu.memory_space<vmem>>) semaphore(%run_scoped3A : memref<!tpu.dma_semaphore, #tpu.memory_space<semaphore_mem>>) {add = true}
          %dma_wait3A_84 = arith.constant 0 : i32
          %dma_wait3A_85 = tpu.memref_slice %arg8[%add3A_68, %dma_wait3A_84] : memref<40x128xi32, #tpu.memory_space<vmem>> -> memref<1x128xi32, #tpu.memory_space<vmem>>
          %dma_wait3A_86 = tpu.memref_squeeze %dma_wait3A_85 : memref<1x128xi32, #tpu.memory_space<vmem>> -> memref<128xi32, #tpu.memory_space<vmem>>
          %dma_wait3A_87 = arith.constant 0 : i32
          %dma_wait3A_88 = arith.constant 0 : i32
          %dma_wait3A_89 = tpu.memref_slice %arg11[%dma_wait3A_87, %dma_wait3A_88] : memref<10240x128xf32, #tpu.memory_space<vmem_shared>> -> memref<10240x128xf32, #tpu.memory_space<vmem_shared>>
          tpu.wait_indirect_dma semaphore(%run_scoped3A : memref<!tpu.dma_semaphore, #tpu.memory_space<semaphore_mem>>) src(%arg10 : memref<128x128xf32, #tpu.memory_space<vmem>>) dst(%dma_wait3A_89 : memref<10240x128xf32, #tpu.memory_space<vmem_shared>>)
          tpu.yield
        }) : () -> ()
        %add3A_69 = arith.constant 1 : i32
        %add3A_70 = arith.addi %mul3A_43, %add3A_69 : i32
        %add3A_71 = arith.constant 2 : i32
        %add3A_72 = arith.addi %add3A_70, %add3A_71 : i32
        %lt3A_73 = arith.constant 40 : i32
        %lt3A_74 = arith.cmpi slt, %add3A_72, %lt3A_73 : i32
        %convert_element_type3A_75 = arith.extui %lt3A_74 : i1 to i32
        %cond3A_76 = arith.constant 0 : i32
        %cond3A_77 = arith.cmpi ne, %convert_element_type3A_75, %cond3A_76 : i32
        scf.if %cond3A_77 {
          %add3A_78 = arith.constant 1 : i32
          %add3A_79 = arith.addi %mul3A_43, %add3A_78 : i32
          %add3A_80 = arith.constant 2 : i32
          %add3A_81 = arith.addi %add3A_79, %add3A_80 : i32
          %dma_start3A_82 = arith.constant 0 : i32
          %dma_start3A_83 = tpu.memref_slice %arg7[%add3A_81, %dma_start3A_82] : memref<40x128xi32, #tpu.memory_space<vmem>> -> memref<1x128xi32, #tpu.memory_space<vmem>>
          %dma_start3A_84 = tpu.memref_squeeze %dma_start3A_83 : memref<1x128xi32, #tpu.memory_space<vmem>> -> memref<128xi32, #tpu.memory_space<vmem>>
          %dma_start3A_85 = arith.constant 0 : i32
          %dma_start3A_86 = arith.constant 0 : i32
          %dma_start3A_87 = tpu.memref_slice %arg2[%dma_start3A_85, %dma_start3A_86] : memref<10000x128xf32, #tpu.memory_space<hbm>> -> memref<10000x128xf32, #tpu.memory_space<hbm>>
          tpu.enqueue_indirect_dma source(%dma_start3A_87 : memref<10000x128xf32, #tpu.memory_space<hbm>>) target(%arg10 : memref<128x128xf32, #tpu.memory_space<vmem>>) offsets(%dma_start3A_84 : memref<128xi32, #tpu.memory_space<vmem>>) semaphore(%arg13 : memref<!tpu.dma_semaphore, #tpu.memory_space<semaphore_mem>>)
        } else {
        }
      }
      %scan3A_40 = arith.constant 20 : i32
    }
    %scan3A_7 = arith.constant 2 : i32
    %barrier3A_8 = arith.constant 0 : index
    tpu.barrier barrier_id(%barrier3A_8)
    %mul3A_9 = arith.constant 640 : i32
    %mul3A_10 = arith.muli %arg1, %mul3A_9 : i32
    %mul3A_11 = arith.constant 10240 : i32
    %mul3A_12 = arith.muli %arg0, %mul3A_11 : i32
    %mul3A_13 = arith.constant 640 : i32
    %mul3A_14 = arith.muli %arg1, %mul3A_13 : i32
    %add3A_15 = arith.addi %mul3A_12, %mul3A_14 : i32
    "tpu.region"() ({
      %run_scoped3A = tpu.sem_alloc : memref<!tpu.dma_semaphore, #tpu.memory_space<semaphore_mem>>
      %dma_start3A = arith.constant 0 : i32
      %dma_start3A_16 = tpu.memref_slice %arg6[%add3A_15, %dma_start3A] : memref<20480x128xf32, #tpu.memory_space<hbm>> -> memref<640x128xf32, #tpu.memory_space<hbm>>
      %dma_start3A_17 = arith.constant 0 : i32
      %dma_start3A_18 = tpu.memref_slice %arg11[%mul3A_10, %dma_start3A_17] : memref<10240x128xf32, #tpu.memory_space<vmem_shared>> -> memref<640x128xf32, #tpu.memory_space<vmem_shared>>
      tpu.enqueue_dma source(%dma_start3A_18 : memref<640x128xf32, #tpu.memory_space<vmem_shared>>) target(%dma_start3A_16 : memref<640x128xf32, #tpu.memory_space<hbm>>) target_semaphore(%run_scoped3A : memref<!tpu.dma_semaphore, #tpu.memory_space<semaphore_mem>>)
      %dma_wait3A = arith.constant 0 : i32
      %dma_wait3A_19 = tpu.memref_slice %arg6[%add3A_15, %dma_wait3A] : memref<20480x128xf32, #tpu.memory_space<hbm>> -> memref<640x128xf32, #tpu.memory_space<hbm>>
      %dma_wait3A_20 = arith.constant 0 : i32
      %dma_wait3A_21 = tpu.memref_slice %arg11[%mul3A_10, %dma_wait3A_20] : memref<10240x128xf32, #tpu.memory_space<vmem_shared>> -> memref<640x128xf32, #tpu.memory_space<vmem_shared>>
      tpu.wait_dma2 semaphore(%run_scoped3A : memref<!tpu.dma_semaphore, #tpu.memory_space<semaphore_mem>>) src(%dma_wait3A_21 : memref<640x128xf32, #tpu.memory_space<vmem_shared>>) dst(%dma_wait3A_19 : memref<640x128xf32, #tpu.memory_space<hbm>>)
      tpu.yield
    }) : () -> ()
    return
  }
}

#map = affine_map<(d0, d1) -> (0, 0)>
module attributes {stable_mosaic.version = 14 : i64} {
  func.func @_deg_body(%arg0: i32, %arg1: i32, %arg2: memref<2560x128xi32, #tpu.memory_space<hbm>>, %arg3: memref<128x128xf32, #tpu.memory_space<hbm>>, %arg4: memref<640x128xf32, #tpu.memory_space<hbm>>, %arg5: memref<20480x128xf32, #tpu.memory_space<hbm>>, %arg6: memref<40x128xi32, #tpu.memory_space<vmem>>, %arg7: memref<128x128xf32, #tpu.memory_space<vmem>>, %arg8: memref<10240x128xf32, #tpu.memory_space<vmem_shared>>) attributes {dimension_semantics = [#tpu.dimension_semantics<core_parallel>, #tpu.dimension_semantics<subcore_parallel>], iteration_bounds = array<i64: 2, 16>, scalar_prefetch = 0 : i64, scratch_operands = 3 : i64, tpu.core_type = #tpu.core_type<sc_vector_subcore>, window_params = [{transform_indices = #map}, {transform_indices = #map}, {transform_indices = #map}, {transform_indices = #map}]} {
    %mul3A = arith.constant 16 : i32
    %mul3A_0 = arith.muli %arg0, %mul3A : i32
    %add3A = arith.addi %mul3A_0, %arg1 : i32
    %mul3A_1 = arith.constant 640 : i32
    %mul3A_2 = arith.muli %arg1, %mul3A_1 : i32
    "tpu.region"() ({
      %run_scoped3A = tpu.sem_alloc : memref<!tpu.dma_semaphore, #tpu.memory_space<semaphore_mem>>
      %dma_start3A = arith.constant 0 : i32
      %dma_start3A_30 = tpu.memref_slice %arg8[%mul3A_2, %dma_start3A] : memref<10240x128xf32, #tpu.memory_space<vmem_shared>> -> memref<640x128xf32, #tpu.memory_space<vmem_shared>>
      tpu.enqueue_dma source(%arg4 : memref<640x128xf32, #tpu.memory_space<hbm>>) target(%dma_start3A_30 : memref<640x128xf32, #tpu.memory_space<vmem_shared>>) target_semaphore(%run_scoped3A : memref<!tpu.dma_semaphore, #tpu.memory_space<semaphore_mem>>)
      %dma_wait3A = arith.constant 0 : i32
      %dma_wait3A_31 = tpu.memref_slice %arg8[%mul3A_2, %dma_wait3A] : memref<10240x128xf32, #tpu.memory_space<vmem_shared>> -> memref<640x128xf32, #tpu.memory_space<vmem_shared>>
      tpu.wait_dma2 semaphore(%run_scoped3A : memref<!tpu.dma_semaphore, #tpu.memory_space<semaphore_mem>>) src(%arg4 : memref<640x128xf32, #tpu.memory_space<hbm>>) dst(%dma_wait3A_31 : memref<640x128xf32, #tpu.memory_space<vmem_shared>>)
      tpu.yield
    }) : () -> ()
    "tpu.region"() ({
      %run_scoped3A = tpu.sem_alloc : memref<!tpu.dma_semaphore, #tpu.memory_space<semaphore_mem>>
      tpu.enqueue_dma source(%arg3 : memref<128x128xf32, #tpu.memory_space<hbm>>) target(%arg7 : memref<128x128xf32, #tpu.memory_space<vmem>>) target_semaphore(%run_scoped3A : memref<!tpu.dma_semaphore, #tpu.memory_space<semaphore_mem>>)
      tpu.wait_dma2 semaphore(%run_scoped3A : memref<!tpu.dma_semaphore, #tpu.memory_space<semaphore_mem>>) src(%arg3 : memref<128x128xf32, #tpu.memory_space<hbm>>) dst(%arg7 : memref<128x128xf32, #tpu.memory_space<vmem>>)
      tpu.yield
    }) : () -> ()
    %barrier3A = arith.constant 0 : index
    tpu.barrier barrier_id(%barrier3A)
    %mul3A_3 = arith.constant 80 : i32
    %mul3A_4 = arith.muli %add3A, %mul3A_3 : i32
    %add3A_5 = arith.constant 0 : i32
    %add3A_6 = arith.addi %mul3A_4, %add3A_5 : i32
    "tpu.region"() ({
      %run_scoped3A = tpu.sem_alloc : memref<!tpu.dma_semaphore, #tpu.memory_space<semaphore_mem>>
      %dma_start3A = arith.constant 0 : i32
      %dma_start3A_30 = tpu.memref_slice %arg2[%add3A_6, %dma_start3A] : memref<2560x128xi32, #tpu.memory_space<hbm>> -> memref<40x128xi32, #tpu.memory_space<hbm>>
      %dma_start3A_31 = arith.constant 0 : i32
      %dma_start3A_32 = tpu.memref_slice %arg2[%add3A_6, %dma_start3A_31] : memref<2560x128xi32, #tpu.memory_space<hbm>> -> memref<40x128xi32, #tpu.memory_space<hbm>>
      tpu.enqueue_dma source(%dma_start3A_32 : memref<40x128xi32, #tpu.memory_space<hbm>>) target(%arg6 : memref<40x128xi32, #tpu.memory_space<vmem>>) target_semaphore(%run_scoped3A : memref<!tpu.dma_semaphore, #tpu.memory_space<semaphore_mem>>)
      %dma_wait3A = arith.constant 0 : i32
      %dma_wait3A_33 = tpu.memref_slice %arg2[%add3A_6, %dma_wait3A] : memref<2560x128xi32, #tpu.memory_space<hbm>> -> memref<40x128xi32, #tpu.memory_space<hbm>>
      %dma_wait3A_34 = arith.constant 0 : i32
      %dma_wait3A_35 = tpu.memref_slice %arg2[%add3A_6, %dma_wait3A_34] : memref<2560x128xi32, #tpu.memory_space<hbm>> -> memref<40x128xi32, #tpu.memory_space<hbm>>
      tpu.wait_dma2 semaphore(%run_scoped3A : memref<!tpu.dma_semaphore, #tpu.memory_space<semaphore_mem>>) src(%dma_wait3A_35 : memref<40x128xi32, #tpu.memory_space<hbm>>) dst(%arg6 : memref<40x128xi32, #tpu.memory_space<vmem>>)
      tpu.yield
    }) : () -> ()
    %scan3A = arith.constant 0 : i32
    %scan3A_7 = arith.constant 0 : i32
    %scan3A_8 = arith.constant 40 : i32
    %scan3A_9 = arith.addi %scan3A_7, %scan3A_8 : i32
    %scan3A_10 = arith.constant 1 : i32
    scf.for %scan3A_30 = %scan3A_7 to %scan3A_9 step %scan3A_10  : i32 {
      "tpu.region"() ({
        %run_scoped3A = tpu.sem_alloc : memref<!tpu.dma_semaphore, #tpu.memory_space<semaphore_mem>>
        %dma_start3A = arith.constant 0 : i32
        %dma_start3A_31 = tpu.memref_slice %arg6[%scan3A_30, %dma_start3A] : memref<40x128xi32, #tpu.memory_space<vmem>> -> memref<1x128xi32, #tpu.memory_space<vmem>>
        %dma_start3A_32 = tpu.memref_squeeze %dma_start3A_31 : memref<1x128xi32, #tpu.memory_space<vmem>> -> memref<128xi32, #tpu.memory_space<vmem>>
        %dma_start3A_33 = arith.constant 0 : i32
        %dma_start3A_34 = arith.constant 0 : i32
        %dma_start3A_35 = tpu.memref_slice %arg8[%dma_start3A_33, %dma_start3A_34] : memref<10240x128xf32, #tpu.memory_space<vmem_shared>> -> memref<10240x128xf32, #tpu.memory_space<vmem_shared>>
        tpu.enqueue_indirect_dma source(%arg7 : memref<128x128xf32, #tpu.memory_space<vmem>>) target(%dma_start3A_35 : memref<10240x128xf32, #tpu.memory_space<vmem_shared>>) offsets(%dma_start3A_32 : memref<128xi32, #tpu.memory_space<vmem>>) semaphore(%run_scoped3A : memref<!tpu.dma_semaphore, #tpu.memory_space<semaphore_mem>>) {add = true}
        %dma_wait3A = arith.constant 0 : i32
        %dma_wait3A_36 = tpu.memref_slice %arg6[%scan3A_30, %dma_wait3A] : memref<40x128xi32, #tpu.memory_space<vmem>> -> memref<1x128xi32, #tpu.memory_space<vmem>>
        %dma_wait3A_37 = tpu.memref_squeeze %dma_wait3A_36 : memref<1x128xi32, #tpu.memory_space<vmem>> -> memref<128xi32, #tpu.memory_space<vmem>>
        %dma_wait3A_38 = arith.constant 0 : i32
        %dma_wait3A_39 = arith.constant 0 : i32
        %dma_wait3A_40 = tpu.memref_slice %arg8[%dma_wait3A_38, %dma_wait3A_39] : memref<10240x128xf32, #tpu.memory_space<vmem_shared>> -> memref<10240x128xf32, #tpu.memory_space<vmem_shared>>
        tpu.wait_indirect_dma semaphore(%run_scoped3A : memref<!tpu.dma_semaphore, #tpu.memory_space<semaphore_mem>>) src(%arg7 : memref<128x128xf32, #tpu.memory_space<vmem>>) dst(%dma_wait3A_40 : memref<10240x128xf32, #tpu.memory_space<vmem_shared>>)
        tpu.yield
      }) : () -> ()
    }
    %scan3A_11 = arith.constant 40 : i32
    %mul3A_12 = arith.constant 80 : i32
    %mul3A_13 = arith.muli %add3A, %mul3A_12 : i32
    %add3A_14 = arith.constant 40 : i32
    %add3A_15 = arith.addi %mul3A_13, %add3A_14 : i32
    "tpu.region"() ({
      %run_scoped3A = tpu.sem_alloc : memref<!tpu.dma_semaphore, #tpu.memory_space<semaphore_mem>>
      %dma_start3A = arith.constant 0 : i32
      %dma_start3A_30 = tpu.memref_slice %arg2[%add3A_15, %dma_start3A] : memref<2560x128xi32, #tpu.memory_space<hbm>> -> memref<40x128xi32, #tpu.memory_space<hbm>>
      %dma_start3A_31 = arith.constant 0 : i32
      %dma_start3A_32 = tpu.memref_slice %arg2[%add3A_15, %dma_start3A_31] : memref<2560x128xi32, #tpu.memory_space<hbm>> -> memref<40x128xi32, #tpu.memory_space<hbm>>
      tpu.enqueue_dma source(%dma_start3A_32 : memref<40x128xi32, #tpu.memory_space<hbm>>) target(%arg6 : memref<40x128xi32, #tpu.memory_space<vmem>>) target_semaphore(%run_scoped3A : memref<!tpu.dma_semaphore, #tpu.memory_space<semaphore_mem>>)
      %dma_wait3A = arith.constant 0 : i32
      %dma_wait3A_33 = tpu.memref_slice %arg2[%add3A_15, %dma_wait3A] : memref<2560x128xi32, #tpu.memory_space<hbm>> -> memref<40x128xi32, #tpu.memory_space<hbm>>
      %dma_wait3A_34 = arith.constant 0 : i32
      %dma_wait3A_35 = tpu.memref_slice %arg2[%add3A_15, %dma_wait3A_34] : memref<2560x128xi32, #tpu.memory_space<hbm>> -> memref<40x128xi32, #tpu.memory_space<hbm>>
      tpu.wait_dma2 semaphore(%run_scoped3A : memref<!tpu.dma_semaphore, #tpu.memory_space<semaphore_mem>>) src(%dma_wait3A_35 : memref<40x128xi32, #tpu.memory_space<hbm>>) dst(%arg6 : memref<40x128xi32, #tpu.memory_space<vmem>>)
      tpu.yield
    }) : () -> ()
    %scan3A_16 = arith.constant 0 : i32
    %scan3A_17 = arith.constant 0 : i32
    %scan3A_18 = arith.constant 40 : i32
    %scan3A_19 = arith.addi %scan3A_17, %scan3A_18 : i32
    %scan3A_20 = arith.constant 1 : i32
    scf.for %scan3A_30 = %scan3A_17 to %scan3A_19 step %scan3A_20  : i32 {
      "tpu.region"() ({
        %run_scoped3A = tpu.sem_alloc : memref<!tpu.dma_semaphore, #tpu.memory_space<semaphore_mem>>
        %dma_start3A = arith.constant 0 : i32
        %dma_start3A_31 = tpu.memref_slice %arg6[%scan3A_30, %dma_start3A] : memref<40x128xi32, #tpu.memory_space<vmem>> -> memref<1x128xi32, #tpu.memory_space<vmem>>
        %dma_start3A_32 = tpu.memref_squeeze %dma_start3A_31 : memref<1x128xi32, #tpu.memory_space<vmem>> -> memref<128xi32, #tpu.memory_space<vmem>>
        %dma_start3A_33 = arith.constant 0 : i32
        %dma_start3A_34 = arith.constant 0 : i32
        %dma_start3A_35 = tpu.memref_slice %arg8[%dma_start3A_33, %dma_start3A_34] : memref<10240x128xf32, #tpu.memory_space<vmem_shared>> -> memref<10240x128xf32, #tpu.memory_space<vmem_shared>>
        tpu.enqueue_indirect_dma source(%arg7 : memref<128x128xf32, #tpu.memory_space<vmem>>) target(%dma_start3A_35 : memref<10240x128xf32, #tpu.memory_space<vmem_shared>>) offsets(%dma_start3A_32 : memref<128xi32, #tpu.memory_space<vmem>>) semaphore(%run_scoped3A : memref<!tpu.dma_semaphore, #tpu.memory_space<semaphore_mem>>) {add = true}
        %dma_wait3A = arith.constant 0 : i32
        %dma_wait3A_36 = tpu.memref_slice %arg6[%scan3A_30, %dma_wait3A] : memref<40x128xi32, #tpu.memory_space<vmem>> -> memref<1x128xi32, #tpu.memory_space<vmem>>
        %dma_wait3A_37 = tpu.memref_squeeze %dma_wait3A_36 : memref<1x128xi32, #tpu.memory_space<vmem>> -> memref<128xi32, #tpu.memory_space<vmem>>
        %dma_wait3A_38 = arith.constant 0 : i32
        %dma_wait3A_39 = arith.constant 0 : i32
        %dma_wait3A_40 = tpu.memref_slice %arg8[%dma_wait3A_38, %dma_wait3A_39] : memref<10240x128xf32, #tpu.memory_space<vmem_shared>> -> memref<10240x128xf32, #tpu.memory_space<vmem_shared>>
        tpu.wait_indirect_dma semaphore(%run_scoped3A : memref<!tpu.dma_semaphore, #tpu.memory_space<semaphore_mem>>) src(%arg7 : memref<128x128xf32, #tpu.memory_space<vmem>>) dst(%dma_wait3A_40 : memref<10240x128xf32, #tpu.memory_space<vmem_shared>>)
        tpu.yield
      }) : () -> ()
    }
    %scan3A_21 = arith.constant 40 : i32
    %barrier3A_22 = arith.constant 0 : index
    tpu.barrier barrier_id(%barrier3A_22)
    %mul3A_23 = arith.constant 640 : i32
    %mul3A_24 = arith.muli %arg1, %mul3A_23 : i32
    %mul3A_25 = arith.constant 10240 : i32
    %mul3A_26 = arith.muli %arg0, %mul3A_25 : i32
    %mul3A_27 = arith.constant 640 : i32
    %mul3A_28 = arith.muli %arg1, %mul3A_27 : i32
    %add3A_29 = arith.addi %mul3A_26, %mul3A_28 : i32
    "tpu.region"() ({
      %run_scoped3A = tpu.sem_alloc : memref<!tpu.dma_semaphore, #tpu.memory_space<semaphore_mem>>
      %dma_start3A = arith.constant 0 : i32
      %dma_start3A_30 = tpu.memref_slice %arg5[%add3A_29, %dma_start3A] : memref<20480x128xf32, #tpu.memory_space<hbm>> -> memref<640x128xf32, #tpu.memory_space<hbm>>
      %dma_start3A_31 = arith.constant 0 : i32
      %dma_start3A_32 = tpu.memref_slice %arg8[%mul3A_24, %dma_start3A_31] : memref<10240x128xf32, #tpu.memory_space<vmem_shared>> -> memref<640x128xf32, #tpu.memory_space<vmem_shared>>
      tpu.enqueue_dma source(%dma_start3A_32 : memref<640x128xf32, #tpu.memory_space<vmem_shared>>) target(%dma_start3A_30 : memref<640x128xf32, #tpu.memory_space<hbm>>) target_semaphore(%run_scoped3A : memref<!tpu.dma_semaphore, #tpu.memory_space<semaphore_mem>>)
      %dma_wait3A = arith.constant 0 : i32
      %dma_wait3A_33 = tpu.memref_slice %arg5[%add3A_29, %dma_wait3A] : memref<20480x128xf32, #tpu.memory_space<hbm>> -> memref<640x128xf32, #tpu.memory_space<hbm>>
      %dma_wait3A_34 = arith.constant 0 : i32
      %dma_wait3A_35 = tpu.memref_slice %arg8[%mul3A_24, %dma_wait3A_34] : memref<10240x128xf32, #tpu.memory_space<vmem_shared>> -> memref<640x128xf32, #tpu.memory_space<vmem_shared>>
      tpu.wait_dma2 semaphore(%run_scoped3A : memref<!tpu.dma_semaphore, #tpu.memory_space<semaphore_mem>>) src(%dma_wait3A_35 : memref<640x128xf32, #tpu.memory_space<vmem_shared>>) dst(%dma_wait3A_33 : memref<640x128xf32, #tpu.memory_space<hbm>>)
      tpu.yield
    }) : () -> ()
    return
  }
}

#map = affine_map<(d0, d1) -> (0, 0)>
module attributes {stable_mosaic.version = 14 : i64} {
  func.func @_agg_body(%arg0: i32, %arg1: i32, %arg2: memref<10000x128xf32, #tpu.memory_space<hbm>>, %arg3: memref<2560x128xi32, #tpu.memory_space<hbm>>, %arg4: memref<2560x128xi32, #tpu.memory_space<hbm>>, %arg5: memref<640x128xf32, #tpu.memory_space<hbm>>, %arg6: memref<20480x128xf32, #tpu.memory_space<hbm>>, %arg7: memref<40x128xi32, #tpu.memory_space<vmem>>, %arg8: memref<40x128xi32, #tpu.memory_space<vmem>>, %arg9: memref<128x128xf32, #tpu.memory_space<vmem>>, %arg10: memref<128x128xf32, #tpu.memory_space<vmem>>, %arg11: memref<10240x128xf32, #tpu.memory_space<vmem_shared>>, %arg12: memref<!tpu.dma_semaphore, #tpu.memory_space<semaphore_mem>>, %arg13: memref<!tpu.dma_semaphore, #tpu.memory_space<semaphore_mem>>) attributes {dimension_semantics = [#tpu.dimension_semantics<core_parallel>, #tpu.dimension_semantics<subcore_parallel>], iteration_bounds = array<i64: 2, 16>, scalar_prefetch = 0 : i64, scratch_operands = 7 : i64, tpu.core_type = #tpu.core_type<sc_vector_subcore>, window_params = [{transform_indices = #map}, {transform_indices = #map}, {transform_indices = #map}, {transform_indices = #map}, {transform_indices = #map}]} {
    %mul3A = arith.constant 16 : i32
    %mul3A_0 = arith.muli %arg0, %mul3A : i32
    %add3A = arith.addi %mul3A_0, %arg1 : i32
    %mul3A_1 = arith.constant 640 : i32
    %mul3A_2 = arith.muli %arg1, %mul3A_1 : i32
    "tpu.region"() ({
      %run_scoped3A = tpu.sem_alloc : memref<!tpu.dma_semaphore, #tpu.memory_space<semaphore_mem>>
      %dma_start3A = arith.constant 0 : i32
      %dma_start3A_16 = tpu.memref_slice %arg11[%mul3A_2, %dma_start3A] : memref<10240x128xf32, #tpu.memory_space<vmem_shared>> -> memref<640x128xf32, #tpu.memory_space<vmem_shared>>
      tpu.enqueue_dma source(%arg5 : memref<640x128xf32, #tpu.memory_space<hbm>>) target(%dma_start3A_16 : memref<640x128xf32, #tpu.memory_space<vmem_shared>>) target_semaphore(%run_scoped3A : memref<!tpu.dma_semaphore, #tpu.memory_space<semaphore_mem>>)
      %dma_wait3A = arith.constant 0 : i32
      %dma_wait3A_17 = tpu.memref_slice %arg11[%mul3A_2, %dma_wait3A] : memref<10240x128xf32, #tpu.memory_space<vmem_shared>> -> memref<640x128xf32, #tpu.memory_space<vmem_shared>>
      tpu.wait_dma2 semaphore(%run_scoped3A : memref<!tpu.dma_semaphore, #tpu.memory_space<semaphore_mem>>) src(%arg5 : memref<640x128xf32, #tpu.memory_space<hbm>>) dst(%dma_wait3A_17 : memref<640x128xf32, #tpu.memory_space<vmem_shared>>)
      tpu.yield
    }) : () -> ()
    %barrier3A = arith.constant 0 : index
    tpu.barrier barrier_id(%barrier3A)
    %scan3A = arith.constant 0 : i32
    %scan3A_3 = arith.constant 0 : i32
    %scan3A_4 = arith.constant 2 : i32
    %scan3A_5 = arith.addi %scan3A_3, %scan3A_4 : i32
    %scan3A_6 = arith.constant 1 : i32
    scf.for %scan3A_16 = %scan3A_3 to %scan3A_5 step %scan3A_6  : i32 {
      %mul3A_17 = arith.constant 80 : i32
      %mul3A_18 = arith.muli %add3A, %mul3A_17 : i32
      %mul3A_19 = arith.constant 40 : i32
      %mul3A_20 = arith.muli %scan3A_16, %mul3A_19 : i32
      %add3A_21 = arith.addi %mul3A_18, %mul3A_20 : i32
      "tpu.region"() ({
        %run_scoped3A = tpu.sem_alloc : memref<!tpu.dma_semaphore, #tpu.memory_space<semaphore_mem>>
        %dma_start3A_41 = arith.constant 0 : i32
        %dma_start3A_42 = tpu.memref_slice %arg3[%add3A_21, %dma_start3A_41] : memref<2560x128xi32, #tpu.memory_space<hbm>> -> memref<40x128xi32, #tpu.memory_space<hbm>>
        %dma_start3A_43 = arith.constant 0 : i32
        %dma_start3A_44 = tpu.memref_slice %arg3[%add3A_21, %dma_start3A_43] : memref<2560x128xi32, #tpu.memory_space<hbm>> -> memref<40x128xi32, #tpu.memory_space<hbm>>
        tpu.enqueue_dma source(%dma_start3A_44 : memref<40x128xi32, #tpu.memory_space<hbm>>) target(%arg7 : memref<40x128xi32, #tpu.memory_space<vmem>>) target_semaphore(%run_scoped3A : memref<!tpu.dma_semaphore, #tpu.memory_space<semaphore_mem>>)
        %dma_wait3A = arith.constant 0 : i32
        %dma_wait3A_45 = tpu.memref_slice %arg3[%add3A_21, %dma_wait3A] : memref<2560x128xi32, #tpu.memory_space<hbm>> -> memref<40x128xi32, #tpu.memory_space<hbm>>
        %dma_wait3A_46 = arith.constant 0 : i32
        %dma_wait3A_47 = tpu.memref_slice %arg3[%add3A_21, %dma_wait3A_46] : memref<2560x128xi32, #tpu.memory_space<hbm>> -> memref<40x128xi32, #tpu.memory_space<hbm>>
        tpu.wait_dma2 semaphore(%run_scoped3A : memref<!tpu.dma_semaphore, #tpu.memory_space<semaphore_mem>>) src(%dma_wait3A_47 : memref<40x128xi32, #tpu.memory_space<hbm>>) dst(%arg7 : memref<40x128xi32, #tpu.memory_space<vmem>>)
        tpu.yield
      }) : () -> ()
      "tpu.region"() ({
        %run_scoped3A = tpu.sem_alloc : memref<!tpu.dma_semaphore, #tpu.memory_space<semaphore_mem>>
        %dma_start3A_41 = arith.constant 0 : i32
        %dma_start3A_42 = tpu.memref_slice %arg4[%add3A_21, %dma_start3A_41] : memref<2560x128xi32, #tpu.memory_space<hbm>> -> memref<40x128xi32, #tpu.memory_space<hbm>>
        %dma_start3A_43 = arith.constant 0 : i32
        %dma_start3A_44 = tpu.memref_slice %arg4[%add3A_21, %dma_start3A_43] : memref<2560x128xi32, #tpu.memory_space<hbm>> -> memref<40x128xi32, #tpu.memory_space<hbm>>
        tpu.enqueue_dma source(%dma_start3A_44 : memref<40x128xi32, #tpu.memory_space<hbm>>) target(%arg8 : memref<40x128xi32, #tpu.memory_space<vmem>>) target_semaphore(%run_scoped3A : memref<!tpu.dma_semaphore, #tpu.memory_space<semaphore_mem>>)
        %dma_wait3A = arith.constant 0 : i32
        %dma_wait3A_45 = tpu.memref_slice %arg4[%add3A_21, %dma_wait3A] : memref<2560x128xi32, #tpu.memory_space<hbm>> -> memref<40x128xi32, #tpu.memory_space<hbm>>
        %dma_wait3A_46 = arith.constant 0 : i32
        %dma_wait3A_47 = tpu.memref_slice %arg4[%add3A_21, %dma_wait3A_46] : memref<2560x128xi32, #tpu.memory_space<hbm>> -> memref<40x128xi32, #tpu.memory_space<hbm>>
        tpu.wait_dma2 semaphore(%run_scoped3A : memref<!tpu.dma_semaphore, #tpu.memory_space<semaphore_mem>>) src(%dma_wait3A_47 : memref<40x128xi32, #tpu.memory_space<hbm>>) dst(%arg8 : memref<40x128xi32, #tpu.memory_space<vmem>>)
        tpu.yield
      }) : () -> ()
      %dma_start3A = arith.constant 0 : i32
      %dma_start3A_22 = arith.constant 0 : i32
      %dma_start3A_23 = tpu.memref_slice %arg7[%dma_start3A, %dma_start3A_22] : memref<40x128xi32, #tpu.memory_space<vmem>> -> memref<1x128xi32, #tpu.memory_space<vmem>>
      %dma_start3A_24 = tpu.memref_squeeze %dma_start3A_23 : memref<1x128xi32, #tpu.memory_space<vmem>> -> memref<128xi32, #tpu.memory_space<vmem>>
      %dma_start3A_25 = arith.constant 0 : i32
      %dma_start3A_26 = arith.constant 0 : i32
      %dma_start3A_27 = tpu.memref_slice %arg2[%dma_start3A_25, %dma_start3A_26] : memref<10000x128xf32, #tpu.memory_space<hbm>> -> memref<10000x128xf32, #tpu.memory_space<hbm>>
      tpu.enqueue_indirect_dma source(%dma_start3A_27 : memref<10000x128xf32, #tpu.memory_space<hbm>>) target(%arg9 : memref<128x128xf32, #tpu.memory_space<vmem>>) offsets(%dma_start3A_24 : memref<128xi32, #tpu.memory_space<vmem>>) semaphore(%arg12 : memref<!tpu.dma_semaphore, #tpu.memory_space<semaphore_mem>>)
      %dma_start3A_28 = arith.constant 1 : i32
      %dma_start3A_29 = arith.constant 0 : i32
      %dma_start3A_30 = tpu.memref_slice %arg7[%dma_start3A_28, %dma_start3A_29] : memref<40x128xi32, #tpu.memory_space<vmem>> -> memref<1x128xi32, #tpu.memory_space<vmem>>
      %dma_start3A_31 = tpu.memref_squeeze %dma_start3A_30 : memref<1x128xi32, #tpu.memory_space<vmem>> -> memref<128xi32, #tpu.memory_space<vmem>>
      %dma_start3A_32 = arith.constant 0 : i32
      %dma_start3A_33 = arith.constant 0 : i32
      %dma_start3A_34 = tpu.memref_slice %arg2[%dma_start3A_32, %dma_start3A_33] : memref<10000x128xf32, #tpu.memory_space<hbm>> -> memref<10000x128xf32, #tpu.memory_space<hbm>>
      tpu.enqueue_indirect_dma source(%dma_start3A_34 : memref<10000x128xf32, #tpu.memory_space<hbm>>) target(%arg10 : memref<128x128xf32, #tpu.memory_space<vmem>>) offsets(%dma_start3A_31 : memref<128xi32, #tpu.memory_space<vmem>>) semaphore(%arg13 : memref<!tpu.dma_semaphore, #tpu.memory_space<semaphore_mem>>)
      %scan3A_35 = arith.constant 0 : i32
      %scan3A_36 = arith.constant 0 : i32
      %scan3A_37 = arith.constant 20 : i32
      %scan3A_38 = arith.addi %scan3A_36, %scan3A_37 : i32
      %scan3A_39 = arith.constant 1 : i32
      scf.for %scan3A_41 = %scan3A_36 to %scan3A_38 step %scan3A_39  : i32 {
        %mul3A_42 = arith.constant 2 : i32
        %mul3A_43 = arith.muli %scan3A_41, %mul3A_42 : i32
        %add3A_44 = arith.constant 0 : i32
        %add3A_45 = arith.addi %mul3A_43, %add3A_44 : i32
        %dma_wait3A = arith.constant 0 : i32
        %dma_wait3A_46 = tpu.memref_slice %arg7[%add3A_45, %dma_wait3A] : memref<40x128xi32, #tpu.memory_space<vmem>> -> memref<1x128xi32, #tpu.memory_space<vmem>>
        %dma_wait3A_47 = tpu.memref_squeeze %dma_wait3A_46 : memref<1x128xi32, #tpu.memory_space<vmem>> -> memref<128xi32, #tpu.memory_space<vmem>>
        %dma_wait3A_48 = arith.constant 0 : i32
        %dma_wait3A_49 = arith.constant 0 : i32
        %dma_wait3A_50 = tpu.memref_slice %arg2[%dma_wait3A_48, %dma_wait3A_49] : memref<10000x128xf32, #tpu.memory_space<hbm>> -> memref<10000x128xf32, #tpu.memory_space<hbm>>
        tpu.wait_indirect_dma semaphore(%arg12 : memref<!tpu.dma_semaphore, #tpu.memory_space<semaphore_mem>>) src(%dma_wait3A_50 : memref<10000x128xf32, #tpu.memory_space<hbm>>) dst(%arg9 : memref<128x128xf32, #tpu.memory_space<vmem>>)
        %add3A_51 = arith.constant 0 : i32
        %add3A_52 = arith.addi %mul3A_43, %add3A_51 : i32
        "tpu.region"() ({
          %run_scoped3A = tpu.sem_alloc : memref<!tpu.dma_semaphore, #tpu.memory_space<semaphore_mem>>
          %dma_start3A_78 = arith.constant 0 : i32
          %dma_start3A_79 = tpu.memref_slice %arg8[%add3A_52, %dma_start3A_78] : memref<40x128xi32, #tpu.memory_space<vmem>> -> memref<1x128xi32, #tpu.memory_space<vmem>>
          %dma_start3A_80 = tpu.memref_squeeze %dma_start3A_79 : memref<1x128xi32, #tpu.memory_space<vmem>> -> memref<128xi32, #tpu.memory_space<vmem>>
          %dma_start3A_81 = arith.constant 0 : i32
          %dma_start3A_82 = arith.constant 0 : i32
          %dma_start3A_83 = tpu.memref_slice %arg11[%dma_start3A_81, %dma_start3A_82] : memref<10240x128xf32, #tpu.memory_space<vmem_shared>> -> memref<10240x128xf32, #tpu.memory_space<vmem_shared>>
          tpu.enqueue_indirect_dma source(%arg9 : memref<128x128xf32, #tpu.memory_space<vmem>>) target(%dma_start3A_83 : memref<10240x128xf32, #tpu.memory_space<vmem_shared>>) offsets(%dma_start3A_80 : memref<128xi32, #tpu.memory_space<vmem>>) semaphore(%run_scoped3A : memref<!tpu.dma_semaphore, #tpu.memory_space<semaphore_mem>>) {add = true}
          %dma_wait3A_84 = arith.constant 0 : i32
          %dma_wait3A_85 = tpu.memref_slice %arg8[%add3A_52, %dma_wait3A_84] : memref<40x128xi32, #tpu.memory_space<vmem>> -> memref<1x128xi32, #tpu.memory_space<vmem>>
          %dma_wait3A_86 = tpu.memref_squeeze %dma_wait3A_85 : memref<1x128xi32, #tpu.memory_space<vmem>> -> memref<128xi32, #tpu.memory_space<vmem>>
          %dma_wait3A_87 = arith.constant 0 : i32
          %dma_wait3A_88 = arith.constant 0 : i32
          %dma_wait3A_89 = tpu.memref_slice %arg11[%dma_wait3A_87, %dma_wait3A_88] : memref<10240x128xf32, #tpu.memory_space<vmem_shared>> -> memref<10240x128xf32, #tpu.memory_space<vmem_shared>>
          tpu.wait_indirect_dma semaphore(%run_scoped3A : memref<!tpu.dma_semaphore, #tpu.memory_space<semaphore_mem>>) src(%arg9 : memref<128x128xf32, #tpu.memory_space<vmem>>) dst(%dma_wait3A_89 : memref<10240x128xf32, #tpu.memory_space<vmem_shared>>)
          tpu.yield
        }) : () -> ()
        %add3A_53 = arith.constant 0 : i32
        %add3A_54 = arith.addi %mul3A_43, %add3A_53 : i32
        %add3A_55 = arith.constant 2 : i32
        %add3A_56 = arith.addi %add3A_54, %add3A_55 : i32
        %lt3A = arith.constant 40 : i32
        %lt3A_57 = arith.cmpi slt, %add3A_56, %lt3A : i32
        %convert_element_type3A = arith.extui %lt3A_57 : i1 to i32
        %cond3A = arith.constant 0 : i32
        %cond3A_58 = arith.cmpi ne, %convert_element_type3A, %cond3A : i32
        scf.if %cond3A_58 {
          %add3A_78 = arith.constant 0 : i32
          %add3A_79 = arith.addi %mul3A_43, %add3A_78 : i32
          %add3A_80 = arith.constant 2 : i32
          %add3A_81 = arith.addi %add3A_79, %add3A_80 : i32
          %dma_start3A_82 = arith.constant 0 : i32
          %dma_start3A_83 = tpu.memref_slice %arg7[%add3A_81, %dma_start3A_82] : memref<40x128xi32, #tpu.memory_space<vmem>> -> memref<1x128xi32, #tpu.memory_space<vmem>>
          %dma_start3A_84 = tpu.memref_squeeze %dma_start3A_83 : memref<1x128xi32, #tpu.memory_space<vmem>> -> memref<128xi32, #tpu.memory_space<vmem>>
          %dma_start3A_85 = arith.constant 0 : i32
          %dma_start3A_86 = arith.constant 0 : i32
          %dma_start3A_87 = tpu.memref_slice %arg2[%dma_start3A_85, %dma_start3A_86] : memref<10000x128xf32, #tpu.memory_space<hbm>> -> memref<10000x128xf32, #tpu.memory_space<hbm>>
          tpu.enqueue_indirect_dma source(%dma_start3A_87 : memref<10000x128xf32, #tpu.memory_space<hbm>>) target(%arg9 : memref<128x128xf32, #tpu.memory_space<vmem>>) offsets(%dma_start3A_84 : memref<128xi32, #tpu.memory_space<vmem>>) semaphore(%arg12 : memref<!tpu.dma_semaphore, #tpu.memory_space<semaphore_mem>>)
        } else {
        }
        %add3A_59 = arith.constant 1 : i32
        %add3A_60 = arith.addi %mul3A_43, %add3A_59 : i32
        %dma_wait3A_61 = arith.constant 0 : i32
        %dma_wait3A_62 = tpu.memref_slice %arg7[%add3A_60, %dma_wait3A_61] : memref<40x128xi32, #tpu.memory_space<vmem>> -> memref<1x128xi32, #tpu.memory_space<vmem>>
        %dma_wait3A_63 = tpu.memref_squeeze %dma_wait3A_62 : memref<1x128xi32, #tpu.memory_space<vmem>> -> memref<128xi32, #tpu.memory_space<vmem>>
        %dma_wait3A_64 = arith.constant 0 : i32
        %dma_wait3A_65 = arith.constant 0 : i32
        %dma_wait3A_66 = tpu.memref_slice %arg2[%dma_wait3A_64, %dma_wait3A_65] : memref<10000x128xf32, #tpu.memory_space<hbm>> -> memref<10000x128xf32, #tpu.memory_space<hbm>>
        tpu.wait_indirect_dma semaphore(%arg13 : memref<!tpu.dma_semaphore, #tpu.memory_space<semaphore_mem>>) src(%dma_wait3A_66 : memref<10000x128xf32, #tpu.memory_space<hbm>>) dst(%arg10 : memref<128x128xf32, #tpu.memory_space<vmem>>)
        %add3A_67 = arith.constant 1 : i32
        %add3A_68 = arith.addi %mul3A_43, %add3A_67 : i32
        "tpu.region"() ({
          %run_scoped3A = tpu.sem_alloc : memref<!tpu.dma_semaphore, #tpu.memory_space<semaphore_mem>>
          %dma_start3A_78 = arith.constant 0 : i32
          %dma_start3A_79 = tpu.memref_slice %arg8[%add3A_68, %dma_start3A_78] : memref<40x128xi32, #tpu.memory_space<vmem>> -> memref<1x128xi32, #tpu.memory_space<vmem>>
          %dma_start3A_80 = tpu.memref_squeeze %dma_start3A_79 : memref<1x128xi32, #tpu.memory_space<vmem>> -> memref<128xi32, #tpu.memory_space<vmem>>
          %dma_start3A_81 = arith.constant 0 : i32
          %dma_start3A_82 = arith.constant 0 : i32
          %dma_start3A_83 = tpu.memref_slice %arg11[%dma_start3A_81, %dma_start3A_82] : memref<10240x128xf32, #tpu.memory_space<vmem_shared>> -> memref<10240x128xf32, #tpu.memory_space<vmem_shared>>
          tpu.enqueue_indirect_dma source(%arg10 : memref<128x128xf32, #tpu.memory_space<vmem>>) target(%dma_start3A_83 : memref<10240x128xf32, #tpu.memory_space<vmem_shared>>) offsets(%dma_start3A_80 : memref<128xi32, #tpu.memory_space<vmem>>) semaphore(%run_scoped3A : memref<!tpu.dma_semaphore, #tpu.memory_space<semaphore_mem>>) {add = true}
          %dma_wait3A_84 = arith.constant 0 : i32
          %dma_wait3A_85 = tpu.memref_slice %arg8[%add3A_68, %dma_wait3A_84] : memref<40x128xi32, #tpu.memory_space<vmem>> -> memref<1x128xi32, #tpu.memory_space<vmem>>
          %dma_wait3A_86 = tpu.memref_squeeze %dma_wait3A_85 : memref<1x128xi32, #tpu.memory_space<vmem>> -> memref<128xi32, #tpu.memory_space<vmem>>
          %dma_wait3A_87 = arith.constant 0 : i32
          %dma_wait3A_88 = arith.constant 0 : i32
          %dma_wait3A_89 = tpu.memref_slice %arg11[%dma_wait3A_87, %dma_wait3A_88] : memref<10240x128xf32, #tpu.memory_space<vmem_shared>> -> memref<10240x128xf32, #tpu.memory_space<vmem_shared>>
          tpu.wait_indirect_dma semaphore(%run_scoped3A : memref<!tpu.dma_semaphore, #tpu.memory_space<semaphore_mem>>) src(%arg10 : memref<128x128xf32, #tpu.memory_space<vmem>>) dst(%dma_wait3A_89 : memref<10240x128xf32, #tpu.memory_space<vmem_shared>>)
          tpu.yield
        }) : () -> ()
        %add3A_69 = arith.constant 1 : i32
        %add3A_70 = arith.addi %mul3A_43, %add3A_69 : i32
        %add3A_71 = arith.constant 2 : i32
        %add3A_72 = arith.addi %add3A_70, %add3A_71 : i32
        %lt3A_73 = arith.constant 40 : i32
        %lt3A_74 = arith.cmpi slt, %add3A_72, %lt3A_73 : i32
        %convert_element_type3A_75 = arith.extui %lt3A_74 : i1 to i32
        %cond3A_76 = arith.constant 0 : i32
        %cond3A_77 = arith.cmpi ne, %convert_element_type3A_75, %cond3A_76 : i32
        scf.if %cond3A_77 {
          %add3A_78 = arith.constant 1 : i32
          %add3A_79 = arith.addi %mul3A_43, %add3A_78 : i32
          %add3A_80 = arith.constant 2 : i32
          %add3A_81 = arith.addi %add3A_79, %add3A_80 : i32
          %dma_start3A_82 = arith.constant 0 : i32
          %dma_start3A_83 = tpu.memref_slice %arg7[%add3A_81, %dma_start3A_82] : memref<40x128xi32, #tpu.memory_space<vmem>> -> memref<1x128xi32, #tpu.memory_space<vmem>>
          %dma_start3A_84 = tpu.memref_squeeze %dma_start3A_83 : memref<1x128xi32, #tpu.memory_space<vmem>> -> memref<128xi32, #tpu.memory_space<vmem>>
          %dma_start3A_85 = arith.constant 0 : i32
          %dma_start3A_86 = arith.constant 0 : i32
          %dma_start3A_87 = tpu.memref_slice %arg2[%dma_start3A_85, %dma_start3A_86] : memref<10000x128xf32, #tpu.memory_space<hbm>> -> memref<10000x128xf32, #tpu.memory_space<hbm>>
          tpu.enqueue_indirect_dma source(%dma_start3A_87 : memref<10000x128xf32, #tpu.memory_space<hbm>>) target(%arg10 : memref<128x128xf32, #tpu.memory_space<vmem>>) offsets(%dma_start3A_84 : memref<128xi32, #tpu.memory_space<vmem>>) semaphore(%arg13 : memref<!tpu.dma_semaphore, #tpu.memory_space<semaphore_mem>>)
        } else {
        }
      }
      %scan3A_40 = arith.constant 20 : i32
    }
    %scan3A_7 = arith.constant 2 : i32
    %barrier3A_8 = arith.constant 0 : index
    tpu.barrier barrier_id(%barrier3A_8)
    %mul3A_9 = arith.constant 640 : i32
    %mul3A_10 = arith.muli %arg1, %mul3A_9 : i32
    %mul3A_11 = arith.constant 10240 : i32
    %mul3A_12 = arith.muli %arg0, %mul3A_11 : i32
    %mul3A_13 = arith.constant 640 : i32
    %mul3A_14 = arith.muli %arg1, %mul3A_13 : i32
    %add3A_15 = arith.addi %mul3A_12, %mul3A_14 : i32
    "tpu.region"() ({
      %run_scoped3A = tpu.sem_alloc : memref<!tpu.dma_semaphore, #tpu.memory_space<semaphore_mem>>
      %dma_start3A = arith.constant 0 : i32
      %dma_start3A_16 = tpu.memref_slice %arg6[%add3A_15, %dma_start3A] : memref<20480x128xf32, #tpu.memory_space<hbm>> -> memref<640x128xf32, #tpu.memory_space<hbm>>
      %dma_start3A_17 = arith.constant 0 : i32
      %dma_start3A_18 = tpu.memref_slice %arg11[%mul3A_10, %dma_start3A_17] : memref<10240x128xf32, #tpu.memory_space<vmem_shared>> -> memref<640x128xf32, #tpu.memory_space<vmem_shared>>
      tpu.enqueue_dma source(%dma_start3A_18 : memref<640x128xf32, #tpu.memory_space<vmem_shared>>) target(%dma_start3A_16 : memref<640x128xf32, #tpu.memory_space<hbm>>) target_semaphore(%run_scoped3A : memref<!tpu.dma_semaphore, #tpu.memory_space<semaphore_mem>>)
      %dma_wait3A = arith.constant 0 : i32
      %dma_wait3A_19 = tpu.memref_slice %arg6[%add3A_15, %dma_wait3A] : memref<20480x128xf32, #tpu.memory_space<hbm>> -> memref<640x128xf32, #tpu.memory_space<hbm>>
      %dma_wait3A_20 = arith.constant 0 : i32
      %dma_wait3A_21 = tpu.memref_slice %arg11[%mul3A_10, %dma_wait3A_20] : memref<10240x128xf32, #tpu.memory_space<vmem_shared>> -> memref<640x128xf32, #tpu.memory_space<vmem_shared>>
      tpu.wait_dma2 semaphore(%run_scoped3A : memref<!tpu.dma_semaphore, #tpu.memory_space<semaphore_mem>>) src(%dma_wait3A_21 : memref<640x128xf32, #tpu.memory_space<vmem_shared>>) dst(%dma_wait3A_19 : memref<640x128xf32, #tpu.memory_space<hbm>>)
      tpu.yield
    }) : () -> ()
    return
  }
}

#map = affine_map<(d0, d1) -> (0, 0)>
module attributes {stable_mosaic.version = 14 : i64} {
  func.func @_agg_body(%arg0: i32, %arg1: i32, %arg2: memref<10000x128xf32, #tpu.memory_space<hbm>>, %arg3: memref<2560x128xi32, #tpu.memory_space<hbm>>, %arg4: memref<2560x128xi32, #tpu.memory_space<hbm>>, %arg5: memref<640x128xf32, #tpu.memory_space<hbm>>, %arg6: memref<20480x128xf32, #tpu.memory_space<hbm>>, %arg7: memref<40x128xi32, #tpu.memory_space<vmem>>, %arg8: memref<40x128xi32, #tpu.memory_space<vmem>>, %arg9: memref<128x128xf32, #tpu.memory_space<vmem>>, %arg10: memref<128x128xf32, #tpu.memory_space<vmem>>, %arg11: memref<10240x128xf32, #tpu.memory_space<vmem_shared>>, %arg12: memref<!tpu.dma_semaphore, #tpu.memory_space<semaphore_mem>>, %arg13: memref<!tpu.dma_semaphore, #tpu.memory_space<semaphore_mem>>) attributes {dimension_semantics = [#tpu.dimension_semantics<core_parallel>, #tpu.dimension_semantics<subcore_parallel>], iteration_bounds = array<i64: 2, 16>, scalar_prefetch = 0 : i64, scratch_operands = 7 : i64, tpu.core_type = #tpu.core_type<sc_vector_subcore>, window_params = [{transform_indices = #map}, {transform_indices = #map}, {transform_indices = #map}, {transform_indices = #map}, {transform_indices = #map}]} {
    %mul3A = arith.constant 16 : i32
    %mul3A_0 = arith.muli %arg0, %mul3A : i32
    %add3A = arith.addi %mul3A_0, %arg1 : i32
    %mul3A_1 = arith.constant 640 : i32
    %mul3A_2 = arith.muli %arg1, %mul3A_1 : i32
    "tpu.region"() ({
      %run_scoped3A = tpu.sem_alloc : memref<!tpu.dma_semaphore, #tpu.memory_space<semaphore_mem>>
      %dma_start3A = arith.constant 0 : i32
      %dma_start3A_16 = tpu.memref_slice %arg11[%mul3A_2, %dma_start3A] : memref<10240x128xf32, #tpu.memory_space<vmem_shared>> -> memref<640x128xf32, #tpu.memory_space<vmem_shared>>
      tpu.enqueue_dma source(%arg5 : memref<640x128xf32, #tpu.memory_space<hbm>>) target(%dma_start3A_16 : memref<640x128xf32, #tpu.memory_space<vmem_shared>>) target_semaphore(%run_scoped3A : memref<!tpu.dma_semaphore, #tpu.memory_space<semaphore_mem>>)
      %dma_wait3A = arith.constant 0 : i32
      %dma_wait3A_17 = tpu.memref_slice %arg11[%mul3A_2, %dma_wait3A] : memref<10240x128xf32, #tpu.memory_space<vmem_shared>> -> memref<640x128xf32, #tpu.memory_space<vmem_shared>>
      tpu.wait_dma2 semaphore(%run_scoped3A : memref<!tpu.dma_semaphore, #tpu.memory_space<semaphore_mem>>) src(%arg5 : memref<640x128xf32, #tpu.memory_space<hbm>>) dst(%dma_wait3A_17 : memref<640x128xf32, #tpu.memory_space<vmem_shared>>)
      tpu.yield
    }) : () -> ()
    %barrier3A = arith.constant 0 : index
    tpu.barrier barrier_id(%barrier3A)
    %scan3A = arith.constant 0 : i32
    %scan3A_3 = arith.constant 0 : i32
    %scan3A_4 = arith.constant 2 : i32
    %scan3A_5 = arith.addi %scan3A_3, %scan3A_4 : i32
    %scan3A_6 = arith.constant 1 : i32
    scf.for %scan3A_16 = %scan3A_3 to %scan3A_5 step %scan3A_6  : i32 {
      %mul3A_17 = arith.constant 80 : i32
      %mul3A_18 = arith.muli %add3A, %mul3A_17 : i32
      %mul3A_19 = arith.constant 40 : i32
      %mul3A_20 = arith.muli %scan3A_16, %mul3A_19 : i32
      %add3A_21 = arith.addi %mul3A_18, %mul3A_20 : i32
      "tpu.region"() ({
        %run_scoped3A = tpu.sem_alloc : memref<!tpu.dma_semaphore, #tpu.memory_space<semaphore_mem>>
        %dma_start3A_41 = arith.constant 0 : i32
        %dma_start3A_42 = tpu.memref_slice %arg3[%add3A_21, %dma_start3A_41] : memref<2560x128xi32, #tpu.memory_space<hbm>> -> memref<40x128xi32, #tpu.memory_space<hbm>>
        %dma_start3A_43 = arith.constant 0 : i32
        %dma_start3A_44 = tpu.memref_slice %arg3[%add3A_21, %dma_start3A_43] : memref<2560x128xi32, #tpu.memory_space<hbm>> -> memref<40x128xi32, #tpu.memory_space<hbm>>
        tpu.enqueue_dma source(%dma_start3A_44 : memref<40x128xi32, #tpu.memory_space<hbm>>) target(%arg7 : memref<40x128xi32, #tpu.memory_space<vmem>>) target_semaphore(%run_scoped3A : memref<!tpu.dma_semaphore, #tpu.memory_space<semaphore_mem>>)
        %dma_wait3A = arith.constant 0 : i32
        %dma_wait3A_45 = tpu.memref_slice %arg3[%add3A_21, %dma_wait3A] : memref<2560x128xi32, #tpu.memory_space<hbm>> -> memref<40x128xi32, #tpu.memory_space<hbm>>
        %dma_wait3A_46 = arith.constant 0 : i32
        %dma_wait3A_47 = tpu.memref_slice %arg3[%add3A_21, %dma_wait3A_46] : memref<2560x128xi32, #tpu.memory_space<hbm>> -> memref<40x128xi32, #tpu.memory_space<hbm>>
        tpu.wait_dma2 semaphore(%run_scoped3A : memref<!tpu.dma_semaphore, #tpu.memory_space<semaphore_mem>>) src(%dma_wait3A_47 : memref<40x128xi32, #tpu.memory_space<hbm>>) dst(%arg7 : memref<40x128xi32, #tpu.memory_space<vmem>>)
        tpu.yield
      }) : () -> ()
      "tpu.region"() ({
        %run_scoped3A = tpu.sem_alloc : memref<!tpu.dma_semaphore, #tpu.memory_space<semaphore_mem>>
        %dma_start3A_41 = arith.constant 0 : i32
        %dma_start3A_42 = tpu.memref_slice %arg4[%add3A_21, %dma_start3A_41] : memref<2560x128xi32, #tpu.memory_space<hbm>> -> memref<40x128xi32, #tpu.memory_space<hbm>>
        %dma_start3A_43 = arith.constant 0 : i32
        %dma_start3A_44 = tpu.memref_slice %arg4[%add3A_21, %dma_start3A_43] : memref<2560x128xi32, #tpu.memory_space<hbm>> -> memref<40x128xi32, #tpu.memory_space<hbm>>
        tpu.enqueue_dma source(%dma_start3A_44 : memref<40x128xi32, #tpu.memory_space<hbm>>) target(%arg8 : memref<40x128xi32, #tpu.memory_space<vmem>>) target_semaphore(%run_scoped3A : memref<!tpu.dma_semaphore, #tpu.memory_space<semaphore_mem>>)
        %dma_wait3A = arith.constant 0 : i32
        %dma_wait3A_45 = tpu.memref_slice %arg4[%add3A_21, %dma_wait3A] : memref<2560x128xi32, #tpu.memory_space<hbm>> -> memref<40x128xi32, #tpu.memory_space<hbm>>
        %dma_wait3A_46 = arith.constant 0 : i32
        %dma_wait3A_47 = tpu.memref_slice %arg4[%add3A_21, %dma_wait3A_46] : memref<2560x128xi32, #tpu.memory_space<hbm>> -> memref<40x128xi32, #tpu.memory_space<hbm>>
        tpu.wait_dma2 semaphore(%run_scoped3A : memref<!tpu.dma_semaphore, #tpu.memory_space<semaphore_mem>>) src(%dma_wait3A_47 : memref<40x128xi32, #tpu.memory_space<hbm>>) dst(%arg8 : memref<40x128xi32, #tpu.memory_space<vmem>>)
        tpu.yield
      }) : () -> ()
      %dma_start3A = arith.constant 0 : i32
      %dma_start3A_22 = arith.constant 0 : i32
      %dma_start3A_23 = tpu.memref_slice %arg7[%dma_start3A, %dma_start3A_22] : memref<40x128xi32, #tpu.memory_space<vmem>> -> memref<1x128xi32, #tpu.memory_space<vmem>>
      %dma_start3A_24 = tpu.memref_squeeze %dma_start3A_23 : memref<1x128xi32, #tpu.memory_space<vmem>> -> memref<128xi32, #tpu.memory_space<vmem>>
      %dma_start3A_25 = arith.constant 0 : i32
      %dma_start3A_26 = arith.constant 0 : i32
      %dma_start3A_27 = tpu.memref_slice %arg2[%dma_start3A_25, %dma_start3A_26] : memref<10000x128xf32, #tpu.memory_space<hbm>> -> memref<10000x128xf32, #tpu.memory_space<hbm>>
      tpu.enqueue_indirect_dma source(%dma_start3A_27 : memref<10000x128xf32, #tpu.memory_space<hbm>>) target(%arg9 : memref<128x128xf32, #tpu.memory_space<vmem>>) offsets(%dma_start3A_24 : memref<128xi32, #tpu.memory_space<vmem>>) semaphore(%arg12 : memref<!tpu.dma_semaphore, #tpu.memory_space<semaphore_mem>>)
      %dma_start3A_28 = arith.constant 1 : i32
      %dma_start3A_29 = arith.constant 0 : i32
      %dma_start3A_30 = tpu.memref_slice %arg7[%dma_start3A_28, %dma_start3A_29] : memref<40x128xi32, #tpu.memory_space<vmem>> -> memref<1x128xi32, #tpu.memory_space<vmem>>
      %dma_start3A_31 = tpu.memref_squeeze %dma_start3A_30 : memref<1x128xi32, #tpu.memory_space<vmem>> -> memref<128xi32, #tpu.memory_space<vmem>>
      %dma_start3A_32 = arith.constant 0 : i32
      %dma_start3A_33 = arith.constant 0 : i32
      %dma_start3A_34 = tpu.memref_slice %arg2[%dma_start3A_32, %dma_start3A_33] : memref<10000x128xf32, #tpu.memory_space<hbm>> -> memref<10000x128xf32, #tpu.memory_space<hbm>>
      tpu.enqueue_indirect_dma source(%dma_start3A_34 : memref<10000x128xf32, #tpu.memory_space<hbm>>) target(%arg10 : memref<128x128xf32, #tpu.memory_space<vmem>>) offsets(%dma_start3A_31 : memref<128xi32, #tpu.memory_space<vmem>>) semaphore(%arg13 : memref<!tpu.dma_semaphore, #tpu.memory_space<semaphore_mem>>)
      %scan3A_35 = arith.constant 0 : i32
      %scan3A_36 = arith.constant 0 : i32
      %scan3A_37 = arith.constant 20 : i32
      %scan3A_38 = arith.addi %scan3A_36, %scan3A_37 : i32
      %scan3A_39 = arith.constant 1 : i32
      scf.for %scan3A_41 = %scan3A_36 to %scan3A_38 step %scan3A_39  : i32 {
        %mul3A_42 = arith.constant 2 : i32
        %mul3A_43 = arith.muli %scan3A_41, %mul3A_42 : i32
        %add3A_44 = arith.constant 0 : i32
        %add3A_45 = arith.addi %mul3A_43, %add3A_44 : i32
        %dma_wait3A = arith.constant 0 : i32
        %dma_wait3A_46 = tpu.memref_slice %arg7[%add3A_45, %dma_wait3A] : memref<40x128xi32, #tpu.memory_space<vmem>> -> memref<1x128xi32, #tpu.memory_space<vmem>>
        %dma_wait3A_47 = tpu.memref_squeeze %dma_wait3A_46 : memref<1x128xi32, #tpu.memory_space<vmem>> -> memref<128xi32, #tpu.memory_space<vmem>>
        %dma_wait3A_48 = arith.constant 0 : i32
        %dma_wait3A_49 = arith.constant 0 : i32
        %dma_wait3A_50 = tpu.memref_slice %arg2[%dma_wait3A_48, %dma_wait3A_49] : memref<10000x128xf32, #tpu.memory_space<hbm>> -> memref<10000x128xf32, #tpu.memory_space<hbm>>
        tpu.wait_indirect_dma semaphore(%arg12 : memref<!tpu.dma_semaphore, #tpu.memory_space<semaphore_mem>>) src(%dma_wait3A_50 : memref<10000x128xf32, #tpu.memory_space<hbm>>) dst(%arg9 : memref<128x128xf32, #tpu.memory_space<vmem>>)
        %add3A_51 = arith.constant 0 : i32
        %add3A_52 = arith.addi %mul3A_43, %add3A_51 : i32
        "tpu.region"() ({
          %run_scoped3A = tpu.sem_alloc : memref<!tpu.dma_semaphore, #tpu.memory_space<semaphore_mem>>
          %dma_start3A_78 = arith.constant 0 : i32
          %dma_start3A_79 = tpu.memref_slice %arg8[%add3A_52, %dma_start3A_78] : memref<40x128xi32, #tpu.memory_space<vmem>> -> memref<1x128xi32, #tpu.memory_space<vmem>>
          %dma_start3A_80 = tpu.memref_squeeze %dma_start3A_79 : memref<1x128xi32, #tpu.memory_space<vmem>> -> memref<128xi32, #tpu.memory_space<vmem>>
          %dma_start3A_81 = arith.constant 0 : i32
          %dma_start3A_82 = arith.constant 0 : i32
          %dma_start3A_83 = tpu.memref_slice %arg11[%dma_start3A_81, %dma_start3A_82] : memref<10240x128xf32, #tpu.memory_space<vmem_shared>> -> memref<10240x128xf32, #tpu.memory_space<vmem_shared>>
          tpu.enqueue_indirect_dma source(%arg9 : memref<128x128xf32, #tpu.memory_space<vmem>>) target(%dma_start3A_83 : memref<10240x128xf32, #tpu.memory_space<vmem_shared>>) offsets(%dma_start3A_80 : memref<128xi32, #tpu.memory_space<vmem>>) semaphore(%run_scoped3A : memref<!tpu.dma_semaphore, #tpu.memory_space<semaphore_mem>>) {add = true}
          %dma_wait3A_84 = arith.constant 0 : i32
          %dma_wait3A_85 = tpu.memref_slice %arg8[%add3A_52, %dma_wait3A_84] : memref<40x128xi32, #tpu.memory_space<vmem>> -> memref<1x128xi32, #tpu.memory_space<vmem>>
          %dma_wait3A_86 = tpu.memref_squeeze %dma_wait3A_85 : memref<1x128xi32, #tpu.memory_space<vmem>> -> memref<128xi32, #tpu.memory_space<vmem>>
          %dma_wait3A_87 = arith.constant 0 : i32
          %dma_wait3A_88 = arith.constant 0 : i32
          %dma_wait3A_89 = tpu.memref_slice %arg11[%dma_wait3A_87, %dma_wait3A_88] : memref<10240x128xf32, #tpu.memory_space<vmem_shared>> -> memref<10240x128xf32, #tpu.memory_space<vmem_shared>>
          tpu.wait_indirect_dma semaphore(%run_scoped3A : memref<!tpu.dma_semaphore, #tpu.memory_space<semaphore_mem>>) src(%arg9 : memref<128x128xf32, #tpu.memory_space<vmem>>) dst(%dma_wait3A_89 : memref<10240x128xf32, #tpu.memory_space<vmem_shared>>)
          tpu.yield
        }) : () -> ()
        %add3A_53 = arith.constant 0 : i32
        %add3A_54 = arith.addi %mul3A_43, %add3A_53 : i32
        %add3A_55 = arith.constant 2 : i32
        %add3A_56 = arith.addi %add3A_54, %add3A_55 : i32
        %lt3A = arith.constant 40 : i32
        %lt3A_57 = arith.cmpi slt, %add3A_56, %lt3A : i32
        %convert_element_type3A = arith.extui %lt3A_57 : i1 to i32
        %cond3A = arith.constant 0 : i32
        %cond3A_58 = arith.cmpi ne, %convert_element_type3A, %cond3A : i32
        scf.if %cond3A_58 {
          %add3A_78 = arith.constant 0 : i32
          %add3A_79 = arith.addi %mul3A_43, %add3A_78 : i32
          %add3A_80 = arith.constant 2 : i32
          %add3A_81 = arith.addi %add3A_79, %add3A_80 : i32
          %dma_start3A_82 = arith.constant 0 : i32
          %dma_start3A_83 = tpu.memref_slice %arg7[%add3A_81, %dma_start3A_82] : memref<40x128xi32, #tpu.memory_space<vmem>> -> memref<1x128xi32, #tpu.memory_space<vmem>>
          %dma_start3A_84 = tpu.memref_squeeze %dma_start3A_83 : memref<1x128xi32, #tpu.memory_space<vmem>> -> memref<128xi32, #tpu.memory_space<vmem>>
          %dma_start3A_85 = arith.constant 0 : i32
          %dma_start3A_86 = arith.constant 0 : i32
          %dma_start3A_87 = tpu.memref_slice %arg2[%dma_start3A_85, %dma_start3A_86] : memref<10000x128xf32, #tpu.memory_space<hbm>> -> memref<10000x128xf32, #tpu.memory_space<hbm>>
          tpu.enqueue_indirect_dma source(%dma_start3A_87 : memref<10000x128xf32, #tpu.memory_space<hbm>>) target(%arg9 : memref<128x128xf32, #tpu.memory_space<vmem>>) offsets(%dma_start3A_84 : memref<128xi32, #tpu.memory_space<vmem>>) semaphore(%arg12 : memref<!tpu.dma_semaphore, #tpu.memory_space<semaphore_mem>>)
        } else {
        }
        %add3A_59 = arith.constant 1 : i32
        %add3A_60 = arith.addi %mul3A_43, %add3A_59 : i32
        %dma_wait3A_61 = arith.constant 0 : i32
        %dma_wait3A_62 = tpu.memref_slice %arg7[%add3A_60, %dma_wait3A_61] : memref<40x128xi32, #tpu.memory_space<vmem>> -> memref<1x128xi32, #tpu.memory_space<vmem>>
        %dma_wait3A_63 = tpu.memref_squeeze %dma_wait3A_62 : memref<1x128xi32, #tpu.memory_space<vmem>> -> memref<128xi32, #tpu.memory_space<vmem>>
        %dma_wait3A_64 = arith.constant 0 : i32
        %dma_wait3A_65 = arith.constant 0 : i32
        %dma_wait3A_66 = tpu.memref_slice %arg2[%dma_wait3A_64, %dma_wait3A_65] : memref<10000x128xf32, #tpu.memory_space<hbm>> -> memref<10000x128xf32, #tpu.memory_space<hbm>>
        tpu.wait_indirect_dma semaphore(%arg13 : memref<!tpu.dma_semaphore, #tpu.memory_space<semaphore_mem>>) src(%dma_wait3A_66 : memref<10000x128xf32, #tpu.memory_space<hbm>>) dst(%arg10 : memref<128x128xf32, #tpu.memory_space<vmem>>)
        %add3A_67 = arith.constant 1 : i32
        %add3A_68 = arith.addi %mul3A_43, %add3A_67 : i32
        "tpu.region"() ({
          %run_scoped3A = tpu.sem_alloc : memref<!tpu.dma_semaphore, #tpu.memory_space<semaphore_mem>>
          %dma_start3A_78 = arith.constant 0 : i32
          %dma_start3A_79 = tpu.memref_slice %arg8[%add3A_68, %dma_start3A_78] : memref<40x128xi32, #tpu.memory_space<vmem>> -> memref<1x128xi32, #tpu.memory_space<vmem>>
          %dma_start3A_80 = tpu.memref_squeeze %dma_start3A_79 : memref<1x128xi32, #tpu.memory_space<vmem>> -> memref<128xi32, #tpu.memory_space<vmem>>
          %dma_start3A_81 = arith.constant 0 : i32
          %dma_start3A_82 = arith.constant 0 : i32
          %dma_start3A_83 = tpu.memref_slice %arg11[%dma_start3A_81, %dma_start3A_82] : memref<10240x128xf32, #tpu.memory_space<vmem_shared>> -> memref<10240x128xf32, #tpu.memory_space<vmem_shared>>
          tpu.enqueue_indirect_dma source(%arg10 : memref<128x128xf32, #tpu.memory_space<vmem>>) target(%dma_start3A_83 : memref<10240x128xf32, #tpu.memory_space<vmem_shared>>) offsets(%dma_start3A_80 : memref<128xi32, #tpu.memory_space<vmem>>) semaphore(%run_scoped3A : memref<!tpu.dma_semaphore, #tpu.memory_space<semaphore_mem>>) {add = true}
          %dma_wait3A_84 = arith.constant 0 : i32
          %dma_wait3A_85 = tpu.memref_slice %arg8[%add3A_68, %dma_wait3A_84] : memref<40x128xi32, #tpu.memory_space<vmem>> -> memref<1x128xi32, #tpu.memory_space<vmem>>
          %dma_wait3A_86 = tpu.memref_squeeze %dma_wait3A_85 : memref<1x128xi32, #tpu.memory_space<vmem>> -> memref<128xi32, #tpu.memory_space<vmem>>
          %dma_wait3A_87 = arith.constant 0 : i32
          %dma_wait3A_88 = arith.constant 0 : i32
          %dma_wait3A_89 = tpu.memref_slice %arg11[%dma_wait3A_87, %dma_wait3A_88] : memref<10240x128xf32, #tpu.memory_space<vmem_shared>> -> memref<10240x128xf32, #tpu.memory_space<vmem_shared>>
          tpu.wait_indirect_dma semaphore(%run_scoped3A : memref<!tpu.dma_semaphore, #tpu.memory_space<semaphore_mem>>) src(%arg10 : memref<128x128xf32, #tpu.memory_space<vmem>>) dst(%dma_wait3A_89 : memref<10240x128xf32, #tpu.memory_space<vmem_shared>>)
          tpu.yield
        }) : () -> ()
        %add3A_69 = arith.constant 1 : i32
        %add3A_70 = arith.addi %mul3A_43, %add3A_69 : i32
        %add3A_71 = arith.constant 2 : i32
        %add3A_72 = arith.addi %add3A_70, %add3A_71 : i32
        %lt3A_73 = arith.constant 40 : i32
        %lt3A_74 = arith.cmpi slt, %add3A_72, %lt3A_73 : i32
        %convert_element_type3A_75 = arith.extui %lt3A_74 : i1 to i32
        %cond3A_76 = arith.constant 0 : i32
        %cond3A_77 = arith.cmpi ne, %convert_element_type3A_75, %cond3A_76 : i32
        scf.if %cond3A_77 {
          %add3A_78 = arith.constant 1 : i32
          %add3A_79 = arith.addi %mul3A_43, %add3A_78 : i32
          %add3A_80 = arith.constant 2 : i32
          %add3A_81 = arith.addi %add3A_79, %add3A_80 : i32
          %dma_start3A_82 = arith.constant 0 : i32
          %dma_start3A_83 = tpu.memref_slice %arg7[%add3A_81, %dma_start3A_82] : memref<40x128xi32, #tpu.memory_space<vmem>> -> memref<1x128xi32, #tpu.memory_space<vmem>>
          %dma_start3A_84 = tpu.memref_squeeze %dma_start3A_83 : memref<1x128xi32, #tpu.memory_space<vmem>> -> memref<128xi32, #tpu.memory_space<vmem>>
          %dma_start3A_85 = arith.constant 0 : i32
          %dma_start3A_86 = arith.constant 0 : i32
          %dma_start3A_87 = tpu.memref_slice %arg2[%dma_start3A_85, %dma_start3A_86] : memref<10000x128xf32, #tpu.memory_space<hbm>> -> memref<10000x128xf32, #tpu.memory_space<hbm>>
          tpu.enqueue_indirect_dma source(%dma_start3A_87 : memref<10000x128xf32, #tpu.memory_space<hbm>>) target(%arg10 : memref<128x128xf32, #tpu.memory_space<vmem>>) offsets(%dma_start3A_84 : memref<128xi32, #tpu.memory_space<vmem>>) semaphore(%arg13 : memref<!tpu.dma_semaphore, #tpu.memory_space<semaphore_mem>>)
        } else {
        }
      }
      %scan3A_40 = arith.constant 20 : i32
    }
    %scan3A_7 = arith.constant 2 : i32
    %barrier3A_8 = arith.constant 0 : index
    tpu.barrier barrier_id(%barrier3A_8)
    %mul3A_9 = arith.constant 640 : i32
    %mul3A_10 = arith.muli %arg1, %mul3A_9 : i32
    %mul3A_11 = arith.constant 10240 : i32
    %mul3A_12 = arith.muli %arg0, %mul3A_11 : i32
    %mul3A_13 = arith.constant 640 : i32
    %mul3A_14 = arith.muli %arg1, %mul3A_13 : i32
    %add3A_15 = arith.addi %mul3A_12, %mul3A_14 : i32
    "tpu.region"() ({
      %run_scoped3A = tpu.sem_alloc : memref<!tpu.dma_semaphore, #tpu.memory_space<semaphore_mem>>
      %dma_start3A = arith.constant 0 : i32
      %dma_start3A_16 = tpu.memref_slice %arg6[%add3A_15, %dma_start3A] : memref<20480x128xf32, #tpu.memory_space<hbm>> -> memref<640x128xf32, #tpu.memory_space<hbm>>
      %dma_start3A_17 = arith.constant 0 : i32
      %dma_start3A_18 = tpu.memref_slice %arg11[%mul3A_10, %dma_start3A_17] : memref<10240x128xf32, #tpu.memory_space<vmem_shared>> -> memref<640x128xf32, #tpu.memory_space<vmem_shared>>
      tpu.enqueue_dma source(%dma_start3A_18 : memref<640x128xf32, #tpu.memory_space<vmem_shared>>) target(%dma_start3A_16 : memref<640x128xf32, #tpu.memory_space<hbm>>) target_semaphore(%run_scoped3A : memref<!tpu.dma_semaphore, #tpu.memory_space<semaphore_mem>>)
      %dma_wait3A = arith.constant 0 : i32
      %dma_wait3A_19 = tpu.memref_slice %arg6[%add3A_15, %dma_wait3A] : memref<20480x128xf32, #tpu.memory_space<hbm>> -> memref<640x128xf32, #tpu.memory_space<hbm>>
      %dma_wait3A_20 = arith.constant 0 : i32
      %dma_wait3A_21 = tpu.memref_slice %arg11[%mul3A_10, %dma_wait3A_20] : memref<10240x128xf32, #tpu.memory_space<vmem_shared>> -> memref<640x128xf32, #tpu.memory_space<vmem_shared>>
      tpu.wait_dma2 semaphore(%run_scoped3A : memref<!tpu.dma_semaphore, #tpu.memory_space<semaphore_mem>>) src(%dma_wait3A_21 : memref<640x128xf32, #tpu.memory_space<vmem_shared>>) dst(%dma_wait3A_19 : memref<640x128xf32, #tpu.memory_space<hbm>>)
      tpu.yield
    }) : () -> ()
    return
  }
}

#map = affine_map<(d0, d1) -> (0, 0)>
module attributes {stable_mosaic.version = 14 : i64} {
  func.func @_agg_body(%arg0: i32, %arg1: i32, %arg2: memref<10000x128xf32, #tpu.memory_space<hbm>>, %arg3: memref<2560x128xi32, #tpu.memory_space<hbm>>, %arg4: memref<2560x128xi32, #tpu.memory_space<hbm>>, %arg5: memref<640x128xf32, #tpu.memory_space<hbm>>, %arg6: memref<20480x128xf32, #tpu.memory_space<hbm>>, %arg7: memref<40x128xi32, #tpu.memory_space<vmem>>, %arg8: memref<40x128xi32, #tpu.memory_space<vmem>>, %arg9: memref<128x128xf32, #tpu.memory_space<vmem>>, %arg10: memref<128x128xf32, #tpu.memory_space<vmem>>, %arg11: memref<10240x128xf32, #tpu.memory_space<vmem_shared>>, %arg12: memref<!tpu.dma_semaphore, #tpu.memory_space<semaphore_mem>>, %arg13: memref<!tpu.dma_semaphore, #tpu.memory_space<semaphore_mem>>) attributes {dimension_semantics = [#tpu.dimension_semantics<core_parallel>, #tpu.dimension_semantics<subcore_parallel>], iteration_bounds = array<i64: 2, 16>, scalar_prefetch = 0 : i64, scratch_operands = 7 : i64, tpu.core_type = #tpu.core_type<sc_vector_subcore>, window_params = [{transform_indices = #map}, {transform_indices = #map}, {transform_indices = #map}, {transform_indices = #map}, {transform_indices = #map}]} {
    %mul3A = arith.constant 16 : i32
    %mul3A_0 = arith.muli %arg0, %mul3A : i32
    %add3A = arith.addi %mul3A_0, %arg1 : i32
    %mul3A_1 = arith.constant 640 : i32
    %mul3A_2 = arith.muli %arg1, %mul3A_1 : i32
    "tpu.region"() ({
      %run_scoped3A = tpu.sem_alloc : memref<!tpu.dma_semaphore, #tpu.memory_space<semaphore_mem>>
      %dma_start3A = arith.constant 0 : i32
      %dma_start3A_16 = tpu.memref_slice %arg11[%mul3A_2, %dma_start3A] : memref<10240x128xf32, #tpu.memory_space<vmem_shared>> -> memref<640x128xf32, #tpu.memory_space<vmem_shared>>
      tpu.enqueue_dma source(%arg5 : memref<640x128xf32, #tpu.memory_space<hbm>>) target(%dma_start3A_16 : memref<640x128xf32, #tpu.memory_space<vmem_shared>>) target_semaphore(%run_scoped3A : memref<!tpu.dma_semaphore, #tpu.memory_space<semaphore_mem>>)
      %dma_wait3A = arith.constant 0 : i32
      %dma_wait3A_17 = tpu.memref_slice %arg11[%mul3A_2, %dma_wait3A] : memref<10240x128xf32, #tpu.memory_space<vmem_shared>> -> memref<640x128xf32, #tpu.memory_space<vmem_shared>>
      tpu.wait_dma2 semaphore(%run_scoped3A : memref<!tpu.dma_semaphore, #tpu.memory_space<semaphore_mem>>) src(%arg5 : memref<640x128xf32, #tpu.memory_space<hbm>>) dst(%dma_wait3A_17 : memref<640x128xf32, #tpu.memory_space<vmem_shared>>)
      tpu.yield
    }) : () -> ()
    %barrier3A = arith.constant 0 : index
    tpu.barrier barrier_id(%barrier3A)
    %scan3A = arith.constant 0 : i32
    %scan3A_3 = arith.constant 0 : i32
    %scan3A_4 = arith.constant 2 : i32
    %scan3A_5 = arith.addi %scan3A_3, %scan3A_4 : i32
    %scan3A_6 = arith.constant 1 : i32
    scf.for %scan3A_16 = %scan3A_3 to %scan3A_5 step %scan3A_6  : i32 {
      %mul3A_17 = arith.constant 80 : i32
      %mul3A_18 = arith.muli %add3A, %mul3A_17 : i32
      %mul3A_19 = arith.constant 40 : i32
      %mul3A_20 = arith.muli %scan3A_16, %mul3A_19 : i32
      %add3A_21 = arith.addi %mul3A_18, %mul3A_20 : i32
      "tpu.region"() ({
        %run_scoped3A = tpu.sem_alloc : memref<!tpu.dma_semaphore, #tpu.memory_space<semaphore_mem>>
        %dma_start3A_41 = arith.constant 0 : i32
        %dma_start3A_42 = tpu.memref_slice %arg3[%add3A_21, %dma_start3A_41] : memref<2560x128xi32, #tpu.memory_space<hbm>> -> memref<40x128xi32, #tpu.memory_space<hbm>>
        %dma_start3A_43 = arith.constant 0 : i32
        %dma_start3A_44 = tpu.memref_slice %arg3[%add3A_21, %dma_start3A_43] : memref<2560x128xi32, #tpu.memory_space<hbm>> -> memref<40x128xi32, #tpu.memory_space<hbm>>
        tpu.enqueue_dma source(%dma_start3A_44 : memref<40x128xi32, #tpu.memory_space<hbm>>) target(%arg7 : memref<40x128xi32, #tpu.memory_space<vmem>>) target_semaphore(%run_scoped3A : memref<!tpu.dma_semaphore, #tpu.memory_space<semaphore_mem>>)
        %dma_wait3A = arith.constant 0 : i32
        %dma_wait3A_45 = tpu.memref_slice %arg3[%add3A_21, %dma_wait3A] : memref<2560x128xi32, #tpu.memory_space<hbm>> -> memref<40x128xi32, #tpu.memory_space<hbm>>
        %dma_wait3A_46 = arith.constant 0 : i32
        %dma_wait3A_47 = tpu.memref_slice %arg3[%add3A_21, %dma_wait3A_46] : memref<2560x128xi32, #tpu.memory_space<hbm>> -> memref<40x128xi32, #tpu.memory_space<hbm>>
        tpu.wait_dma2 semaphore(%run_scoped3A : memref<!tpu.dma_semaphore, #tpu.memory_space<semaphore_mem>>) src(%dma_wait3A_47 : memref<40x128xi32, #tpu.memory_space<hbm>>) dst(%arg7 : memref<40x128xi32, #tpu.memory_space<vmem>>)
        tpu.yield
      }) : () -> ()
      "tpu.region"() ({
        %run_scoped3A = tpu.sem_alloc : memref<!tpu.dma_semaphore, #tpu.memory_space<semaphore_mem>>
        %dma_start3A_41 = arith.constant 0 : i32
        %dma_start3A_42 = tpu.memref_slice %arg4[%add3A_21, %dma_start3A_41] : memref<2560x128xi32, #tpu.memory_space<hbm>> -> memref<40x128xi32, #tpu.memory_space<hbm>>
        %dma_start3A_43 = arith.constant 0 : i32
        %dma_start3A_44 = tpu.memref_slice %arg4[%add3A_21, %dma_start3A_43] : memref<2560x128xi32, #tpu.memory_space<hbm>> -> memref<40x128xi32, #tpu.memory_space<hbm>>
        tpu.enqueue_dma source(%dma_start3A_44 : memref<40x128xi32, #tpu.memory_space<hbm>>) target(%arg8 : memref<40x128xi32, #tpu.memory_space<vmem>>) target_semaphore(%run_scoped3A : memref<!tpu.dma_semaphore, #tpu.memory_space<semaphore_mem>>)
        %dma_wait3A = arith.constant 0 : i32
        %dma_wait3A_45 = tpu.memref_slice %arg4[%add3A_21, %dma_wait3A] : memref<2560x128xi32, #tpu.memory_space<hbm>> -> memref<40x128xi32, #tpu.memory_space<hbm>>
        %dma_wait3A_46 = arith.constant 0 : i32
        %dma_wait3A_47 = tpu.memref_slice %arg4[%add3A_21, %dma_wait3A_46] : memref<2560x128xi32, #tpu.memory_space<hbm>> -> memref<40x128xi32, #tpu.memory_space<hbm>>
        tpu.wait_dma2 semaphore(%run_scoped3A : memref<!tpu.dma_semaphore, #tpu.memory_space<semaphore_mem>>) src(%dma_wait3A_47 : memref<40x128xi32, #tpu.memory_space<hbm>>) dst(%arg8 : memref<40x128xi32, #tpu.memory_space<vmem>>)
        tpu.yield
      }) : () -> ()
      %dma_start3A = arith.constant 0 : i32
      %dma_start3A_22 = arith.constant 0 : i32
      %dma_start3A_23 = tpu.memref_slice %arg7[%dma_start3A, %dma_start3A_22] : memref<40x128xi32, #tpu.memory_space<vmem>> -> memref<1x128xi32, #tpu.memory_space<vmem>>
      %dma_start3A_24 = tpu.memref_squeeze %dma_start3A_23 : memref<1x128xi32, #tpu.memory_space<vmem>> -> memref<128xi32, #tpu.memory_space<vmem>>
      %dma_start3A_25 = arith.constant 0 : i32
      %dma_start3A_26 = arith.constant 0 : i32
      %dma_start3A_27 = tpu.memref_slice %arg2[%dma_start3A_25, %dma_start3A_26] : memref<10000x128xf32, #tpu.memory_space<hbm>> -> memref<10000x128xf32, #tpu.memory_space<hbm>>
      tpu.enqueue_indirect_dma source(%dma_start3A_27 : memref<10000x128xf32, #tpu.memory_space<hbm>>) target(%arg9 : memref<128x128xf32, #tpu.memory_space<vmem>>) offsets(%dma_start3A_24 : memref<128xi32, #tpu.memory_space<vmem>>) semaphore(%arg12 : memref<!tpu.dma_semaphore, #tpu.memory_space<semaphore_mem>>)
      %dma_start3A_28 = arith.constant 1 : i32
      %dma_start3A_29 = arith.constant 0 : i32
      %dma_start3A_30 = tpu.memref_slice %arg7[%dma_start3A_28, %dma_start3A_29] : memref<40x128xi32, #tpu.memory_space<vmem>> -> memref<1x128xi32, #tpu.memory_space<vmem>>
      %dma_start3A_31 = tpu.memref_squeeze %dma_start3A_30 : memref<1x128xi32, #tpu.memory_space<vmem>> -> memref<128xi32, #tpu.memory_space<vmem>>
      %dma_start3A_32 = arith.constant 0 : i32
      %dma_start3A_33 = arith.constant 0 : i32
      %dma_start3A_34 = tpu.memref_slice %arg2[%dma_start3A_32, %dma_start3A_33] : memref<10000x128xf32, #tpu.memory_space<hbm>> -> memref<10000x128xf32, #tpu.memory_space<hbm>>
      tpu.enqueue_indirect_dma source(%dma_start3A_34 : memref<10000x128xf32, #tpu.memory_space<hbm>>) target(%arg10 : memref<128x128xf32, #tpu.memory_space<vmem>>) offsets(%dma_start3A_31 : memref<128xi32, #tpu.memory_space<vmem>>) semaphore(%arg13 : memref<!tpu.dma_semaphore, #tpu.memory_space<semaphore_mem>>)
      %scan3A_35 = arith.constant 0 : i32
      %scan3A_36 = arith.constant 0 : i32
      %scan3A_37 = arith.constant 20 : i32
      %scan3A_38 = arith.addi %scan3A_36, %scan3A_37 : i32
      %scan3A_39 = arith.constant 1 : i32
      scf.for %scan3A_41 = %scan3A_36 to %scan3A_38 step %scan3A_39  : i32 {
        %mul3A_42 = arith.constant 2 : i32
        %mul3A_43 = arith.muli %scan3A_41, %mul3A_42 : i32
        %add3A_44 = arith.constant 0 : i32
        %add3A_45 = arith.addi %mul3A_43, %add3A_44 : i32
        %dma_wait3A = arith.constant 0 : i32
        %dma_wait3A_46 = tpu.memref_slice %arg7[%add3A_45, %dma_wait3A] : memref<40x128xi32, #tpu.memory_space<vmem>> -> memref<1x128xi32, #tpu.memory_space<vmem>>
        %dma_wait3A_47 = tpu.memref_squeeze %dma_wait3A_46 : memref<1x128xi32, #tpu.memory_space<vmem>> -> memref<128xi32, #tpu.memory_space<vmem>>
        %dma_wait3A_48 = arith.constant 0 : i32
        %dma_wait3A_49 = arith.constant 0 : i32
        %dma_wait3A_50 = tpu.memref_slice %arg2[%dma_wait3A_48, %dma_wait3A_49] : memref<10000x128xf32, #tpu.memory_space<hbm>> -> memref<10000x128xf32, #tpu.memory_space<hbm>>
        tpu.wait_indirect_dma semaphore(%arg12 : memref<!tpu.dma_semaphore, #tpu.memory_space<semaphore_mem>>) src(%dma_wait3A_50 : memref<10000x128xf32, #tpu.memory_space<hbm>>) dst(%arg9 : memref<128x128xf32, #tpu.memory_space<vmem>>)
        %add3A_51 = arith.constant 0 : i32
        %add3A_52 = arith.addi %mul3A_43, %add3A_51 : i32
        "tpu.region"() ({
          %run_scoped3A = tpu.sem_alloc : memref<!tpu.dma_semaphore, #tpu.memory_space<semaphore_mem>>
          %dma_start3A_78 = arith.constant 0 : i32
          %dma_start3A_79 = tpu.memref_slice %arg8[%add3A_52, %dma_start3A_78] : memref<40x128xi32, #tpu.memory_space<vmem>> -> memref<1x128xi32, #tpu.memory_space<vmem>>
          %dma_start3A_80 = tpu.memref_squeeze %dma_start3A_79 : memref<1x128xi32, #tpu.memory_space<vmem>> -> memref<128xi32, #tpu.memory_space<vmem>>
          %dma_start3A_81 = arith.constant 0 : i32
          %dma_start3A_82 = arith.constant 0 : i32
          %dma_start3A_83 = tpu.memref_slice %arg11[%dma_start3A_81, %dma_start3A_82] : memref<10240x128xf32, #tpu.memory_space<vmem_shared>> -> memref<10240x128xf32, #tpu.memory_space<vmem_shared>>
          tpu.enqueue_indirect_dma source(%arg9 : memref<128x128xf32, #tpu.memory_space<vmem>>) target(%dma_start3A_83 : memref<10240x128xf32, #tpu.memory_space<vmem_shared>>) offsets(%dma_start3A_80 : memref<128xi32, #tpu.memory_space<vmem>>) semaphore(%run_scoped3A : memref<!tpu.dma_semaphore, #tpu.memory_space<semaphore_mem>>) {add = true}
          %dma_wait3A_84 = arith.constant 0 : i32
          %dma_wait3A_85 = tpu.memref_slice %arg8[%add3A_52, %dma_wait3A_84] : memref<40x128xi32, #tpu.memory_space<vmem>> -> memref<1x128xi32, #tpu.memory_space<vmem>>
          %dma_wait3A_86 = tpu.memref_squeeze %dma_wait3A_85 : memref<1x128xi32, #tpu.memory_space<vmem>> -> memref<128xi32, #tpu.memory_space<vmem>>
          %dma_wait3A_87 = arith.constant 0 : i32
          %dma_wait3A_88 = arith.constant 0 : i32
          %dma_wait3A_89 = tpu.memref_slice %arg11[%dma_wait3A_87, %dma_wait3A_88] : memref<10240x128xf32, #tpu.memory_space<vmem_shared>> -> memref<10240x128xf32, #tpu.memory_space<vmem_shared>>
          tpu.wait_indirect_dma semaphore(%run_scoped3A : memref<!tpu.dma_semaphore, #tpu.memory_space<semaphore_mem>>) src(%arg9 : memref<128x128xf32, #tpu.memory_space<vmem>>) dst(%dma_wait3A_89 : memref<10240x128xf32, #tpu.memory_space<vmem_shared>>)
          tpu.yield
        }) : () -> ()
        %add3A_53 = arith.constant 0 : i32
        %add3A_54 = arith.addi %mul3A_43, %add3A_53 : i32
        %add3A_55 = arith.constant 2 : i32
        %add3A_56 = arith.addi %add3A_54, %add3A_55 : i32
        %lt3A = arith.constant 40 : i32
        %lt3A_57 = arith.cmpi slt, %add3A_56, %lt3A : i32
        %convert_element_type3A = arith.extui %lt3A_57 : i1 to i32
        %cond3A = arith.constant 0 : i32
        %cond3A_58 = arith.cmpi ne, %convert_element_type3A, %cond3A : i32
        scf.if %cond3A_58 {
          %add3A_78 = arith.constant 0 : i32
          %add3A_79 = arith.addi %mul3A_43, %add3A_78 : i32
          %add3A_80 = arith.constant 2 : i32
          %add3A_81 = arith.addi %add3A_79, %add3A_80 : i32
          %dma_start3A_82 = arith.constant 0 : i32
          %dma_start3A_83 = tpu.memref_slice %arg7[%add3A_81, %dma_start3A_82] : memref<40x128xi32, #tpu.memory_space<vmem>> -> memref<1x128xi32, #tpu.memory_space<vmem>>
          %dma_start3A_84 = tpu.memref_squeeze %dma_start3A_83 : memref<1x128xi32, #tpu.memory_space<vmem>> -> memref<128xi32, #tpu.memory_space<vmem>>
          %dma_start3A_85 = arith.constant 0 : i32
          %dma_start3A_86 = arith.constant 0 : i32
          %dma_start3A_87 = tpu.memref_slice %arg2[%dma_start3A_85, %dma_start3A_86] : memref<10000x128xf32, #tpu.memory_space<hbm>> -> memref<10000x128xf32, #tpu.memory_space<hbm>>
          tpu.enqueue_indirect_dma source(%dma_start3A_87 : memref<10000x128xf32, #tpu.memory_space<hbm>>) target(%arg9 : memref<128x128xf32, #tpu.memory_space<vmem>>) offsets(%dma_start3A_84 : memref<128xi32, #tpu.memory_space<vmem>>) semaphore(%arg12 : memref<!tpu.dma_semaphore, #tpu.memory_space<semaphore_mem>>)
        } else {
        }
        %add3A_59 = arith.constant 1 : i32
        %add3A_60 = arith.addi %mul3A_43, %add3A_59 : i32
        %dma_wait3A_61 = arith.constant 0 : i32
        %dma_wait3A_62 = tpu.memref_slice %arg7[%add3A_60, %dma_wait3A_61] : memref<40x128xi32, #tpu.memory_space<vmem>> -> memref<1x128xi32, #tpu.memory_space<vmem>>
        %dma_wait3A_63 = tpu.memref_squeeze %dma_wait3A_62 : memref<1x128xi32, #tpu.memory_space<vmem>> -> memref<128xi32, #tpu.memory_space<vmem>>
        %dma_wait3A_64 = arith.constant 0 : i32
        %dma_wait3A_65 = arith.constant 0 : i32
        %dma_wait3A_66 = tpu.memref_slice %arg2[%dma_wait3A_64, %dma_wait3A_65] : memref<10000x128xf32, #tpu.memory_space<hbm>> -> memref<10000x128xf32, #tpu.memory_space<hbm>>
        tpu.wait_indirect_dma semaphore(%arg13 : memref<!tpu.dma_semaphore, #tpu.memory_space<semaphore_mem>>) src(%dma_wait3A_66 : memref<10000x128xf32, #tpu.memory_space<hbm>>) dst(%arg10 : memref<128x128xf32, #tpu.memory_space<vmem>>)
        %add3A_67 = arith.constant 1 : i32
        %add3A_68 = arith.addi %mul3A_43, %add3A_67 : i32
        "tpu.region"() ({
          %run_scoped3A = tpu.sem_alloc : memref<!tpu.dma_semaphore, #tpu.memory_space<semaphore_mem>>
          %dma_start3A_78 = arith.constant 0 : i32
          %dma_start3A_79 = tpu.memref_slice %arg8[%add3A_68, %dma_start3A_78] : memref<40x128xi32, #tpu.memory_space<vmem>> -> memref<1x128xi32, #tpu.memory_space<vmem>>
          %dma_start3A_80 = tpu.memref_squeeze %dma_start3A_79 : memref<1x128xi32, #tpu.memory_space<vmem>> -> memref<128xi32, #tpu.memory_space<vmem>>
          %dma_start3A_81 = arith.constant 0 : i32
          %dma_start3A_82 = arith.constant 0 : i32
          %dma_start3A_83 = tpu.memref_slice %arg11[%dma_start3A_81, %dma_start3A_82] : memref<10240x128xf32, #tpu.memory_space<vmem_shared>> -> memref<10240x128xf32, #tpu.memory_space<vmem_shared>>
          tpu.enqueue_indirect_dma source(%arg10 : memref<128x128xf32, #tpu.memory_space<vmem>>) target(%dma_start3A_83 : memref<10240x128xf32, #tpu.memory_space<vmem_shared>>) offsets(%dma_start3A_80 : memref<128xi32, #tpu.memory_space<vmem>>) semaphore(%run_scoped3A : memref<!tpu.dma_semaphore, #tpu.memory_space<semaphore_mem>>) {add = true}
          %dma_wait3A_84 = arith.constant 0 : i32
          %dma_wait3A_85 = tpu.memref_slice %arg8[%add3A_68, %dma_wait3A_84] : memref<40x128xi32, #tpu.memory_space<vmem>> -> memref<1x128xi32, #tpu.memory_space<vmem>>
          %dma_wait3A_86 = tpu.memref_squeeze %dma_wait3A_85 : memref<1x128xi32, #tpu.memory_space<vmem>> -> memref<128xi32, #tpu.memory_space<vmem>>
          %dma_wait3A_87 = arith.constant 0 : i32
          %dma_wait3A_88 = arith.constant 0 : i32
          %dma_wait3A_89 = tpu.memref_slice %arg11[%dma_wait3A_87, %dma_wait3A_88] : memref<10240x128xf32, #tpu.memory_space<vmem_shared>> -> memref<10240x128xf32, #tpu.memory_space<vmem_shared>>
          tpu.wait_indirect_dma semaphore(%run_scoped3A : memref<!tpu.dma_semaphore, #tpu.memory_space<semaphore_mem>>) src(%arg10 : memref<128x128xf32, #tpu.memory_space<vmem>>) dst(%dma_wait3A_89 : memref<10240x128xf32, #tpu.memory_space<vmem_shared>>)
          tpu.yield
        }) : () -> ()
        %add3A_69 = arith.constant 1 : i32
        %add3A_70 = arith.addi %mul3A_43, %add3A_69 : i32
        %add3A_71 = arith.constant 2 : i32
        %add3A_72 = arith.addi %add3A_70, %add3A_71 : i32
        %lt3A_73 = arith.constant 40 : i32
        %lt3A_74 = arith.cmpi slt, %add3A_72, %lt3A_73 : i32
        %convert_element_type3A_75 = arith.extui %lt3A_74 : i1 to i32
        %cond3A_76 = arith.constant 0 : i32
        %cond3A_77 = arith.cmpi ne, %convert_element_type3A_75, %cond3A_76 : i32
        scf.if %cond3A_77 {
          %add3A_78 = arith.constant 1 : i32
          %add3A_79 = arith.addi %mul3A_43, %add3A_78 : i32
          %add3A_80 = arith.constant 2 : i32
          %add3A_81 = arith.addi %add3A_79, %add3A_80 : i32
          %dma_start3A_82 = arith.constant 0 : i32
          %dma_start3A_83 = tpu.memref_slice %arg7[%add3A_81, %dma_start3A_82] : memref<40x128xi32, #tpu.memory_space<vmem>> -> memref<1x128xi32, #tpu.memory_space<vmem>>
          %dma_start3A_84 = tpu.memref_squeeze %dma_start3A_83 : memref<1x128xi32, #tpu.memory_space<vmem>> -> memref<128xi32, #tpu.memory_space<vmem>>
          %dma_start3A_85 = arith.constant 0 : i32
          %dma_start3A_86 = arith.constant 0 : i32
          %dma_start3A_87 = tpu.memref_slice %arg2[%dma_start3A_85, %dma_start3A_86] : memref<10000x128xf32, #tpu.memory_space<hbm>> -> memref<10000x128xf32, #tpu.memory_space<hbm>>
          tpu.enqueue_indirect_dma source(%dma_start3A_87 : memref<10000x128xf32, #tpu.memory_space<hbm>>) target(%arg10 : memref<128x128xf32, #tpu.memory_space<vmem>>) offsets(%dma_start3A_84 : memref<128xi32, #tpu.memory_space<vmem>>) semaphore(%arg13 : memref<!tpu.dma_semaphore, #tpu.memory_space<semaphore_mem>>)
        } else {
        }
      }
      %scan3A_40 = arith.constant 20 : i32
    }
    %scan3A_7 = arith.constant 2 : i32
    %barrier3A_8 = arith.constant 0 : index
    tpu.barrier barrier_id(%barrier3A_8)
    %mul3A_9 = arith.constant 640 : i32
    %mul3A_10 = arith.muli %arg1, %mul3A_9 : i32
    %mul3A_11 = arith.constant 10240 : i32
    %mul3A_12 = arith.muli %arg0, %mul3A_11 : i32
    %mul3A_13 = arith.constant 640 : i32
    %mul3A_14 = arith.muli %arg1, %mul3A_13 : i32
    %add3A_15 = arith.addi %mul3A_12, %mul3A_14 : i32
    "tpu.region"() ({
      %run_scoped3A = tpu.sem_alloc : memref<!tpu.dma_semaphore, #tpu.memory_space<semaphore_mem>>
      %dma_start3A = arith.constant 0 : i32
      %dma_start3A_16 = tpu.memref_slice %arg6[%add3A_15, %dma_start3A] : memref<20480x128xf32, #tpu.memory_space<hbm>> -> memref<640x128xf32, #tpu.memory_space<hbm>>
      %dma_start3A_17 = arith.constant 0 : i32
      %dma_start3A_18 = tpu.memref_slice %arg11[%mul3A_10, %dma_start3A_17] : memref<10240x128xf32, #tpu.memory_space<vmem_shared>> -> memref<640x128xf32, #tpu.memory_space<vmem_shared>>
      tpu.enqueue_dma source(%dma_start3A_18 : memref<640x128xf32, #tpu.memory_space<vmem_shared>>) target(%dma_start3A_16 : memref<640x128xf32, #tpu.memory_space<hbm>>) target_semaphore(%run_scoped3A : memref<!tpu.dma_semaphore, #tpu.memory_space<semaphore_mem>>)
      %dma_wait3A = arith.constant 0 : i32
      %dma_wait3A_19 = tpu.memref_slice %arg6[%add3A_15, %dma_wait3A] : memref<20480x128xf32, #tpu.memory_space<hbm>> -> memref<640x128xf32, #tpu.memory_space<hbm>>
      %dma_wait3A_20 = arith.constant 0 : i32
      %dma_wait3A_21 = tpu.memref_slice %arg11[%mul3A_10, %dma_wait3A_20] : memref<10240x128xf32, #tpu.memory_space<vmem_shared>> -> memref<640x128xf32, #tpu.memory_space<vmem_shared>>
      tpu.wait_dma2 semaphore(%run_scoped3A : memref<!tpu.dma_semaphore, #tpu.memory_space<semaphore_mem>>) src(%dma_wait3A_21 : memref<640x128xf32, #tpu.memory_space<vmem_shared>>) dst(%dma_wait3A_19 : memref<640x128xf32, #tpu.memory_space<hbm>>)
      tpu.yield
    }) : () -> ()
    return
  }
}

module attributes {stable_mosaic.version = 14 : i64} {
  func.func @_inv_body(%arg0: i32, %arg1: memref<1000x128xf32, #tpu.memory_space<vmem>>, %arg2: memref<1000x128xf32, #tpu.memory_space<vmem>>, %arg3: memref<1000x128xf32, #tpu.memory_space<vmem>>) attributes {dimension_semantics = [#tpu.dimension_semantics<arbitrary>], iteration_bounds = array<i64: 10>, scalar_prefetch = 0 : i64, scratch_operands = 0 : i64, tpu.core_type = #tpu.core_type<tc>, window_params = [{transform_indices = @transform_0, window_bounds = array<i64: 1000, 128>}, {transform_indices = @transform_1, window_bounds = array<i64: 1000, 128>}, {transform_indices = @transform_2, window_bounds = array<i64: 1000, 128>}]} {
    %get3A = arith.constant 0 : index
    %get3A_0 = arith.constant 0 : index
    %get3A_1 = vector.load %arg1[%get3A, %get3A_0] : memref<1000x128xf32, #tpu.memory_space<vmem>>, vector<1000x128xf32>
    %get3A_2 = arith.constant 0 : index
    %get3A_3 = arith.constant 0 : index
    %get3A_4 = vector.load %arg2[%get3A_2, %get3A_3] : memref<1000x128xf32, #tpu.memory_space<vmem>>, vector<1000x128xf32>
    %add3A = arith.addf %get3A_1, %get3A_4 : vector<1000x128xf32>
    %max3A = arith.constant 1.000000e+00 : f32
    %max3A_5 = vector.broadcast %max3A : f32 to vector<1000x128xf32>
    %max3A_6 = arith.maximumf %add3A, %max3A_5 : vector<1000x128xf32>
    %div3A = arith.constant 1.000000e+00 : f32
    %div3A_7 = vector.broadcast %div3A : f32 to vector<1000x128xf32>
    %div3A_8 = arith.divf %div3A_7, %max3A_6 : vector<1000x128xf32>
    %swap3A = arith.constant 0 : index
    %swap3A_9 = arith.constant 0 : index
    %swap3A_10 = vector.load %arg3[%swap3A, %swap3A_9] : memref<1000x128xf32, #tpu.memory_space<vmem>>, vector<1000x128xf32>
    tpu.vector_store %arg3[%swap3A, %swap3A_9], %div3A_8 {strides = array<i32>} : memref<1000x128xf32, #tpu.memory_space<vmem>>, vector<1000x128xf32>,
    return
  }
  func.func @transform_0(%arg0: i32) -> (i32, i32) {
    %c0_i32 = arith.constant 0 : i32
    %c0_i32_0 = arith.constant 0 : i32
    return %arg0, %c0_i32 : i32, i32
  }
  func.func @transform_1(%arg0: i32) -> (i32, i32) {
    %c0_i32 = arith.constant 0 : i32
    %c0_i32_0 = arith.constant 0 : i32
    return %arg0, %c0_i32 : i32, i32
  }
  func.func @transform_2(%arg0: i32) -> (i32, i32) {
    %c0_i32 = arith.constant 0 : i32
    %c0_i32_0 = arith.constant 0 : i32
    return %arg0, %c0_i32 : i32, i32
  }
}

module attributes {stable_mosaic.version = 14 : i64} {
  func.func @_dense_body(%arg0: i32, %arg1: memref<1000x128xf32, #tpu.memory_space<vmem>>, %arg2: memref<1000x128xf32, #tpu.memory_space<vmem>>, %arg3: memref<1000x128xf32, #tpu.memory_space<vmem>>, %arg4: memref<1000x128xf32, #tpu.memory_space<vmem>>, %arg5: memref<128x128xf32, #tpu.memory_space<vmem>>, %arg6: memref<128x128xf32, #tpu.memory_space<vmem>>, %arg7: memref<1x128xf32, #tpu.memory_space<vmem>>, %arg8: memref<1x128xf32, #tpu.memory_space<vmem>>, %arg9: memref<1x128xf32, #tpu.memory_space<vmem>>, %arg10: memref<1000x128xf32, #tpu.memory_space<vmem>>) attributes {dimension_semantics = [#tpu.dimension_semantics<arbitrary>], iteration_bounds = array<i64: 10>, scalar_prefetch = 0 : i64, scratch_operands = 0 : i64, tpu.core_type = #tpu.core_type<tc>, window_params = [{transform_indices = @transform_0, window_bounds = array<i64: 1000, 128>}, {transform_indices = @transform_1, window_bounds = array<i64: 1000, 128>}, {transform_indices = @transform_2, window_bounds = array<i64: 1000, 128>}, {transform_indices = @transform_3, window_bounds = array<i64: 1000, 128>}, {pipeline_mode = #tpu.pipeline_mode<synchronous>, transform_indices = @transform_4, window_bounds = array<i64: 128, 128>}, {pipeline_mode = #tpu.pipeline_mode<synchronous>, transform_indices = @transform_5, window_bounds = array<i64: 128, 128>}, {pipeline_mode = #tpu.pipeline_mode<synchronous>, transform_indices = @transform_6, window_bounds = array<i64: 1, 128>}, {pipeline_mode = #tpu.pipeline_mode<synchronous>, transform_indices = @transform_7, window_bounds = array<i64: 1, 128>}, {pipeline_mode = #tpu.pipeline_mode<synchronous>, transform_indices = @transform_8, window_bounds = array<i64: 1, 128>}, {transform_indices = @transform_9, window_bounds = array<i64: 1000, 128>}]} {
    %get3A = arith.constant 0 : index
    %get3A_0 = arith.constant 0 : index
    %get3A_1 = vector.load %arg1[%get3A, %get3A_0] : memref<1000x128xf32, #tpu.memory_space<vmem>>, vector<1000x128xf32>
    %get3A_2 = arith.constant 0 : index
    %get3A_3 = arith.constant 0 : index
    %get3A_4 = vector.load %arg2[%get3A_2, %get3A_3] : memref<1000x128xf32, #tpu.memory_space<vmem>>, vector<1000x128xf32>
    %get3A_5 = arith.constant 0 : index
    %get3A_6 = arith.constant 0 : index
    %get3A_7 = vector.load %arg3[%get3A_5, %get3A_6] : memref<1000x128xf32, #tpu.memory_space<vmem>>, vector<1000x128xf32>
    %add3A = arith.addf %get3A_4, %get3A_7 : vector<1000x128xf32>
    %get3A_8 = arith.constant 0 : index
    %get3A_9 = arith.constant 0 : index
    %get3A_10 = vector.load %arg4[%get3A_8, %get3A_9] : memref<1000x128xf32, #tpu.memory_space<vmem>>, vector<1000x128xf32>
    %mul3A = arith.mulf %add3A, %get3A_10 : vector<1000x128xf32>
    %get3A_11 = arith.constant 0 : index
    %get3A_12 = arith.constant 0 : index
    %get3A_13 = vector.load %arg5[%get3A_11, %get3A_12] : memref<128x128xf32, #tpu.memory_space<vmem>>, vector<128x128xf32>
    %dot_general3A = arith.constant dense<0.000000e+00> : vector<1000x128xf32>
    %dot_general3A_14 = tpu.matmul %get3A_1, %get3A_13, %dot_general3A {dimension_numbers = #tpu.dot_dimension_numbers<[1], [0], [0], [1], [0, 0, 1, 1], [], []>, transpose_lhs_hint = false} : vector<1000x128xf32>, vector<128x128xf32>, vector<1000x128xf32> -> vector<1000x128xf32>
    %get3A_15 = arith.constant 0 : index
    %get3A_16 = arith.constant 0 : index
    %get3A_17 = vector.load %arg6[%get3A_15, %get3A_16] : memref<128x128xf32, #tpu.memory_space<vmem>>, vector<128x128xf32>
    %dot_general3A_18 = arith.constant dense<0.000000e+00> : vector<1000x128xf32>
    %dot_general3A_19 = tpu.matmul %mul3A, %get3A_17, %dot_general3A_18 {dimension_numbers = #tpu.dot_dimension_numbers<[1], [0], [0], [1], [0, 0, 1, 1], [], []>, transpose_lhs_hint = false} : vector<1000x128xf32>, vector<128x128xf32>, vector<1000x128xf32> -> vector<1000x128xf32>
    %add3A_20 = arith.addf %dot_general3A_14, %dot_general3A_19 : vector<1000x128xf32>
    %get3A_21 = arith.constant 0 : index
    %get3A_22 = arith.constant 0 : index
    %get3A_23 = vector.load %arg7[%get3A_21, %get3A_22] : memref<1x128xf32, #tpu.memory_space<vmem>>, vector<1x128xf32>
    %add3A_24 = vector.broadcast %get3A_23 : vector<1x128xf32> to vector<1000x128xf32>
    %add3A_25 = arith.addf %add3A_20, %add3A_24 : vector<1000x128xf32>
    %reduce_sum3A = arith.constant dense<0.000000e+00> : vector<1000xf32>
    %reduce_sum3A_26 = vector.multi_reduction <add>, %add3A_25, %reduce_sum3A [1] : vector<1000x128xf32> to vector<1000xf32>
    %broadcast_in_dim3A = vector.shape_cast %reduce_sum3A_26 : vector<1000xf32> to vector<1000x1xf32>
    %div3A = arith.constant 1.280000e+02 : f32
    %div3A_27 = vector.broadcast %div3A : f32 to vector<1000x1xf32>
    %div3A_28 = arith.divf %broadcast_in_dim3A, %div3A_27 : vector<1000x1xf32>
    %sub3A = vector.broadcast %div3A_28 : vector<1000x1xf32> to vector<1000x128xf32>
    %sub3A_29 = arith.subf %add3A_25, %sub3A : vector<1000x128xf32>
    %integer_pow3A = arith.mulf %sub3A_29, %sub3A_29 : vector<1000x128xf32>
    %reduce_sum3A_30 = arith.constant dense<0.000000e+00> : vector<1000xf32>
    %reduce_sum3A_31 = vector.multi_reduction <add>, %integer_pow3A, %reduce_sum3A_30 [1] : vector<1000x128xf32> to vector<1000xf32>
    %broadcast_in_dim3A_32 = vector.shape_cast %reduce_sum3A_31 : vector<1000xf32> to vector<1000x1xf32>
    %div3A_33 = arith.constant 1.280000e+02 : f32
    %div3A_34 = vector.broadcast %div3A_33 : f32 to vector<1000x1xf32>
    %div3A_35 = arith.divf %broadcast_in_dim3A_32, %div3A_34 : vector<1000x1xf32>
    %sub3A_36 = vector.broadcast %div3A_28 : vector<1000x1xf32> to vector<1000x128xf32>
    %sub3A_37 = arith.subf %add3A_25, %sub3A_36 : vector<1000x128xf32>
    %add3A_38 = arith.constant 9.99999974E-6 : f32
    %add3A_39 = vector.broadcast %add3A_38 : f32 to vector<1000x1xf32>
    %add3A_40 = arith.addf %div3A_35, %add3A_39 : vector<1000x1xf32>
    %rsqrt3A = math.rsqrt %add3A_40 : vector<1000x1xf32>
    %mul3A_41 = vector.broadcast %rsqrt3A : vector<1000x1xf32> to vector<1000x128xf32>
    %mul3A_42 = arith.mulf %sub3A_37, %mul3A_41 : vector<1000x128xf32>
    %get3A_43 = arith.constant 0 : index
    %get3A_44 = arith.constant 0 : index
    %get3A_45 = vector.load %arg8[%get3A_43, %get3A_44] : memref<1x128xf32, #tpu.memory_space<vmem>>, vector<1x128xf32>
    %mul3A_46 = vector.broadcast %get3A_45 : vector<1x128xf32> to vector<1000x128xf32>
    %mul3A_47 = arith.mulf %mul3A_42, %mul3A_46 : vector<1000x128xf32>
    %get3A_48 = arith.constant 0 : index
    %get3A_49 = arith.constant 0 : index
    %get3A_50 = vector.load %arg9[%get3A_48, %get3A_49] : memref<1x128xf32, #tpu.memory_space<vmem>>, vector<1x128xf32>
    %add3A_51 = vector.broadcast %get3A_50 : vector<1x128xf32> to vector<1000x128xf32>
    %add3A_52 = arith.addf %mul3A_47, %add3A_51 : vector<1000x128xf32>
    %max3A = arith.constant 0.000000e+00 : f32
    %max3A_53 = vector.broadcast %max3A : f32 to vector<1000x128xf32>
    %max3A_54 = arith.maximumf %add3A_52, %max3A_53 : vector<1000x128xf32>
    %add3A_55 = arith.addf %get3A_1, %max3A_54 : vector<1000x128xf32>
    %swap3A = arith.constant 0 : index
    %swap3A_56 = arith.constant 0 : index
    %swap3A_57 = vector.load %arg10[%swap3A, %swap3A_56] : memref<1000x128xf32, #tpu.memory_space<vmem>>, vector<1000x128xf32>
    tpu.vector_store %arg10[%swap3A, %swap3A_56], %add3A_55 {strides = array<i32>} : memref<1000x128xf32, #tpu.memory_space<vmem>>, vector<1000x128xf32>,
    return
  }
  func.func @transform_0(%arg0: i32) -> (i32, i32) {
    %c0_i32 = arith.constant 0 : i32
    %c0_i32_0 = arith.constant 0 : i32
    return %arg0, %c0_i32 : i32, i32
  }
  func.func @transform_1(%arg0: i32) -> (i32, i32) {
    %c0_i32 = arith.constant 0 : i32
    %c0_i32_0 = arith.constant 0 : i32
    return %arg0, %c0_i32 : i32, i32
  }
  func.func @transform_2(%arg0: i32) -> (i32, i32) {
    %c0_i32 = arith.constant 0 : i32
    %c0_i32_0 = arith.constant 0 : i32
    return %arg0, %c0_i32 : i32, i32
  }
  func.func @transform_3(%arg0: i32) -> (i32, i32) {
    %c0_i32 = arith.constant 0 : i32
    %c0_i32_0 = arith.constant 0 : i32
    return %arg0, %c0_i32 : i32, i32
  }
  func.func @transform_4(%arg0: i32) -> (i32, i32) {
    %c0_i32 = arith.constant 0 : i32
    %c0_i32_0 = arith.constant 0 : i32
    %c0_i32_1 = arith.constant 0 : i32
    return %c0_i32, %c0_i32_0 : i32, i32
  }
  func.func @transform_5(%arg0: i32) -> (i32, i32) {
    %c0_i32 = arith.constant 0 : i32
    %c0_i32_0 = arith.constant 0 : i32
    %c0_i32_1 = arith.constant 0 : i32
    return %c0_i32, %c0_i32_0 : i32, i32
  }
  func.func @transform_6(%arg0: i32) -> (i32, i32) {
    %c0_i32 = arith.constant 0 : i32
    %c0_i32_0 = arith.constant 0 : i32
    %c0_i32_1 = arith.constant 0 : i32
    return %c0_i32, %c0_i32_0 : i32, i32
  }
  func.func @transform_7(%arg0: i32) -> (i32, i32) {
    %c0_i32 = arith.constant 0 : i32
    %c0_i32_0 = arith.constant 0 : i32
    %c0_i32_1 = arith.constant 0 : i32
    return %c0_i32, %c0_i32_0 : i32, i32
  }
  func.func @transform_8(%arg0: i32) -> (i32, i32) {
    %c0_i32 = arith.constant 0 : i32
    %c0_i32_0 = arith.constant 0 : i32
    %c0_i32_1 = arith.constant 0 : i32
    return %c0_i32, %c0_i32_0 : i32, i32
  }
  func.func @transform_9(%arg0: i32) -> (i32, i32) {
    %c0_i32 = arith.constant 0 : i32
    %c0_i32_0 = arith.constant 0 : i32
    return %arg0, %c0_i32 : i32, i32
  }
}

module attributes {stable_mosaic.version = 14 : i64} {
  func.func @_dense_body(%arg0: i32, %arg1: memref<1000x128xf32, #tpu.memory_space<vmem>>, %arg2: memref<1000x128xf32, #tpu.memory_space<vmem>>, %arg3: memref<1000x128xf32, #tpu.memory_space<vmem>>, %arg4: memref<1000x128xf32, #tpu.memory_space<vmem>>, %arg5: memref<128x128xf32, #tpu.memory_space<vmem>>, %arg6: memref<128x128xf32, #tpu.memory_space<vmem>>, %arg7: memref<1x128xf32, #tpu.memory_space<vmem>>, %arg8: memref<1x128xf32, #tpu.memory_space<vmem>>, %arg9: memref<1x128xf32, #tpu.memory_space<vmem>>, %arg10: memref<1000x128xf32, #tpu.memory_space<vmem>>) attributes {dimension_semantics = [#tpu.dimension_semantics<arbitrary>], iteration_bounds = array<i64: 10>, scalar_prefetch = 0 : i64, scratch_operands = 0 : i64, tpu.core_type = #tpu.core_type<tc>, window_params = [{transform_indices = @transform_0, window_bounds = array<i64: 1000, 128>}, {transform_indices = @transform_1, window_bounds = array<i64: 1000, 128>}, {transform_indices = @transform_2, window_bounds = array<i64: 1000, 128>}, {transform_indices = @transform_3, window_bounds = array<i64: 1000, 128>}, {pipeline_mode = #tpu.pipeline_mode<synchronous>, transform_indices = @transform_4, window_bounds = array<i64: 128, 128>}, {pipeline_mode = #tpu.pipeline_mode<synchronous>, transform_indices = @transform_5, window_bounds = array<i64: 128, 128>}, {pipeline_mode = #tpu.pipeline_mode<synchronous>, transform_indices = @transform_6, window_bounds = array<i64: 1, 128>}, {pipeline_mode = #tpu.pipeline_mode<synchronous>, transform_indices = @transform_7, window_bounds = array<i64: 1, 128>}, {pipeline_mode = #tpu.pipeline_mode<synchronous>, transform_indices = @transform_8, window_bounds = array<i64: 1, 128>}, {transform_indices = @transform_9, window_bounds = array<i64: 1000, 128>}]} {
    %get3A = arith.constant 0 : index
    %get3A_0 = arith.constant 0 : index
    %get3A_1 = vector.load %arg1[%get3A, %get3A_0] : memref<1000x128xf32, #tpu.memory_space<vmem>>, vector<1000x128xf32>
    %get3A_2 = arith.constant 0 : index
    %get3A_3 = arith.constant 0 : index
    %get3A_4 = vector.load %arg2[%get3A_2, %get3A_3] : memref<1000x128xf32, #tpu.memory_space<vmem>>, vector<1000x128xf32>
    %get3A_5 = arith.constant 0 : index
    %get3A_6 = arith.constant 0 : index
    %get3A_7 = vector.load %arg3[%get3A_5, %get3A_6] : memref<1000x128xf32, #tpu.memory_space<vmem>>, vector<1000x128xf32>
    %add3A = arith.addf %get3A_4, %get3A_7 : vector<1000x128xf32>
    %get3A_8 = arith.constant 0 : index
    %get3A_9 = arith.constant 0 : index
    %get3A_10 = vector.load %arg4[%get3A_8, %get3A_9] : memref<1000x128xf32, #tpu.memory_space<vmem>>, vector<1000x128xf32>
    %mul3A = arith.mulf %add3A, %get3A_10 : vector<1000x128xf32>
    %get3A_11 = arith.constant 0 : index
    %get3A_12 = arith.constant 0 : index
    %get3A_13 = vector.load %arg5[%get3A_11, %get3A_12] : memref<128x128xf32, #tpu.memory_space<vmem>>, vector<128x128xf32>
    %dot_general3A = arith.constant dense<0.000000e+00> : vector<1000x128xf32>
    %dot_general3A_14 = tpu.matmul %get3A_1, %get3A_13, %dot_general3A {dimension_numbers = #tpu.dot_dimension_numbers<[1], [0], [0], [1], [0, 0, 1, 1], [], []>, transpose_lhs_hint = false} : vector<1000x128xf32>, vector<128x128xf32>, vector<1000x128xf32> -> vector<1000x128xf32>
    %get3A_15 = arith.constant 0 : index
    %get3A_16 = arith.constant 0 : index
    %get3A_17 = vector.load %arg6[%get3A_15, %get3A_16] : memref<128x128xf32, #tpu.memory_space<vmem>>, vector<128x128xf32>
    %dot_general3A_18 = arith.constant dense<0.000000e+00> : vector<1000x128xf32>
    %dot_general3A_19 = tpu.matmul %mul3A, %get3A_17, %dot_general3A_18 {dimension_numbers = #tpu.dot_dimension_numbers<[1], [0], [0], [1], [0, 0, 1, 1], [], []>, transpose_lhs_hint = false} : vector<1000x128xf32>, vector<128x128xf32>, vector<1000x128xf32> -> vector<1000x128xf32>
    %add3A_20 = arith.addf %dot_general3A_14, %dot_general3A_19 : vector<1000x128xf32>
    %get3A_21 = arith.constant 0 : index
    %get3A_22 = arith.constant 0 : index
    %get3A_23 = vector.load %arg7[%get3A_21, %get3A_22] : memref<1x128xf32, #tpu.memory_space<vmem>>, vector<1x128xf32>
    %add3A_24 = vector.broadcast %get3A_23 : vector<1x128xf32> to vector<1000x128xf32>
    %add3A_25 = arith.addf %add3A_20, %add3A_24 : vector<1000x128xf32>
    %reduce_sum3A = arith.constant dense<0.000000e+00> : vector<1000xf32>
    %reduce_sum3A_26 = vector.multi_reduction <add>, %add3A_25, %reduce_sum3A [1] : vector<1000x128xf32> to vector<1000xf32>
    %broadcast_in_dim3A = vector.shape_cast %reduce_sum3A_26 : vector<1000xf32> to vector<1000x1xf32>
    %div3A = arith.constant 1.280000e+02 : f32
    %div3A_27 = vector.broadcast %div3A : f32 to vector<1000x1xf32>
    %div3A_28 = arith.divf %broadcast_in_dim3A, %div3A_27 : vector<1000x1xf32>
    %sub3A = vector.broadcast %div3A_28 : vector<1000x1xf32> to vector<1000x128xf32>
    %sub3A_29 = arith.subf %add3A_25, %sub3A : vector<1000x128xf32>
    %integer_pow3A = arith.mulf %sub3A_29, %sub3A_29 : vector<1000x128xf32>
    %reduce_sum3A_30 = arith.constant dense<0.000000e+00> : vector<1000xf32>
    %reduce_sum3A_31 = vector.multi_reduction <add>, %integer_pow3A, %reduce_sum3A_30 [1] : vector<1000x128xf32> to vector<1000xf32>
    %broadcast_in_dim3A_32 = vector.shape_cast %reduce_sum3A_31 : vector<1000xf32> to vector<1000x1xf32>
    %div3A_33 = arith.constant 1.280000e+02 : f32
    %div3A_34 = vector.broadcast %div3A_33 : f32 to vector<1000x1xf32>
    %div3A_35 = arith.divf %broadcast_in_dim3A_32, %div3A_34 : vector<1000x1xf32>
    %sub3A_36 = vector.broadcast %div3A_28 : vector<1000x1xf32> to vector<1000x128xf32>
    %sub3A_37 = arith.subf %add3A_25, %sub3A_36 : vector<1000x128xf32>
    %add3A_38 = arith.constant 9.99999974E-6 : f32
    %add3A_39 = vector.broadcast %add3A_38 : f32 to vector<1000x1xf32>
    %add3A_40 = arith.addf %div3A_35, %add3A_39 : vector<1000x1xf32>
    %rsqrt3A = math.rsqrt %add3A_40 : vector<1000x1xf32>
    %mul3A_41 = vector.broadcast %rsqrt3A : vector<1000x1xf32> to vector<1000x128xf32>
    %mul3A_42 = arith.mulf %sub3A_37, %mul3A_41 : vector<1000x128xf32>
    %get3A_43 = arith.constant 0 : index
    %get3A_44 = arith.constant 0 : index
    %get3A_45 = vector.load %arg8[%get3A_43, %get3A_44] : memref<1x128xf32, #tpu.memory_space<vmem>>, vector<1x128xf32>
    %mul3A_46 = vector.broadcast %get3A_45 : vector<1x128xf32> to vector<1000x128xf32>
    %mul3A_47 = arith.mulf %mul3A_42, %mul3A_46 : vector<1000x128xf32>
    %get3A_48 = arith.constant 0 : index
    %get3A_49 = arith.constant 0 : index
    %get3A_50 = vector.load %arg9[%get3A_48, %get3A_49] : memref<1x128xf32, #tpu.memory_space<vmem>>, vector<1x128xf32>
    %add3A_51 = vector.broadcast %get3A_50 : vector<1x128xf32> to vector<1000x128xf32>
    %add3A_52 = arith.addf %mul3A_47, %add3A_51 : vector<1000x128xf32>
    %max3A = arith.constant 0.000000e+00 : f32
    %max3A_53 = vector.broadcast %max3A : f32 to vector<1000x128xf32>
    %max3A_54 = arith.maximumf %add3A_52, %max3A_53 : vector<1000x128xf32>
    %add3A_55 = arith.addf %get3A_1, %max3A_54 : vector<1000x128xf32>
    %swap3A = arith.constant 0 : index
    %swap3A_56 = arith.constant 0 : index
    %swap3A_57 = vector.load %arg10[%swap3A, %swap3A_56] : memref<1000x128xf32, #tpu.memory_space<vmem>>, vector<1000x128xf32>
    tpu.vector_store %arg10[%swap3A, %swap3A_56], %add3A_55 {strides = array<i32>} : memref<1000x128xf32, #tpu.memory_space<vmem>>, vector<1000x128xf32>,
    return
  }
  func.func @transform_0(%arg0: i32) -> (i32, i32) {
    %c0_i32 = arith.constant 0 : i32
    %c0_i32_0 = arith.constant 0 : i32
    return %arg0, %c0_i32 : i32, i32
  }
  func.func @transform_1(%arg0: i32) -> (i32, i32) {
    %c0_i32 = arith.constant 0 : i32
    %c0_i32_0 = arith.constant 0 : i32
    return %arg0, %c0_i32 : i32, i32
  }
  func.func @transform_2(%arg0: i32) -> (i32, i32) {
    %c0_i32 = arith.constant 0 : i32
    %c0_i32_0 = arith.constant 0 : i32
    return %arg0, %c0_i32 : i32, i32
  }
  func.func @transform_3(%arg0: i32) -> (i32, i32) {
    %c0_i32 = arith.constant 0 : i32
    %c0_i32_0 = arith.constant 0 : i32
    return %arg0, %c0_i32 : i32, i32
  }
  func.func @transform_4(%arg0: i32) -> (i32, i32) {
    %c0_i32 = arith.constant 0 : i32
    %c0_i32_0 = arith.constant 0 : i32
    %c0_i32_1 = arith.constant 0 : i32
    return %c0_i32, %c0_i32_0 : i32, i32
  }
  func.func @transform_5(%arg0: i32) -> (i32, i32) {
    %c0_i32 = arith.constant 0 : i32
    %c0_i32_0 = arith.constant 0 : i32
    %c0_i32_1 = arith.constant 0 : i32
    return %c0_i32, %c0_i32_0 : i32, i32
  }
  func.func @transform_6(%arg0: i32) -> (i32, i32) {
    %c0_i32 = arith.constant 0 : i32
    %c0_i32_0 = arith.constant 0 : i32
    %c0_i32_1 = arith.constant 0 : i32
    return %c0_i32, %c0_i32_0 : i32, i32
  }
  func.func @transform_7(%arg0: i32) -> (i32, i32) {
    %c0_i32 = arith.constant 0 : i32
    %c0_i32_0 = arith.constant 0 : i32
    %c0_i32_1 = arith.constant 0 : i32
    return %c0_i32, %c0_i32_0 : i32, i32
  }
  func.func @transform_8(%arg0: i32) -> (i32, i32) {
    %c0_i32 = arith.constant 0 : i32
    %c0_i32_0 = arith.constant 0 : i32
    %c0_i32_1 = arith.constant 0 : i32
    return %c0_i32, %c0_i32_0 : i32, i32
  }
  func.func @transform_9(%arg0: i32) -> (i32, i32) {
    %c0_i32 = arith.constant 0 : i32
    %c0_i32_0 = arith.constant 0 : i32
    return %arg0, %c0_i32 : i32, i32
  }
}

</mosaic_0001>

<sc_bundles>
// kernel: kernel.12.cloned.1.call-start
scs
__scs_entry_jumppad:
0x0: {  	(pc) =	sbr.rel $0x88, $3  }
0x1: {  	(tag) =	ssettag $0x0;
	lr =	simm.s32 $0x1  }
0x2: {  	[smem:$0x3F9A] =	sst lr;
	_ =	strace $0xD0000000  }
0x3: {  	_ = 	snop  }
0x4: {  	_ = 	snop  }
0x5: {  	_ = 	snop  }
0x6: {  	_ = 	snop  }
0x7: {  	_ = 	snop  }
__scs_overlays_trampoline_lowered:
0x8: {  	[smem:$0x3FA9] =	sst s0  }
0x9: {  	[smem:$0x3FAA] =	sst s1  }
0xa: {  	[smem:$0x3FAB] =	sst s2  }
0xb: {  	[smem:$0x3FAC] =	sst s3  }
0xc: {  	[smem:$0x3FAD] =	sst s4  }
0xd: {  	[smem:$0x3FAE] =	sst s5  }
0xe: {  	[smem:$0x3FAF] =	sst s6  }
0xf: {  	[smem:$0x3FB0] =	sst s7  }
0x10: {  	[smem:$0x3FB1] =	sst s8  }
0x11: {  	[smem:$0x3FB2] =	sst s9;
	s0 =	simm.s32 @!p0 $0x0  }
0x12: {  	s1 =	sld [smem:$0x3F98];
	s0 =	simm.s32 @p0 $0x1  }
0x13: {  	[smem:$0x3FB3] =	sst s0;
	s0 =	simm.s32 @!p1 $0x0  }
0x14: {  	s2 =	sld [smem:$0x3F97];
	s0 =	simm.s32 @p1 $0x1  }
0x15: {  	[smem:$0x3FB4] =	sst s0;
	s0 =	simm.s32 @!p2 $0x0  }
0x16: {  	s3 =	sld [smem:$0x3FDB];
	s0 =	simm.s32 @p2 $0x1  }
0x17: {  	s4 =	simm.s32 $0x1BF5;
	[smem:$0x3FB6] =	sst s0  }
0x18: {  	s0 =	sld [smem:$0x3F99];
	_ =	swait.ge [sflag:s4], $0x0  }
0x19: {  	s7 =	sld [smem:$0x3F9A]  }
0x1a: {  	s8 =	sadd.s32 $0xFFFFE003, lr  }
0x1b: {  	s9 =	sadd.s32 $0xFFFFFEF7, lr;
	s5 =	simm.s32 $0xFFFFFFFF;
	p2 =	slt.u32 s8, $0xFFFFF086  }
0x1c: {  	p1 =	slt.u32 s9, $0xF7A;
	s5 =	simm.s32 @!p2 $0x0  }
0x1d: {  	s5 =	simm.s32 @p1 $0x1;
	p0 =	seq.s32 s7, s2  }
0x1e: {  	s7 =	smul.u32 @!p0 $0xF7A, s2;
	p2 =	seq.s32 @!p0 s5, $0x0  }
0x1f: {  	s9 =	smul.u32 $0xF7A, s1;
	s8 =	simm.s32 @!p0 $0x1BF5;
	p2 =	por !p2, p0  }
0x20: {  	[sflag:s8] =	ssyncset.s32 @!p0 $0xFFFFF086;
	s6 =	sadd.s32 @!p0 s3, s7;
	s7 =	simm.s32 @!p0 $0x108  }
0x21: {  	s3 =	sadd.s32 s3, s9;
	s6 =	sadd.s32 @!p0 $0x88, s6;
	s7 =	simm.s32 @p2 $0x1082  }
0x22: {  	[simem:s7], [sflag:s8] =	dma.local @!p0 [hbm:s6], $0xF7A  }
0x23: {  	s9 =	sor.u32 $0xD0000000, s2;
	s6 =	simm.s32 $0x108;
	_ =	swait.ge @!p0 [sflag:s8], $0x0  }
0x24: {  	s3 =	sadd.s32 $0x88, s3;
	s6 =	simm.s32 @!p1 $0x1082;
	[sflag:s4] =	ssyncset.s32 $0xFFFFF086  }
0x25: {  	[simem:s6], [sflag:s4] =	dma.local [hbm:s3], $0xF7A  }
0x26: {  	[smem:$0x3F9A] =	sst s1;
	(tag) =	ssettag s2;
	_ =	strace s9  }
0x27: {  	s1 =	sld [smem:$0x3FAA]  }
0x28: {  	s2 =	sld [smem:$0x3FAB]  }
0x29: {  	s4 =	sld [smem:$0x3FAD]  }
0x2a: {  	p0 =	seq.s32 s5, $0x0;
	s5 =	sld [smem:$0x3FAE]  }
0x2b: {  	s6 =	sld [smem:$0x3FAF]  }
0x2c: {  	s7 =	sld [smem:$0x3FB0]  }
0x2d: {  	s3 =	simm.s32 $0x108;
	s8 =	sld [smem:$0x3FB1]  }
0x2e: {  	s3 =	simm.s32 @!p0 $0x1082;
	s9 =	sld [smem:$0x3FB2]  }
0x2f: {  	lr =	sadd.s32 s0, s3;
	s0 =	sld [smem:$0x3FA9]  }
0x30: {  	s3 =	sld [smem:$0x3FAC]  }
0x31: {  	[smem:$0x3FB5] =	sst s10  }
0x32: {  	s10 =	sld [smem:$0x3FB3];
	_ =	sdelay $0x3  }
0x33: {  	p0 =	seq.s32 s10, $0x1;
	s10 =	sld [smem:$0x3FB5];
	_ =	sdelay $0x3  }
0x34: {  	[smem:$0x3FB5] =	sst s10  }
0x35: {  	s10 =	sld [smem:$0x3FB4];
	_ =	sdelay $0x3  }
0x36: {  	p1 =	seq.s32 s10, $0x1;
	s10 =	sld [smem:$0x3FB5];
	_ =	sdelay $0x3  }
0x37: {  	[smem:$0x3FB5] =	sst s10  }
0x38: {  	s10 =	sld [smem:$0x3FB6]  }
0x39: {  	_ = 	snop;
	(pc) =	sbr.ind lr, $3  }
0x3a: {  	_ = 	snop  }
0x3b: {  	_ = 	snop  }
0x3c: {  	p2 =	seq.s32 s10, $0x1;
	s10 =	sld [smem:$0x3FB5]  }
0x3d: {  	_ =	shalt  }
0x3e: {  	_ =	shalt  }
0x3f: {  	_ =	shalt  }
0x40: {  	_ =	shalt  }
0x41: {  	_ =	shalt  }
0x42: {  	_ =	shalt  }
0x43: {  	_ =	shalt  }
0x44: {  	_ =	shalt  }
0x45: {  	_ =	shalt  }
0x46: {  	_ =	shalt  }
0x47: {  	_ =	shalt  }
0x48: {  	_ =	shalt  }
0x49: {  	_ =	shalt  }
0x4a: {  	_ =	shalt  }
0x4b: {  	_ =	shalt  }
0x4c: {  	_ =	shalt  }
0x4d: {  	_ =	shalt  }
0x4e: {  	_ =	shalt  }
0x4f: {  	_ =	shalt  }
0x50: {  	_ =	shalt  }
0x51: {  	_ =	shalt  }
0x52: {  	_ =	shalt  }
0x53: {  	_ =	shalt  }
0x54: {  	_ =	shalt  }
0x55: {  	_ =	shalt  }
0x56: {  	_ =	shalt  }
0x57: {  	_ =	shalt  }
0x58: {  	_ =	shalt  }
0x59: {  	_ =	shalt  }
0x5a: {  	_ =	shalt  }
0x5b: {  	_ =	shalt  }
0x5c: {  	_ =	shalt  }
0x5d: {  	_ =	shalt  }
0x5e: {  	_ =	shalt  }
0x5f: {  	_ =	shalt  }
0x60: {  	_ =	shalt  }
0x61: {  	_ =	shalt  }
0x62: {  	_ =	shalt  }
0x63: {  	_ =	shalt  }
0x64: {  	_ =	shalt  }
0x65: {  	_ =	shalt  }
0x66: {  	_ =	shalt  }
0x67: {  	_ =	shalt  }
0x68: {  	_ =	shalt  }
0x69: {  	_ =	shalt  }
0x6a: {  	_ =	shalt  }
0x6b: {  	_ =	shalt  }
0x6c: {  	_ =	shalt  }
0x6d: {  	_ =	shalt  }
0x6e: {  	_ =	shalt  }
0x6f: {  	_ =	shalt  }
0x70: {  	_ =	shalt  }
0x71: {  	_ =	shalt  }
0x72: {  	_ =	shalt  }
0x73: {  	_ =	shalt  }
0x74: {  	_ =	shalt  }
0x75: {  	_ =	shalt  }
0x76: {  	_ =	shalt  }
0x77: {  	_ =	shalt  }
0x78: {  	_ =	shalt  }
0x79: {  	_ =	shalt  }
0x7a: {  	_ =	shalt  }
0x7b: {  	_ =	shalt  }
0x7c: {  	_ =	shalt  }
0x7d: {  	_ =	shalt  }
0x7e: {  	_ =	shalt  }
0x7f: {  	_ =	shalt  }
0x80: {  	_ =	shalt  }
0x81: {  	_ =	shalt  }
0x82: {  	_ =	shalt  }
0x83: {  	_ =	shalt  }
0x84: {  	_ =	shalt  }
0x85: {  	_ =	shalt  }
0x86: {  	_ =	shalt  }
0x87: {  	_ =	shalt  }
.Lfunc_end0:
.L_simem_size_0:
called_computation_lowered:
.L_overlay_start_0:
0x88: {  	s2 =	sld [smem:$0x3FD9]  }
0x89: {  	s3 =	sld [smem:$0x3FFE];
	_ =	sdelay $0x1  }
0x8a: {  	s1 =	srdreg.scid  }
0x8b: {  	s0 =	sand.u32 $0x1, s1  }
0x8c: {  	s17 =	sshll.u32 s0, $0xA;
	s2 =	sadd.s32 s3, s2  }
0x8d: {  	s2 =	sadd.s32 s2, s17  }
0x8e: {  	[smem:$0x3FC1] =	sst s2  }
0x8f: {  	_ = 	snop  }
0x90: {  	s2 =	sld [smem:$0x3FD0];
	(tm) =	ssettm $0x1  }
0x91: {  	s18 =	sld [smem:$0x3FFB];
	_ =	sdelay $0x3  }
0x92: {  	_ =	strace s18  }
0x93: {  	s3 =	sld [smem:$0x3FFC];
	_ =	sdelay $0x3  }
0x94: {  	_ =	strace s3  }
0x95: {  	s3 =	sld [smem:$0x3FFD];
	_ =	sdelay $0x3  }
0x96: {  	_ =	strace s3  }
0x97: {  	_ =	strace $0x8FFFFFFF  }
0x98: {  	s19 =	sld [smem:$0x3FDB];
	_ =	sdelay $0x1  }
0x99: {  	s4 =	simm.s32 $_scs_section_size  }
0x9a: {  	s5 =	simm.s32 $_size__tile_overlayer_lowered;
	s6 =	simm.s32 $_tile_overlayer_lowered  }
0x9b: {  	s22 =	simm.s32 $0x1BFF;
	s21 =	sshll.u32 s6, $0x1;
	s3 =	sadd.s32 s4, s19  }
0x9c: {  	s7 =	simm.s32 $0x0;
	s20 =	sshll.u32 s5, $0x1;
	s5 =	sadd.s32 s21, s3  }
0x9d: {  	[timem:s7], [sflag:s22] =	dma.local [hbm:s5], s20  }
0x9e: {  	_ =	swait.ge [sflag:s22], s20  }
0x9f: {  	s4 =	ssub.s32 $0x0, s20;
	[sflag:s22] =	ssyncset.done $0x0  }
0xa0: {  	[sflag:s22] =	ssyncadd.s32 s4;
	_ =	sdelay $0x1  }
0xa1: {  	s23 =	simm.s32 $0x1B8B  }
0xa2: {  	_ =	swait.ge [sflag:s23], $0x1  }
0xa3: {  	[sflag:s23] =	ssyncset.done $0x0  }
0xa4: {  	s25 =	simm.s32 $0x1B8E;
	s24 =	sld [smem:$0x3FFE];
	[sflag:s23] =	ssyncadd.s32 $0xFFFFFFFF  }
0xa5: {  	s26 =	simm.s32 $execute0_lowered;
	[smem:$0x3FD2] =	sst s25  }
0xa6: {  	s5 =	sshll.u32 s26, $0x1;
	_ =	strace $0x80000046;
	[dreg:$0x1] =	wrdreg $0xFFFFFFFF  }
0xa7: {  	s28 =	simm.s32 $_size_execute0_lowered;
	s3 =	sadd.s32 s3, s5;
	[dreg:$0x0] =	wrdreg $0x0  }
0xa8: {  	s5 =	sshll.u32 s28, $0x1;
	[dreg:$0x2] =	wrdreg s3  }
0xa9: {  	[dreg:$0x3] =	wrdreg s5  }
0xaa: {  	[dreg:$0x4] =	wrdreg $0xC0  }
0xab: {  	_ =	task [dreg:s7], $0x5FFFF  }
0xac: {  	[dreg:$0x1] =	wrdreg $0xFFFFFFFF  }
0xad: {  	[dreg:$0x0] =	wrdreg $0x60  }
0xae: {  	[dreg:$0x2] =	wrdreg s24  }
0xaf: {  	[dreg:$0x3] =	wrdreg s2  }
0xb0: {  	[dreg:$0x4] =	wrdreg $0x54000  }
0xb1: {  	[dreg:$0x5] =	wrdreg $0x9  }
0xb2: {  	_ =	task.clear_ibuf [dreg:s7], $0x6FFFF;
	_ =	strace $0x90000046  }
0xb3: {  	s29 =	simm.s32 $0x9;
	_ =	strace $0x80000048  }
0xb4: {  	_ =	swait.ge [sflag:s29], $0x1  }
0xb5: {  	[sflag:s29] =	ssyncadd.s32 $0xFFFFFFFF  }
0xb6: {  	_ =	strace $0x90000048  }
0xb7: {  	_ =	sfence  }
0xb8: {  	s30 =	sld [smem:$0x0];
	_ =	sdelay $0x2  }
0xb9: {  	s31 =	sshll.u32 s1, $0xD;
	s1 =	sshrl.u32 s1, $0x2  }
0xba: {  	s3 =	sand.u32 $0x4000, s31;
	s1 =	sadd.s32 s1, s30  }
0xbb: {  	s0 =	sor.u32 s3, s0;
	s1 =	sshll.u32 s1, $0x11  }
0xbc: {  	s0 =	sor.u32 s1, s0  }
0xbd: {  	s0 =	sadd.s32 $0x8F2B, s0  }
0xbe: {  	[sflag:s0] =	ssyncadd.remote.s32 $0x1  }
0xbf: {  	_ =	sfence.sel $0xFFFF  }
0xc0: {  	[dreg:$0x0] =	wrdreg $0xFFFFFFFF;
	(pc) =	sbr.abs _section_cstart, $3  }
0xc1: {  	[dreg:$0x1] =	wrdreg $0xFFFFFFFF  }
0xc2: {  	_ =	task.clear_ibuf [dreg:s7], $0x2FFFF;
	_ =	strace $0x9FFFFFFF  }
0xc3: {  	(tm) =	ssettm $0x7FFFFFFF  }
tec
execute0_lowered:
.L_overlay_start_1:
0x0: {  	(tag) =	ssettag $0x1  }
0x1: {  	s6 =	rddreg [dreg:$0x0]  }
0x2: {  	s1 =	rddreg [dreg:$0x1]  }
0x3: {  	s2 =	rddreg [dreg:$0x2]  }
0x4: {  	s0 =	rddreg [dreg:$0x3];
	s4 =	simm.s32 $0x0;
	s5 =	srdreg.scid  }
0x5: {  	s3 =	stileid.u32;
	s14 =	simm.s32 $0x80;
	s15 =	simm.s32 $0x0  }
0x6: {  	[smem:$0x7FF] =	sst s4;
	s7 =	sadd.s32 $0x5200, s6;
	s9 =	smul.u32 $0x2800, s3  }
0x7: {  	s8 =	sand.u32 $0x1, s5;
	s5 =	sadd.s32 $0x19200, s6;
	s12 =	smul.u32 $0x50000, s3  }
0x8: {  	s28 =	sshll.u32 s3, $0x6;
	_ =	strace $0x80000047;
	s11 =	sshll.u32 s8, $0x4  }
0x9: {  	s10 =	smul.u32 $0x28000, s8;
	s8 =	ssub.s32 $0x2, s8;
	s11 =	sor.u32 s3, s11  }
0xa: {  	s25 =	sshrl.u32 s8, $0x1;
	s26 =	sshrl.u32 s12, $0x2;
	s12 =	simm.s32 $0x1  }
0xb: {  	s9 =	sadd.s32 s9, s10;
	s13 =	smul.u32 $0x2800, s11;
	s10 =	ssub.s32 s8, s25  }
0xc: {  	s11 =	smul.u32 $0x500, s11;
	s30 =	sadd.s32 s26, s2;
	s9 =	sadd.s32 s9, s6  }
0xd: {  	s6 =	sor.u32 $0x1C01, s28;
	s10 =	smax.u32 s10, $0x1;
	s29 =	sshrl.u32 s13, $0x3  }
0xe: {  	s9 =	sadd.s32 $0x1BA00, s9;
	s13 =	simm.s32 $0x1400;
	s31 =	sadd.s32 s7, s29  }
0xf: {  	s7 =	sadd.s32 s7, s11;
	s11 =	sshrl.u32 s30, $0x3;
	s8 =	sadd.s32 $0x280, s31  }
.LBB2_1:
0x10: {  	[spmem:s11], [sflag:s6] =	dma.local [hbm:s5], $0x2800  }
0x11: {  	_ =	swait.ge [sflag:s12], $0x2800  }
0x12: {  	[sflag:s12] =	ssyncset.done $0x0  }
0x13: {  	[sflag:s12] =	ssyncadd.s32 $0xFFFFD800  }
0x14: {  	[tilespmem:s13], [sflag:$0x1] =	stream.linear.gather [hbm4b:s1+s4], $0x4000, $0x38;
	[tilespmem:$0x19400] =	vst v63  }
0x15: {  	_ =	swait.ge [sflag:s12], $0x4000  }
0x16: {  	[sflag:s12] =	ssyncset.done $0x0  }
0x17: {  	[sflag:s12] =	ssyncadd.s32 $0xFFFFC000  }
0x18: {  	[bflag:$0x0] =	sbarrier.arrive $0xFFFF  }
0x19: {  	[tilespmem:s4], [sflag:$0x1] =	stream.linear.gather [hbm4b:s7+s4], $0x1400, $0x38;
	[tilespmem:$0x19400] =	vst v63  }
0x1a: {  	_ =	swait.ge [sflag:s12], $0x1400  }
0x1b: {  	[sflag:s12] =	ssyncset.done $0x0  }
0x1c: {  	s16 =	simm.s32 $0x0;
	[sflag:s12] =	ssyncadd.s32 $0xFFFFEC00  }
0x1d: {  	[spmem:s2] =	stream.indirect.scatter.add.f32 [tilespmem:s13], [sflag:$0x1], $0x80, s16, s14, $0xb8;
	[tilespmem:$0x19400] =	vst v63  }
0x1e: {  	_ =	swait.ge [sflag:s12], $0x4000  }
0x1f: {  	s16 =	simm.s32 $0x200;
	[sflag:s12] =	ssyncset.done $0x0  }
.LBB2_2:
0x20: {  	s17 =	sshra.s32 s16, $0x2;
	[sflag:s12] =	ssyncadd.s32 $0xFFFFC000;
	p0 =	sne.s32 s16, $0x4E00  }
0x21: {  	[spmem:s2] =	stream.indirect.scatter.add.f32 [tilespmem:s13], [sflag:$0x1], $0x80, s17, s14, $0xb8;
	[tilespmem:$0x19400] =	vst v63  }
.Ltmp0:
0x22: {  	_ = 	snop;
	(pc) =	sbr.rel @p0 .LBB2_2-.Ltmp0, $4  }
0x23: {  	_ = 	snop  }
0x24: {  	s16 =	sadd.s32 $0x200, s16  }
0x25: {  	_ =	swait.ge [sflag:s12], $0x4000  }
0x26: {  	[sflag:s12] =	ssyncset.done $0x0  }
0x27: {  	[sflag:s12] =	ssyncadd.s32 $0xFFFFC000;
	s16 =	simm.s32 $0x0  }
0x28: {  	[tilespmem:s16], [sflag:$0x1] =	stream.linear.gather [hbm4b:s8+s16], $0x1400, $0x38;
	[tilespmem:$0x19400] =	vst v63  }
0x29: {  	_ =	swait.ge [sflag:s12], $0x1400  }
0x2a: {  	[sflag:s12] =	ssyncset.done $0x0  }
0x2b: {  	s31 =	simm.s32 $0x0;
	[sflag:s12] =	ssyncadd.s32 $0xFFFFEC00  }
0x2c: {  	[spmem:s2] =	stream.indirect.scatter.add.f32 [tilespmem:s13], [sflag:$0x1], $0x80, s31, s14, $0xb8;
	[tilespmem:$0x19400] =	vst v63  }
0x2d: {  	_ =	swait.ge [sflag:s12], $0x4000  }
0x2e: {  	s16 =	simm.s32 $0x200;
	[sflag:s12] =	ssyncset.done $0x0  }
.LBB2_4:
0x2f: {  	s17 =	sshra.s32 s16, $0x2;
	[sflag:s12] =	ssyncadd.s32 $0xFFFFC000;
	p0 =	sne.s32 s16, $0x4E00  }
0x30: {  	[spmem:s2] =	stream.indirect.scatter.add.f32 [tilespmem:s13], [sflag:$0x1], $0x80, s17, s14, $0xb8;
	[tilespmem:$0x19400] =	vst v63  }
.Ltmp1:
0x31: {  	_ = 	snop;
	(pc) =	sbr.rel @p0 .LBB2_4-.Ltmp1, $4  }
0x32: {  	_ = 	snop  }
0x33: {  	s16 =	sadd.s32 $0x200, s16  }
0x34: {  	_ =	swait.ge [sflag:s12], $0x4000  }
0x35: {  	[sflag:s12] =	ssyncset.done $0x0  }
0x36: {  	s15 =	sadd.s32 $0x1, s15  }
0x37: {  	[sflag:s12] =	ssyncadd.s32 $0xFFFFC000;
	p0 =	sne.s32 s15, s10  }
.Ltmp2:
0x38: {  	[bflag:$0x0] =	sbarrier.arrive $0xFFFF;
	(pc) =	sbr.rel @p0 .LBB2_1-.Ltmp2, $4  }
0x39: {  	[hbm:s9], [sflag:s6] =	dma.local [spmem:s11], $0x2800  }
0x3a: {  	_ =	swait.ge [sflag:s12], $0x2800  }
0x3b: {  	[sflag:s12] =	ssyncset.done $0x0  }
0x3c: {  	[sflag:s12] =	ssyncadd.s32 $0xFFFFD800  }
0x3d: {  	_ =	sfence.sel $0x180000  }
0x3e: {  	[bflag:$0x0] =	sbarrier.arrive $0xFFFF  }
0x3f: {  	p0 =	sne.s32 s3, $0x0;
	_ =	strace $0x90000047  }
0x40: {  	s0 =	sadd.s32 @!p0 $0x100000, s0;
	[bflag:$0x2] =	sbarrier.arrive $0xFFFF  }
0x41: {  	[sflag:s0] =	ssyncadd.tile.s32 @!p0 $0x1;
	_ =	shalt  }
.Lfunc_end2:
_tile_overlayer_lowered:
.L_overlay_start_2:
0x42: {  	(tag) =	ssettag $0x2  }
0x43: {  	s0 =	rddreg [dreg:$0x0];
	s2 =	stileid.u32  }
0x44: {  	s1 =	rddreg [dreg:$0x1];
	p0 =	sne.s32 s2, $0x0  }
0x45: {  	s3 =	rddreg [dreg:$0x2];
	[bflag:$0x3] =	sbarrier.arrive $0xFFFF;
	s2 =	simm.s32 @!p0 $0x1C01  }
0x46: {  	[timem:s3], [sflag:s2] =	dma.local @!p0 [hbm:s0], s1  }
0x47: {  	s0 =	simm.s32 @!p0 $0x1  }
0x48: {  	_ =	swait.ge @!p0 [sflag:s0], s1  }
0x49: {  	s1 =	ssub.s32 @!p0 $0x0, s1;
	[sflag:s0] =	ssyncset.done @!p0 $0x0  }
0x4a: {  	[sflag:s0] =	ssyncadd.s32 @!p0 s1  }
0x4b: {  	[bflag:$0x3] =	sbarrier.arrive $0xFFFF  }
0x4c: {  	_ =	shalt  }

// kernel: kernel.15.cloned.1.call-start
scs
__scs_entry_jumppad:
0x0: {  	(pc) =	sbr.rel $0x88, $3  }
0x1: {  	(tag) =	ssettag $0x0;
	lr =	simm.s32 $0x1  }
0x2: {  	[smem:$0x3F9A] =	sst lr;
	_ =	strace $0xD0000000  }
0x3: {  	_ = 	snop  }
0x4: {  	_ = 	snop  }
0x5: {  	_ = 	snop  }
0x6: {  	_ = 	snop  }
0x7: {  	_ = 	snop  }
__scs_overlays_trampoline_lowered:
0x8: {  	[smem:$0x3FA9] =	sst s0  }
0x9: {  	[smem:$0x3FAA] =	sst s1  }
0xa: {  	[smem:$0x3FAB] =	sst s2  }
0xb: {  	[smem:$0x3FAC] =	sst s3  }
0xc: {  	[smem:$0x3FAD] =	sst s4  }
0xd: {  	[smem:$0x3FAE] =	sst s5  }
0xe: {  	[smem:$0x3FAF] =	sst s6  }
0xf: {  	[smem:$0x3FB0] =	sst s7  }
0x10: {  	[smem:$0x3FB1] =	sst s8  }
0x11: {  	[smem:$0x3FB2] =	sst s9;
	s0 =	simm.s32 @!p0 $0x0  }
0x12: {  	s1 =	sld [smem:$0x3F98];
	s0 =	simm.s32 @p0 $0x1  }
0x13: {  	[smem:$0x3FB3] =	sst s0;
	s0 =	simm.s32 @!p1 $0x0  }
0x14: {  	s2 =	sld [smem:$0x3F97];
	s0 =	simm.s32 @p1 $0x1  }
0x15: {  	[smem:$0x3FB4] =	sst s0;
	s0 =	simm.s32 @!p2 $0x0  }
0x16: {  	s3 =	sld [smem:$0x3FDB];
	s0 =	simm.s32 @p2 $0x1  }
0x17: {  	s4 =	simm.s32 $0x1BF5;
	[smem:$0x3FB6] =	sst s0  }
0x18: {  	s0 =	sld [smem:$0x3F99];
	_ =	swait.ge [sflag:s4], $0x0  }
0x19: {  	s7 =	sld [smem:$0x3F9A]  }
0x1a: {  	s8 =	sadd.s32 $0xFFFFE003, lr  }
0x1b: {  	s9 =	sadd.s32 $0xFFFFFEF7, lr;
	s5 =	simm.s32 $0xFFFFFFFF;
	p2 =	slt.u32 s8, $0xFFFFF086  }
0x1c: {  	p1 =	slt.u32 s9, $0xF7A;
	s5 =	simm.s32 @!p2 $0x0  }
0x1d: {  	s5 =	simm.s32 @p1 $0x1;
	p0 =	seq.s32 s7, s2  }
0x1e: {  	s7 =	smul.u32 @!p0 $0xF7A, s2;
	p2 =	seq.s32 @!p0 s5, $0x0  }
0x1f: {  	s9 =	smul.u32 $0xF7A, s1;
	s8 =	simm.s32 @!p0 $0x1BF5;
	p2 =	por !p2, p0  }
0x20: {  	[sflag:s8] =	ssyncset.s32 @!p0 $0xFFFFF086;
	s6 =	sadd.s32 @!p0 s3, s7;
	s7 =	simm.s32 @!p0 $0x108  }
0x21: {  	s3 =	sadd.s32 s3, s9;
	s6 =	sadd.s32 @!p0 $0x88, s6;
	s7 =	simm.s32 @p2 $0x1082  }
0x22: {  	[simem:s7], [sflag:s8] =	dma.local @!p0 [hbm:s6], $0xF7A  }
0x23: {  	s9 =	sor.u32 $0xD0000000, s2;
	s6 =	simm.s32 $0x108;
	_ =	swait.ge @!p0 [sflag:s8], $0x0  }
0x24: {  	s3 =	sadd.s32 $0x88, s3;
	s6 =	simm.s32 @!p1 $0x1082;
	[sflag:s4] =	ssyncset.s32 $0xFFFFF086  }
0x25: {  	[simem:s6], [sflag:s4] =	dma.local [hbm:s3], $0xF7A  }
0x26: {  	[smem:$0x3F9A] =	sst s1;
	(tag) =	ssettag s2;
	_ =	strace s9  }
0x27: {  	s1 =	sld [smem:$0x3FAA]  }
0x28: {  	s2 =	sld [smem:$0x3FAB]  }
0x29: {  	s4 =	sld [smem:$0x3FAD]  }
0x2a: {  	p0 =	seq.s32 s5, $0x0;
	s5 =	sld [smem:$0x3FAE]  }
0x2b: {  	s6 =	sld [smem:$0x3FAF]  }
0x2c: {  	s7 =	sld [smem:$0x3FB0]  }
0x2d: {  	s3 =	simm.s32 $0x108;
	s8 =	sld [smem:$0x3FB1]  }
0x2e: {  	s3 =	simm.s32 @!p0 $0x1082;
	s9 =	sld [smem:$0x3FB2]  }
0x2f: {  	lr =	sadd.s32 s0, s3;
	s0 =	sld [smem:$0x3FA9]  }
0x30: {  	s3 =	sld [smem:$0x3FAC]  }
0x31: {  	[smem:$0x3FB5] =	sst s10  }
0x32: {  	s10 =	sld [smem:$0x3FB3];
	_ =	sdelay $0x3  }
0x33: {  	p0 =	seq.s32 s10, $0x1;
	s10 =	sld [smem:$0x3FB5];
	_ =	sdelay $0x3  }
0x34: {  	[smem:$0x3FB5] =	sst s10  }
0x35: {  	s10 =	sld [smem:$0x3FB4];
	_ =	sdelay $0x3  }
0x36: {  	p1 =	seq.s32 s10, $0x1;
	s10 =	sld [smem:$0x3FB5];
	_ =	sdelay $0x3  }
0x37: {  	[smem:$0x3FB5] =	sst s10  }
0x38: {  	s10 =	sld [smem:$0x3FB6]  }
0x39: {  	_ = 	snop;
	(pc) =	sbr.ind lr, $3  }
0x3a: {  	_ = 	snop  }
0x3b: {  	_ = 	snop  }
0x3c: {  	p2 =	seq.s32 s10, $0x1;
	s10 =	sld [smem:$0x3FB5]  }
0x3d: {  	_ =	shalt  }
0x3e: {  	_ =	shalt  }
0x3f: {  	_ =	shalt  }
0x40: {  	_ =	shalt  }
0x41: {  	_ =	shalt  }
0x42: {  	_ =	shalt  }
0x43: {  	_ =	shalt  }
0x44: {  	_ =	shalt  }
0x45: {  	_ =	shalt  }
0x46: {  	_ =	shalt  }
0x47: {  	_ =	shalt  }
0x48: {  	_ =	shalt  }
0x49: {  	_ =	shalt  }
0x4a: {  	_ =	shalt  }
0x4b: {  	_ =	shalt  }
0x4c: {  	_ =	shalt  }
0x4d: {  	_ =	shalt  }
0x4e: {  	_ =	shalt  }
0x4f: {  	_ =	shalt  }
0x50: {  	_ =	shalt  }
0x51: {  	_ =	shalt  }
0x52: {  	_ =	shalt  }
0x53: {  	_ =	shalt  }
0x54: {  	_ =	shalt  }
0x55: {  	_ =	shalt  }
0x56: {  	_ =	shalt  }
0x57: {  	_ =	shalt  }
0x58: {  	_ =	shalt  }
0x59: {  	_ =	shalt  }
0x5a: {  	_ =	shalt  }
0x5b: {  	_ =	shalt  }
0x5c: {  	_ =	shalt  }
0x5d: {  	_ =	shalt  }
0x5e: {  	_ =	shalt  }
0x5f: {  	_ =	shalt  }
0x60: {  	_ =	shalt  }
0x61: {  	_ =	shalt  }
0x62: {  	_ =	shalt  }
0x63: {  	_ =	shalt  }
0x64: {  	_ =	shalt  }
0x65: {  	_ =	shalt  }
0x66: {  	_ =	shalt  }
0x67: {  	_ =	shalt  }
0x68: {  	_ =	shalt  }
0x69: {  	_ =	shalt  }
0x6a: {  	_ =	shalt  }
0x6b: {  	_ =	shalt  }
0x6c: {  	_ =	shalt  }
0x6d: {  	_ =	shalt  }
0x6e: {  	_ =	shalt  }
0x6f: {  	_ =	shalt  }
0x70: {  	_ =	shalt  }
0x71: {  	_ =	shalt  }
0x72: {  	_ =	shalt  }
0x73: {  	_ =	shalt  }
0x74: {  	_ =	shalt  }
0x75: {  	_ =	shalt  }
0x76: {  	_ =	shalt  }
0x77: {  	_ =	shalt  }
0x78: {  	_ =	shalt  }
0x79: {  	_ =	shalt  }
0x7a: {  	_ =	shalt  }
0x7b: {  	_ =	shalt  }
0x7c: {  	_ =	shalt  }
0x7d: {  	_ =	shalt  }
0x7e: {  	_ =	shalt  }
0x7f: {  	_ =	shalt  }
0x80: {  	_ =	shalt  }
0x81: {  	_ =	shalt  }
0x82: {  	_ =	shalt  }
0x83: {  	_ =	shalt  }
0x84: {  	_ =	shalt  }
0x85: {  	_ =	shalt  }
0x86: {  	_ =	shalt  }
0x87: {  	_ =	shalt  }
.Lfunc_end0:
.L_simem_size_0:
called_computation.1_lowered:
.L_overlay_start_0:
0x88: {  	s2 =	sld [smem:$0x3FD9]  }
0x89: {  	s3 =	sld [smem:$0x3FFE];
	_ =	sdelay $0x1  }
0x8a: {  	s1 =	srdreg.scid  }
0x8b: {  	s0 =	sand.u32 $0x1, s1  }
0x8c: {  	s17 =	sshll.u32 s0, $0xA;
	s2 =	sadd.s32 s3, s2  }
0x8d: {  	s2 =	sadd.s32 s2, s17  }
0x8e: {  	[smem:$0x3FC1] =	sst s2  }
0x8f: {  	_ = 	snop  }
0x90: {  	s18 =	sld [smem:$0x3FC9];
	(tm) =	ssettm $0x1  }
0x91: {  	s19 =	sld [smem:$0x3FFB];
	_ =	sdelay $0x3  }
0x92: {  	_ =	strace s19  }
0x93: {  	s2 =	sld [smem:$0x3FFC];
	_ =	sdelay $0x3  }
0x94: {  	_ =	strace s2  }
0x95: {  	s2 =	sld [smem:$0x3FFD];
	_ =	sdelay $0x3  }
0x96: {  	_ =	strace s2  }
0x97: {  	_ =	strace $0x8FFFFFFF  }
0x98: {  	s20 =	sld [smem:$0x3FDB];
	_ =	sdelay $0x1  }
0x99: {  	s4 =	simm.s32 $_scs_section_size  }
0x9a: {  	s5 =	simm.s32 $_size__tile_overlayer_lowered;
	s6 =	simm.s32 $_tile_overlayer_lowered  }
0x9b: {  	s7 =	simm.s32 $0x1BFF;
	s21 =	sshll.u32 s6, $0x1;
	s4 =	sadd.s32 s4, s20  }
0x9c: {  	s22 =	simm.s32 $0x0;
	s5 =	sshll.u32 s5, $0x1;
	s6 =	sadd.s32 s21, s4  }
0x9d: {  	[timem:s22], [sflag:s7] =	dma.local [hbm:s6], s5  }
0x9e: {  	_ =	swait.ge [sflag:s7], s5  }
0x9f: {  	s5 =	ssub.s32 $0x0, s5;
	[sflag:s7] =	ssyncset.done $0x0  }
0xa0: {  	[sflag:s7] =	ssyncadd.s32 s5;
	_ =	sdelay $0x1  }
0xa1: {  	s23 =	simm.s32 $0x1B8B  }
0xa2: {  	_ =	swait.ge [sflag:s23], $0x1  }
0xa3: {  	[sflag:s23] =	ssyncset.done $0x0  }
0xa4: {  	[sflag:s23] =	ssyncadd.s32 $0xFFFFFFFF  }
0xa5: {  	s5 =	sld [smem:$0x0]  }
0xa6: {  	s6 =	sand.u32 $0xFFFFFFFE, s1  }
0xa7: {  	p0 =	sne.s32 s1, s6  }
0xa8: {  	s6 =	sshll.u32 @p0 s6, $0xE  }
0xa9: {  	s6 =	sadd.s32 @p0 $0x11B8D, s6;
	s7 =	sshll.u32 @p0 s5, $0x11  }
0xaa: {  	s6 =	sor.u32 @p0 s7, s6  }
0xab: {  	[sflag:s6] =	ssyncadd.remote.s32 @p0 $0x1;
	_ =	sdelay $0x1  }
0xac: {  	s6 =	simm.s32 @p0 $0x1B8D  }
0xad: {  	_ =	swait.eq @p0 [sflag:s6], $0x1  }
0xae: {  	[sflag:s6] =	ssyncadd.s32 @p0 $0xFFFFFFFF  }
0xaf: {  	s7 =	sshll.u32 @!p0 s1, $0xE  }
0xb0: {  	s7 =	sor.u32 @!p0 $0x4000, s7;
	s6 =	simm.s32 @!p0 $0x1B8D  }
0xb1: {  	s5 =	sshll.u32 @!p0 s5, $0x11;
	s7 =	sadd.s32 @!p0 $0x11B8D, s7;
	_ =	swait.eq @!p0 [sflag:s6], $0x1  }
0xb2: {  	s5 =	sor.u32 @!p0 s5, s7;
	[sflag:s6] =	ssyncadd.s32 @!p0 $0xFFFFFFFF  }
0xb3: {  	s25 =	simm.s32 $0x1B8E;
	s24 =	sld [smem:$0x3FFE];
	[sflag:s5] =	ssyncadd.remote.s32 @!p0 $0x1  }
0xb4: {  	s26 =	simm.s32 $execute0_lowered;
	[smem:$0x3FD2] =	sst s25  }
0xb5: {  	s6 =	sshll.u32 s26, $0x1;
	_ =	strace $0x80000049;
	[dreg:$0x1] =	wrdreg $0xFFFFFFFF  }
0xb6: {  	s28 =	simm.s32 $_size_execute0_lowered;
	s4 =	sadd.s32 s4, s6;
	[dreg:$0x0] =	wrdreg $0x0  }
0xb7: {  	s6 =	sshll.u32 s28, $0x1;
	[dreg:$0x2] =	wrdreg s4  }
0xb8: {  	[dreg:$0x3] =	wrdreg s6  }
0xb9: {  	[dreg:$0x4] =	wrdreg $0xC0  }
0xba: {  	_ =	task [dreg:s22], $0x5FFFF  }
0xbb: {  	[dreg:$0x1] =	wrdreg $0xFFFFFFFF  }
0xbc: {  	[dreg:$0x0] =	wrdreg $0x60  }
0xbd: {  	[dreg:$0x2] =	wrdreg s18  }
0xbe: {  	[dreg:$0x3] =	wrdreg s24  }
0xbf: {  	[dreg:$0x4] =	wrdreg $0xA8000  }
0xc0: {  	[dreg:$0x5] =	wrdreg $0xA  }
0xc1: {  	_ =	task.clear_ibuf [dreg:s22], $0x6FFFF;
	_ =	strace $0x90000049  }
0xc2: {  	s29 =	simm.s32 $0xA;
	_ =	strace $0x8000004B  }
0xc3: {  	_ =	swait.ge [sflag:s29], $0x1  }
0xc4: {  	[sflag:s29] =	ssyncadd.s32 $0xFFFFFFFF  }
0xc5: {  	_ =	strace $0x9000004B  }
0xc6: {  	_ =	sfence  }
0xc7: {  	s30 =	sld [smem:$0x0];
	_ =	sdelay $0x2  }
0xc8: {  	s31 =	sshll.u32 s1, $0xD;
	s1 =	sshrl.u32 s1, $0x2  }
0xc9: {  	s4 =	sand.u32 $0x4000, s31;
	s1 =	sadd.s32 s1, s30  }
0xca: {  	s0 =	sor.u32 s4, s0;
	s1 =	sshll.u32 s1, $0x11  }
0xcb: {  	s0 =	sor.u32 s1, s0  }
0xcc: {  	s0 =	sadd.s32 $0x8F2B, s0  }
0xcd: {  	[sflag:s0] =	ssyncadd.remote.s32 $0x1  }
0xce: {  	_ =	sfence.sel $0xFFFF  }
0xcf: {  	[dreg:$0x0] =	wrdreg $0xFFFFFFFF;
	(pc) =	sbr.abs _section_cstart, $3  }
0xd0: {  	[dreg:$0x1] =	wrdreg $0xFFFFFFFF  }
0xd1: {  	_ =	task.clear_ibuf [dreg:s22], $0x2FFFF;
	_ =	strace $0x9FFFFFFF  }
0xd2: {  	(tm) =	ssettm $0x7FFFFFFF  }
0xd3: {  	_ =	shalt  }
tec
execute0_lowered:
.L_overlay_start_1:
0x0: {  	(tag) =	ssettag $0x1  }
0x1: {  	s1 =	rddreg [dreg:$0x0]  }
0x2: {  	s6 =	rddreg [dreg:$0x1]  }
0x3: {  	s3 =	rddreg [dreg:$0x2]  }
0x4: {  	s0 =	rddreg [dreg:$0x3]  }
0x5: {  	s5 =	srdreg.scid;
	s2 =	stileid.u32;
	s4 =	simm.s32 $0x0  }
0x6: {  	s16 =	simm.s32 $0x80;
	s17 =	simm.s32 $0x2800;
	s18 =	simm.s32 $0x6800  }
0x7: {  	s19 =	simm.s32 $0x1;
	s20 =	simm.s32 $0x2;
	s21 =	simm.s32 $0x2700  }
0x8: {  	s22 =	simm.s32 $0x2780;
	s23 =	simm.s32 $0x0;
	s7 =	sand.u32 $0x1, s5  }
0x9: {  	s8 =	smul.u32 $0x2800, s2;
	[smem:$0x7FF] =	sst s4;
	s11 =	sadd.s32 $0xF200, s6  }
0xa: {  	s12 =	sadd.s32 $0x5200, s6;
	s5 =	sadd.s32 $0x19200, s6;
	s10 =	smul.u32 $0x50000, s2  }
0xb: {  	s13 =	sshll.u32 s2, $0x6;
	s9 =	smul.u32 $0x28000, s7;
	s29 =	ssub.s32 $0x2, s7  }
0xc: {  	_ =	strace $0x8000004A;
	s7 =	sshll.u32 s7, $0x4;
	s30 =	sshrl.u32 s29, $0x1  }
0xd: {  	s7 =	sor.u32 s2, s7;
	s10 =	sshrl.u32 s10, $0x2;
	s8 =	sadd.s32 s8, s9  }
0xe: {  	s14 =	smul.u32 $0x500, s7;
	s9 =	ssub.s32 s29, s30;
	s15 =	sadd.s32 s10, s3  }
0xf: {  	s8 =	sadd.s32 s8, s6;
	s6 =	sor.u32 $0x1C03, s13;
	s13 =	sshrl.u32 s15, $0x3  }
0x10: {  	s15 =	simm.s32 $0x1400;
	s7 =	sadd.s32 $0x6BA00, s8;
	s8 =	smax.u32 s9, $0x1  }
0x11: {  	s31 =	sadd.s32 $0x280, s14;
	s9 =	sadd.s32 s11, s14;
	s10 =	sadd.s32 s12, s14  }
0x12: {  	s14 =	simm.s32 $0x3;
	s11 =	sadd.s32 s11, s31;
	s12 =	sadd.s32 s12, s31  }
.LBB2_1:
0x13: {  	[spmem:s13], [sflag:s6] =	dma.local [hbm:s5], $0x2800  }
0x14: {  	_ =	swait.ge [sflag:s14], $0x2800  }
0x15: {  	[sflag:s14] =	ssyncset.done $0x0  }
0x16: {  	[sflag:s14] =	ssyncadd.s32 $0xFFFFD800  }
0x17: {  	[bflag:$0x0] =	sbarrier.arrive $0xFFFF  }
0x18: {  	[tilespmem:s4], [sflag:$0x3] =	stream.linear.gather [hbm4b:s9+s4], $0x1400, $0x38;
	[tilespmem:$0x1E800] =	vst v63  }
0x19: {  	_ =	swait.ge [sflag:s14], $0x1400  }
0x1a: {  	[sflag:s14] =	ssyncset.done $0x0  }
0x1b: {  	[sflag:s14] =	ssyncadd.s32 $0xFFFFEC00  }
0x1c: {  	[tilespmem:s15], [sflag:$0x3] =	stream.linear.gather [hbm4b:s10+s4], $0x1400, $0x38;
	[tilespmem:$0x1E800] =	vst v63  }
0x1d: {  	_ =	swait.ge [sflag:s14], $0x1400  }
0x1e: {  	[sflag:s14] =	ssyncset.done $0x0  }
0x1f: {  	[sflag:s14] =	ssyncadd.s32 $0xFFFFEC00  }
0x20: {  	[tilespmem:s17], [sflag:$0x1] =	stream.indirect.gather [hbm4b:s1+s16], $0x80, s4, s16, $0xb8;
	[tilespmem:$0x1E800] =	vst v63  }
0x21: {  	_ = 	snop  }
0x22: {  	[tilespmem:s18], [sflag:$0x2] =	stream.indirect.gather [hbm4b:s1+s16], $0x80, s16, s16, $0xb8;
	[tilespmem:$0x1E800] =	vst v63  }
0x23: {  	_ =	swait.ge [sflag:s19], $0x4000  }
0x24: {  	[sflag:s19] =	ssyncset.done $0x0  }
0x25: {  	s24 =	simm.s32 $0x1400;
	[sflag:s19] =	ssyncadd.s32 $0xFFFFC000  }
0x26: {  	[spmem:s3] =	stream.indirect.scatter.add.f32 [tilespmem:s17], [sflag:$0x3], $0x80, s24, s16, $0xb8;
	[tilespmem:$0x1E800] =	vst v63  }
0x27: {  	_ =	swait.ge [sflag:s14], $0x4000  }
0x28: {  	[sflag:s14] =	ssyncset.done $0x0  }
0x29: {  	s30 =	simm.s32 $0x100;
	[sflag:s14] =	ssyncadd.s32 $0xFFFFC000  }
0x2a: {  	[tilespmem:s17], [sflag:$0x1] =	stream.indirect.gather [hbm4b:s1+s16], $0x80, s30, s16, $0xb8;
	[tilespmem:$0x1E800] =	vst v63  }
0x2b: {  	_ =	swait.ge [sflag:s20], $0x4000  }
0x2c: {  	[sflag:s20] =	ssyncset.done $0x0  }
0x2d: {  	s31 =	simm.s32 $0x1480;
	[sflag:s20] =	ssyncadd.s32 $0xFFFFC000  }
0x2e: {  	[spmem:s3] =	stream.indirect.scatter.add.f32 [tilespmem:s18], [sflag:$0x3], $0x80, s31, s16, $0xb8;
	[tilespmem:$0x1E800] =	vst v63  }
0x2f: {  	_ =	swait.ge [sflag:s14], $0x4000  }
0x30: {  	[sflag:s14] =	ssyncset.done $0x0  }
0x31: {  	s25 =	simm.s32 $0x180;
	s24 =	simm.s32 $0x400;
	[sflag:s14] =	ssyncadd.s32 $0xFFFFC000  }
.LBB2_2:
0x32: {  	[tilespmem:s18], [sflag:$0x2] =	stream.indirect.gather [hbm4b:s1+s16], $0x80, s25, s16, $0xb8;
	[tilespmem:$0x1E800] =	vst v63  }
0x33: {  	s25 =	smov.u32 s24  }
0x34: {  	p0 =	sne.s32 s24, $0x4800;
	s24 =	sadd.s32 $0x400, s24;
	_ =	swait.ge [sflag:s19], $0x4000  }
0x35: {  	s25 =	sshra.s32 s25, $0x2;
	[sflag:s19] =	ssyncset.done $0x0  }
0x36: {  	s26 =	sadd.s32 $0x1400, s25;
	[sflag:s19] =	ssyncadd.s32 $0xFFFFC000  }
0x37: {  	[spmem:s3] =	stream.indirect.scatter.add.f32 [tilespmem:s17], [sflag:$0x3], $0x80, s26, s16, $0xb8;
	[tilespmem:$0x1E800] =	vst v63  }
0x38: {  	_ =	swait.ge [sflag:s14], $0x4000  }
0x39: {  	[sflag:s14] =	ssyncset.done $0x0  }
0x3a: {  	s26 =	sadd.s32 $0x100, s25;
	[sflag:s14] =	ssyncadd.s32 $0xFFFFC000  }
0x3b: {  	[tilespmem:s17], [sflag:$0x1] =	stream.indirect.gather [hbm4b:s1+s16], $0x80, s26, s16, $0xb8;
	[tilespmem:$0x1E800] =	vst v63  }
0x3c: {  	_ =	swait.ge [sflag:s20], $0x4000  }
0x3d: {  	[sflag:s20] =	ssyncset.done $0x0  }
.Ltmp0:
0x3e: {  	s26 =	sadd.s32 $0x1480, s25;
	[sflag:s20] =	ssyncadd.s32 $0xFFFFC000;
	(pc) =	sbr.rel @p0 .LBB2_2-.Ltmp0, $4  }
0x3f: {  	[spmem:s3] =	stream.indirect.scatter.add.f32 [tilespmem:s18], [sflag:$0x3], $0x80, s26, s16, $0xb8;
	[tilespmem:$0x1E800] =	vst v63  }
0x40: {  	_ =	swait.ge [sflag:s14], $0x4000  }
0x41: {  	[sflag:s14] =	ssyncset.done $0x0  }
0x42: {  	s25 =	sadd.s32 $0x180, s25;
	[sflag:s14] =	ssyncadd.s32 $0xFFFFC000  }
0x43: {  	[tilespmem:s18], [sflag:$0x2] =	stream.indirect.gather [hbm4b:s1+s16], $0x80, s25, s16, $0xb8;
	[tilespmem:$0x1E800] =	vst v63  }
0x44: {  	_ =	swait.ge [sflag:s19], $0x4000  }
0x45: {  	[sflag:s19] =	ssyncset.done $0x0  }
0x46: {  	[sflag:s19] =	ssyncadd.s32 $0xFFFFC000  }
0x47: {  	[spmem:s3] =	stream.indirect.scatter.add.f32 [tilespmem:s17], [sflag:$0x3], $0x80, s21, s16, $0xb8;
	[tilespmem:$0x1E800] =	vst v63  }
0x48: {  	_ =	swait.ge [sflag:s14], $0x4000  }
0x49: {  	[sflag:s14] =	ssyncset.done $0x0  }
0x4a: {  	[sflag:s14] =	ssyncadd.s32 $0xFFFFC000  }
0x4b: {  	_ =	swait.ge [sflag:s20], $0x4000  }
0x4c: {  	[sflag:s20] =	ssyncset.done $0x0  }
0x4d: {  	[sflag:s20] =	ssyncadd.s32 $0xFFFFC000  }
0x4e: {  	[spmem:s3] =	stream.indirect.scatter.add.f32 [tilespmem:s18], [sflag:$0x3], $0x80, s22, s16, $0xb8;
	[tilespmem:$0x1E800] =	vst v63  }
0x4f: {  	_ =	swait.ge [sflag:s14], $0x4000  }
0x50: {  	[sflag:s14] =	ssyncset.done $0x0  }
0x51: {  	s24 =	simm.s32 $0x0;
	[sflag:s14] =	ssyncadd.s32 $0xFFFFC000  }
0x52: {  	[tilespmem:s24], [sflag:$0x3] =	stream.linear.gather [hbm4b:s11+s24], $0x1400, $0x38;
	[tilespmem:$0x1E800] =	vst v63  }
0x53: {  	_ =	swait.ge [sflag:s14], $0x1400  }
0x54: {  	[sflag:s14] =	ssyncset.done $0x0  }
0x55: {  	[sflag:s14] =	ssyncadd.s32 $0xFFFFEC00  }
0x56: {  	[tilespmem:s15], [sflag:$0x3] =	stream.linear.gather [hbm4b:s12+s24], $0x1400, $0x38;
	[tilespmem:$0x1E800] =	vst v63  }
0x57: {  	_ =	swait.ge [sflag:s14], $0x1400  }
0x58: {  	[sflag:s14] =	ssyncset.done $0x0  }
0x59: {  	[sflag:s14] =	ssyncadd.s32 $0xFFFFEC00  }
0x5a: {  	[tilespmem:s17], [sflag:$0x1] =	stream.indirect.gather [hbm4b:s1+s16], $0x80, s24, s16, $0xb8;
	[tilespmem:$0x1E800] =	vst v63  }
0x5b: {  	_ = 	snop  }
0x5c: {  	[tilespmem:s18], [sflag:$0x2] =	stream.indirect.gather [hbm4b:s1+s16], $0x80, s16, s16, $0xb8;
	[tilespmem:$0x1E800] =	vst v63  }
0x5d: {  	_ =	swait.ge [sflag:s19], $0x4000  }
0x5e: {  	[sflag:s19] =	ssyncset.done $0x0  }
0x5f: {  	s29 =	simm.s32 $0x1400;
	[sflag:s19] =	ssyncadd.s32 $0xFFFFC000  }
0x60: {  	[spmem:s3] =	stream.indirect.scatter.add.f32 [tilespmem:s17], [sflag:$0x3], $0x80, s29, s16, $0xb8;
	[tilespmem:$0x1E800] =	vst v63  }
0x61: {  	_ =	swait.ge [sflag:s14], $0x4000  }
0x62: {  	[sflag:s14] =	ssyncset.done $0x0  }
0x63: {  	s30 =	simm.s32 $0x100;
	[sflag:s14] =	ssyncadd.s32 $0xFFFFC000  }
0x64: {  	[tilespmem:s17], [sflag:$0x1] =	stream.indirect.gather [hbm4b:s1+s16], $0x80, s30, s16, $0xb8;
	[tilespmem:$0x1E800] =	vst v63  }
0x65: {  	_ =	swait.ge [sflag:s20], $0x4000  }
0x66: {  	[sflag:s20] =	ssyncset.done $0x0  }
0x67: {  	s31 =	simm.s32 $0x1480;
	[sflag:s20] =	ssyncadd.s32 $0xFFFFC000  }
0x68: {  	[spmem:s3] =	stream.indirect.scatter.add.f32 [tilespmem:s18], [sflag:$0x3], $0x80, s31, s16, $0xb8;
	[tilespmem:$0x1E800] =	vst v63  }
0x69: {  	_ =	swait.ge [sflag:s14], $0x4000  }
0x6a: {  	[sflag:s14] =	ssyncset.done $0x0  }
0x6b: {  	s25 =	simm.s32 $0x180;
	s24 =	simm.s32 $0x400;
	[sflag:s14] =	ssyncadd.s32 $0xFFFFC000  }
.LBB2_4:
0x6c: {  	[tilespmem:s18], [sflag:$0x2] =	stream.indirect.gather [hbm4b:s1+s16], $0x80, s25, s16, $0xb8;
	[tilespmem:$0x1E800] =	vst v63  }
0x6d: {  	s25 =	smov.u32 s24  }
0x6e: {  	p0 =	sne.s32 s24, $0x4800;
	s24 =	sadd.s32 $0x400, s24;
	_ =	swait.ge [sflag:s19], $0x4000  }
0x6f: {  	s25 =	sshra.s32 s25, $0x2;
	[sflag:s19] =	ssyncset.done $0x0  }
0x70: {  	s26 =	sadd.s32 $0x1400, s25;
	[sflag:s19] =	ssyncadd.s32 $0xFFFFC000  }
0x71: {  	[spmem:s3] =	stream.indirect.scatter.add.f32 [tilespmem:s17], [sflag:$0x3], $0x80, s26, s16, $0xb8;
	[tilespmem:$0x1E800] =	vst v63  }
0x72: {  	_ =	swait.ge [sflag:s14], $0x4000  }
0x73: {  	[sflag:s14] =	ssyncset.done $0x0  }
0x74: {  	s26 =	sadd.s32 $0x100, s25;
	[sflag:s14] =	ssyncadd.s32 $0xFFFFC000  }
0x75: {  	[tilespmem:s17], [sflag:$0x1] =	stream.indirect.gather [hbm4b:s1+s16], $0x80, s26, s16, $0xb8;
	[tilespmem:$0x1E800] =	vst v63  }
0x76: {  	_ =	swait.ge [sflag:s20], $0x4000  }
0x77: {  	[sflag:s20] =	ssyncset.done $0x0  }
.Ltmp1:
0x78: {  	s26 =	sadd.s32 $0x1480, s25;
	[sflag:s20] =	ssyncadd.s32 $0xFFFFC000;
	(pc) =	sbr.rel @p0 .LBB2_4-.Ltmp1, $4  }
0x79: {  	[spmem:s3] =	stream.indirect.scatter.add.f32 [tilespmem:s18], [sflag:$0x3], $0x80, s26, s16, $0xb8;
	[tilespmem:$0x1E800] =	vst v63  }
0x7a: {  	_ =	swait.ge [sflag:s14], $0x4000  }
0x7b: {  	[sflag:s14] =	ssyncset.done $0x0  }
0x7c: {  	s25 =	sadd.s32 $0x180, s25;
	[sflag:s14] =	ssyncadd.s32 $0xFFFFC000  }
0x7d: {  	[tilespmem:s18], [sflag:$0x2] =	stream.indirect.gather [hbm4b:s1+s16], $0x80, s25, s16, $0xb8;
	[tilespmem:$0x1E800] =	vst v63  }
0x7e: {  	_ =	swait.ge [sflag:s19], $0x4000  }
0x7f: {  	[sflag:s19] =	ssyncset.done $0x0  }
0x80: {  	[sflag:s19] =	ssyncadd.s32 $0xFFFFC000  }
0x81: {  	[spmem:s3] =	stream.indirect.scatter.add.f32 [tilespmem:s17], [sflag:$0x3], $0x80, s21, s16, $0xb8;
	[tilespmem:$0x1E800] =	vst v63  }
0x82: {  	_ =	swait.ge [sflag:s14], $0x4000  }
0x83: {  	[sflag:s14] =	ssyncset.done $0x0  }
0x84: {  	[sflag:s14] =	ssyncadd.s32 $0xFFFFC000  }
0x85: {  	_ =	swait.ge [sflag:s20], $0x4000  }
0x86: {  	[sflag:s20] =	ssyncset.done $0x0  }
0x87: {  	[sflag:s20] =	ssyncadd.s32 $0xFFFFC000  }
0x88: {  	[spmem:s3] =	stream.indirect.scatter.add.f32 [tilespmem:s18], [sflag:$0x3], $0x80, s22, s16, $0xb8;
	[tilespmem:$0x1E800] =	vst v63  }
0x89: {  	_ =	swait.ge [sflag:s14], $0x4000  }
0x8a: {  	s23 =	sadd.s32 $0x1, s23;
	[sflag:s14] =	ssyncset.done $0x0  }
0x8b: {  	p0 =	sne.s32 s23, s8;
	[sflag:s14] =	ssyncadd.s32 $0xFFFFC000  }
.Ltmp2:
0x8c: {  	[bflag:$0x0] =	sbarrier.arrive $0xFFFF;
	(pc) =	sbr.rel @p0 .LBB2_1-.Ltmp2, $4  }
0x8d: {  	[hbm:s7], [sflag:s6] =	dma.local [spmem:s13], $0x2800  }
0x8e: {  	_ =	swait.ge [sflag:s14], $0x2800  }
0x8f: {  	[sflag:s14] =	ssyncset.done $0x0  }
0x90: {  	[sflag:s14] =	ssyncadd.s32 $0xFFFFD800  }
0x91: {  	_ =	sfence.sel $0x180000  }
0x92: {  	[bflag:$0x0] =	sbarrier.arrive $0xFFFF  }
0x93: {  	p0 =	sne.s32 s2, $0x0;
	_ =	strace $0x9000004A  }
0x94: {  	s0 =	sadd.s32 @!p0 $0x100000, s0;
	[bflag:$0x2] =	sbarrier.arrive $0xFFFF  }
0x95: {  	[sflag:s0] =	ssyncadd.tile.s32 @!p0 $0x1;
	_ =	shalt  }
.Lfunc_end2:
_tile_overlayer_lowered:
.L_overlay_start_2:
0x96: {  	(tag) =	ssettag $0x2  }
0x97: {  	s0 =	rddreg [dreg:$0x0];
	s2 =	stileid.u32  }
0x98: {  	s1 =	rddreg [dreg:$0x1];
	p0 =	sne.s32 s2, $0x0  }
0x99: {  	s3 =	rddreg [dreg:$0x2];
	[bflag:$0x3] =	sbarrier.arrive $0xFFFF;
	s2 =	simm.s32 @!p0 $0x1C03  }
0x9a: {  	[timem:s3], [sflag:s2] =	dma.local @!p0 [hbm:s0], s1  }
0x9b: {  	s0 =	simm.s32 @!p0 $0x3  }
0x9c: {  	_ =	swait.ge @!p0 [sflag:s0], s1  }
0x9d: {  	s1 =	ssub.s32 @!p0 $0x0, s1;
	[sflag:s0] =	ssyncset.done @!p0 $0x0  }
0x9e: {  	[sflag:s0] =	ssyncadd.s32 @!p0 s1  }
0x9f: {  	[bflag:$0x3] =	sbarrier.arrive $0xFFFF  }
0xa0: {  	_ =	shalt  }

// kernel: kernel.18.cloned.1.call-start
scs
__scs_entry_jumppad:
0x0: {  	(pc) =	sbr.rel $0x88, $3  }
0x1: {  	(tag) =	ssettag $0x0;
	lr =	simm.s32 $0x1  }
0x2: {  	[smem:$0x3F9A] =	sst lr;
	_ =	strace $0xD0000000  }
0x3: {  	_ = 	snop  }
0x4: {  	_ = 	snop  }
0x5: {  	_ = 	snop  }
0x6: {  	_ = 	snop  }
0x7: {  	_ = 	snop  }
__scs_overlays_trampoline_lowered:
0x8: {  	[smem:$0x3FA9] =	sst s0  }
0x9: {  	[smem:$0x3FAA] =	sst s1  }
0xa: {  	[smem:$0x3FAB] =	sst s2  }
0xb: {  	[smem:$0x3FAC] =	sst s3  }
0xc: {  	[smem:$0x3FAD] =	sst s4  }
0xd: {  	[smem:$0x3FAE] =	sst s5  }
0xe: {  	[smem:$0x3FAF] =	sst s6  }
0xf: {  	[smem:$0x3FB0] =	sst s7  }
0x10: {  	[smem:$0x3FB1] =	sst s8  }
0x11: {  	[smem:$0x3FB2] =	sst s9;
	s0 =	simm.s32 @!p0 $0x0  }
0x12: {  	s1 =	sld [smem:$0x3F98];
	s0 =	simm.s32 @p0 $0x1  }
0x13: {  	[smem:$0x3FB3] =	sst s0;
	s0 =	simm.s32 @!p1 $0x0  }
0x14: {  	s2 =	sld [smem:$0x3F97];
	s0 =	simm.s32 @p1 $0x1  }
0x15: {  	[smem:$0x3FB4] =	sst s0;
	s0 =	simm.s32 @!p2 $0x0  }
0x16: {  	s3 =	sld [smem:$0x3FDB];
	s0 =	simm.s32 @p2 $0x1  }
0x17: {  	s4 =	simm.s32 $0x1BF5;
	[smem:$0x3FB6] =	sst s0  }
0x18: {  	s0 =	sld [smem:$0x3F99];
	_ =	swait.ge [sflag:s4], $0x0  }
0x19: {  	s7 =	sld [smem:$0x3F9A]  }
0x1a: {  	s8 =	sadd.s32 $0xFFFFE003, lr  }
0x1b: {  	s9 =	sadd.s32 $0xFFFFFEF7, lr;
	s5 =	simm.s32 $0xFFFFFFFF;
	p2 =	slt.u32 s8, $0xFFFFF086  }
0x1c: {  	p1 =	slt.u32 s9, $0xF7A;
	s5 =	simm.s32 @!p2 $0x0  }
0x1d: {  	s5 =	simm.s32 @p1 $0x1;
	p0 =	seq.s32 s7, s2  }
0x1e: {  	s7 =	smul.u32 @!p0 $0xF7A, s2;
	p2 =	seq.s32 @!p0 s5, $0x0  }
0x1f: {  	s9 =	smul.u32 $0xF7A, s1;
	s8 =	simm.s32 @!p0 $0x1BF5;
	p2 =	por !p2, p0  }
0x20: {  	[sflag:s8] =	ssyncset.s32 @!p0 $0xFFFFF086;
	s6 =	sadd.s32 @!p0 s3, s7;
	s7 =	simm.s32 @!p0 $0x108  }
0x21: {  	s3 =	sadd.s32 s3, s9;
	s6 =	sadd.s32 @!p0 $0x88, s6;
	s7 =	simm.s32 @p2 $0x1082  }
0x22: {  	[simem:s7], [sflag:s8] =	dma.local @!p0 [hbm:s6], $0xF7A  }
0x23: {  	s9 =	sor.u32 $0xD0000000, s2;
	s6 =	simm.s32 $0x108;
	_ =	swait.ge @!p0 [sflag:s8], $0x0  }
0x24: {  	s3 =	sadd.s32 $0x88, s3;
	s6 =	simm.s32 @!p1 $0x1082;
	[sflag:s4] =	ssyncset.s32 $0xFFFFF086  }
0x25: {  	[simem:s6], [sflag:s4] =	dma.local [hbm:s3], $0xF7A  }
0x26: {  	[smem:$0x3F9A] =	sst s1;
	(tag) =	ssettag s2;
	_ =	strace s9  }
0x27: {  	s1 =	sld [smem:$0x3FAA]  }
0x28: {  	s2 =	sld [smem:$0x3FAB]  }
0x29: {  	s4 =	sld [smem:$0x3FAD]  }
0x2a: {  	p0 =	seq.s32 s5, $0x0;
	s5 =	sld [smem:$0x3FAE]  }
0x2b: {  	s6 =	sld [smem:$0x3FAF]  }
0x2c: {  	s7 =	sld [smem:$0x3FB0]  }
0x2d: {  	s3 =	simm.s32 $0x108;
	s8 =	sld [smem:$0x3FB1]  }
0x2e: {  	s3 =	simm.s32 @!p0 $0x1082;
	s9 =	sld [smem:$0x3FB2]  }
0x2f: {  	lr =	sadd.s32 s0, s3;
	s0 =	sld [smem:$0x3FA9]  }
0x30: {  	s3 =	sld [smem:$0x3FAC]  }
0x31: {  	[smem:$0x3FB5] =	sst s10  }
0x32: {  	s10 =	sld [smem:$0x3FB3];
	_ =	sdelay $0x3  }
0x33: {  	p0 =	seq.s32 s10, $0x1;
	s10 =	sld [smem:$0x3FB5];
	_ =	sdelay $0x3  }
0x34: {  	[smem:$0x3FB5] =	sst s10  }
0x35: {  	s10 =	sld [smem:$0x3FB4];
	_ =	sdelay $0x3  }
0x36: {  	p1 =	seq.s32 s10, $0x1;
	s10 =	sld [smem:$0x3FB5];
	_ =	sdelay $0x3  }
0x37: {  	[smem:$0x3FB5] =	sst s10  }
0x38: {  	s10 =	sld [smem:$0x3FB6]  }
0x39: {  	_ = 	snop;
	(pc) =	sbr.ind lr, $3  }
0x3a: {  	_ = 	snop  }
0x3b: {  	_ = 	snop  }
0x3c: {  	p2 =	seq.s32 s10, $0x1;
	s10 =	sld [smem:$0x3FB5]  }
0x3d: {  	_ =	shalt  }
0x3e: {  	_ =	shalt  }
0x3f: {  	_ =	shalt  }
0x40: {  	_ =	shalt  }
0x41: {  	_ =	shalt  }
0x42: {  	_ =	shalt  }
0x43: {  	_ =	shalt  }
0x44: {  	_ =	shalt  }
0x45: {  	_ =	shalt  }
0x46: {  	_ =	shalt  }
0x47: {  	_ =	shalt  }
0x48: {  	_ =	shalt  }
0x49: {  	_ =	shalt  }
0x4a: {  	_ =	shalt  }
0x4b: {  	_ =	shalt  }
0x4c: {  	_ =	shalt  }
0x4d: {  	_ =	shalt  }
0x4e: {  	_ =	shalt  }
0x4f: {  	_ =	shalt  }
0x50: {  	_ =	shalt  }
0x51: {  	_ =	shalt  }
0x52: {  	_ =	shalt  }
0x53: {  	_ =	shalt  }
0x54: {  	_ =	shalt  }
0x55: {  	_ =	shalt  }
0x56: {  	_ =	shalt  }
0x57: {  	_ =	shalt  }
0x58: {  	_ =	shalt  }
0x59: {  	_ =	shalt  }
0x5a: {  	_ =	shalt  }
0x5b: {  	_ =	shalt  }
0x5c: {  	_ =	shalt  }
0x5d: {  	_ =	shalt  }
0x5e: {  	_ =	shalt  }
0x5f: {  	_ =	shalt  }
0x60: {  	_ =	shalt  }
0x61: {  	_ =	shalt  }
0x62: {  	_ =	shalt  }
0x63: {  	_ =	shalt  }
0x64: {  	_ =	shalt  }
0x65: {  	_ =	shalt  }
0x66: {  	_ =	shalt  }
0x67: {  	_ =	shalt  }
0x68: {  	_ =	shalt  }
0x69: {  	_ =	shalt  }
0x6a: {  	_ =	shalt  }
0x6b: {  	_ =	shalt  }
0x6c: {  	_ =	shalt  }
0x6d: {  	_ =	shalt  }
0x6e: {  	_ =	shalt  }
0x6f: {  	_ =	shalt  }
0x70: {  	_ =	shalt  }
0x71: {  	_ =	shalt  }
0x72: {  	_ =	shalt  }
0x73: {  	_ =	shalt  }
0x74: {  	_ =	shalt  }
0x75: {  	_ =	shalt  }
0x76: {  	_ =	shalt  }
0x77: {  	_ =	shalt  }
0x78: {  	_ =	shalt  }
0x79: {  	_ =	shalt  }
0x7a: {  	_ =	shalt  }
0x7b: {  	_ =	shalt  }
0x7c: {  	_ =	shalt  }
0x7d: {  	_ =	shalt  }
0x7e: {  	_ =	shalt  }
0x7f: {  	_ =	shalt  }
0x80: {  	_ =	shalt  }
0x81: {  	_ =	shalt  }
0x82: {  	_ =	shalt  }
0x83: {  	_ =	shalt  }
0x84: {  	_ =	shalt  }
0x85: {  	_ =	shalt  }
0x86: {  	_ =	shalt  }
0x87: {  	_ =	shalt  }
.Lfunc_end0:
.L_simem_size_0:
called_computation.2_lowered:
.L_overlay_start_0:
0x88: {  	s2 =	sld [smem:$0x3FD9]  }
0x89: {  	s3 =	sld [smem:$0x3FFE];
	_ =	sdelay $0x1  }
0x8a: {  	s1 =	srdreg.scid  }
0x8b: {  	s0 =	sand.u32 $0x1, s1  }
0x8c: {  	s16 =	sshll.u32 s0, $0xA;
	s2 =	sadd.s32 s3, s2  }
0x8d: {  	s2 =	sadd.s32 s2, s16  }
0x8e: {  	[smem:$0x3FC1] =	sst s2  }
0x8f: {  	_ = 	snop  }
0x90: {  	(tm) =	ssettm $0x1  }
0x91: {  	s17 =	sld [smem:$0x3FFB];
	_ =	sdelay $0x3  }
0x92: {  	_ =	strace s17  }
0x93: {  	s2 =	sld [smem:$0x3FFC];
	_ =	sdelay $0x3  }
0x94: {  	_ =	strace s2  }
0x95: {  	s2 =	sld [smem:$0x3FFD];
	_ =	sdelay $0x3  }
0x96: {  	_ =	strace s2  }
0x97: {  	_ =	strace $0x8FFFFFFF  }
0x98: {  	s18 =	sld [smem:$0x3FDB];
	_ =	sdelay $0x1  }
0x99: {  	s19 =	simm.s32 $_scs_section_size  }
0x9a: {  	s4 =	simm.s32 $_size__tile_overlayer_lowered;
	s5 =	simm.s32 $_tile_overlayer_lowered  }
0x9b: {  	s22 =	simm.s32 $0x1BFF;
	s21 =	sshll.u32 s5, $0x1;
	s2 =	sadd.s32 s19, s18  }
0x9c: {  	s6 =	simm.s32 $0x0;
	s20 =	sshll.u32 s4, $0x1;
	s4 =	sadd.s32 s21, s2  }
0x9d: {  	[timem:s6], [sflag:s22] =	dma.local [hbm:s4], s20  }
0x9e: {  	_ =	swait.ge [sflag:s22], s20  }
0x9f: {  	s3 =	ssub.s32 $0x0, s20;
	[sflag:s22] =	ssyncset.done $0x0  }
0xa0: {  	[sflag:s22] =	ssyncadd.s32 s3;
	_ =	sdelay $0x1  }
0xa1: {  	s23 =	simm.s32 $0x1B8B  }
0xa2: {  	_ =	swait.ge [sflag:s23], $0x1  }
0xa3: {  	[sflag:s23] =	ssyncset.done $0x0  }
0xa4: {  	s25 =	simm.s32 $0x1B8E;
	s24 =	sld [smem:$0x3FFE];
	[sflag:s23] =	ssyncadd.s32 $0xFFFFFFFF  }
0xa5: {  	s26 =	simm.s32 $execute0_lowered;
	[smem:$0x3FD2] =	sst s25  }
0xa6: {  	s4 =	sshll.u32 s26, $0x1;
	_ =	strace $0x8000004C;
	[dreg:$0x1] =	wrdreg $0xFFFFFFFF  }
0xa7: {  	s28 =	simm.s32 $_size_execute0_lowered;
	s2 =	sadd.s32 s2, s4;
	[dreg:$0x0] =	wrdreg $0x0  }
0xa8: {  	s4 =	sshll.u32 s28, $0x1;
	[dreg:$0x2] =	wrdreg s2  }
0xa9: {  	[dreg:$0x3] =	wrdreg s4  }
0xaa: {  	[dreg:$0x4] =	wrdreg $0xC0  }
0xab: {  	_ =	task [dreg:s6], $0x5FFFF  }
0xac: {  	[dreg:$0x1] =	wrdreg $0xFFFFFFFF  }
0xad: {  	[dreg:$0x0] =	wrdreg $0x60  }
0xae: {  	[dreg:$0x2] =	wrdreg s24  }
0xaf: {  	[dreg:$0x3] =	wrdreg $0xA8000  }
0xb0: {  	[dreg:$0x4] =	wrdreg $0x9  }
0xb1: {  	_ =	task.clear_ibuf [dreg:s6], $0x5FFFF;
	_ =	strace $0x9000004C  }
0xb2: {  	s29 =	simm.s32 $0x9;
	_ =	strace $0x8000004E  }
0xb3: {  	_ =	swait.ge [sflag:s29], $0x1  }
0xb4: {  	[sflag:s29] =	ssyncadd.s32 $0xFFFFFFFF  }
0xb5: {  	_ =	strace $0x9000004E  }
0xb6: {  	_ =	sfence  }
0xb7: {  	s30 =	sld [smem:$0x0];
	_ =	sdelay $0x2  }
0xb8: {  	s31 =	sshll.u32 s1, $0xD;
	s1 =	sshrl.u32 s1, $0x2  }
0xb9: {  	s3 =	sand.u32 $0x4000, s31;
	s1 =	sadd.s32 s1, s30  }
0xba: {  	s0 =	sor.u32 s3, s0;
	s1 =	sshll.u32 s1, $0x11  }
0xbb: {  	s0 =	sor.u32 s1, s0  }
0xbc: {  	s0 =	sadd.s32 $0x8F2B, s0  }
0xbd: {  	[sflag:s0] =	ssyncadd.remote.s32 $0x1  }
0xbe: {  	_ =	sfence.sel $0xFFFF  }
0xbf: {  	[dreg:$0x0] =	wrdreg $0xFFFFFFFF;
	(pc) =	sbr.abs _section_cstart, $3  }
0xc0: {  	[dreg:$0x1] =	wrdreg $0xFFFFFFFF  }
0xc1: {  	_ =	task.clear_ibuf [dreg:s6], $0x2FFFF;
	_ =	strace $0x9FFFFFFF  }
0xc2: {  	(tm) =	ssettm $0x7FFFFFFF  }
0xc3: {  	_ =	shalt  }
tec
execute0_lowered:
.L_overlay_start_1:
0x0: {  	(tag) =	ssettag $0x1  }
0x1: {  	s6 =	rddreg [dreg:$0x0]  }
0x2: {  	s2 =	rddreg [dreg:$0x1]  }
0x3: {  	s0 =	rddreg [dreg:$0x2];
	s4 =	srdreg.scid  }
0x4: {  	s1 =	stileid.u32;
	s3 =	simm.s32 $0x0;
	s16 =	simm.s32 $0x80  }
0x5: {  	s17 =	simm.s32 $0x2800;
	s18 =	simm.s32 $0x6800;
	s19 =	simm.s32 $0x1  }
0x6: {  	s20 =	simm.s32 $0x2;
	s21 =	simm.s32 $0x2700;
	s22 =	simm.s32 $0x2780  }
0x7: {  	s23 =	simm.s32 $0x0;
	s7 =	sand.u32 $0x1, s4;
	s8 =	smul.u32 $0x2800, s1  }
0x8: {  	[smem:$0x7FF] =	sst s3;
	s4 =	sadd.s32 $0x1BA00, s6;
	s11 =	sadd.s32 $0xF200, s6  }
0x9: {  	s12 =	sadd.s32 $0x5200, s6;
	s5 =	sadd.s32 $0x19200, s6;
	s10 =	smul.u32 $0x50000, s1  }
0xa: {  	s13 =	sshll.u32 s1, $0x6;
	s9 =	smul.u32 $0x28000, s7;
	s29 =	ssub.s32 $0x2, s7  }
0xb: {  	_ =	strace $0x8000004D;
	s7 =	sshll.u32 s7, $0x4;
	s30 =	sshrl.u32 s29, $0x1  }
0xc: {  	s7 =	sor.u32 s1, s7;
	s10 =	sshrl.u32 s10, $0x2;
	s8 =	sadd.s32 s8, s9  }
0xd: {  	s14 =	smul.u32 $0x500, s7;
	s9 =	ssub.s32 s29, s30;
	s15 =	sadd.s32 s10, s2  }
0xe: {  	s8 =	sadd.s32 s8, s6;
	s6 =	sor.u32 $0x1C03, s13;
	s13 =	sshrl.u32 s15, $0x3  }
0xf: {  	s15 =	simm.s32 $0x1400;
	s7 =	sadd.s32 $0x42C00, s8;
	s8 =	smax.u32 s9, $0x1  }
0x10: {  	s31 =	sadd.s32 $0x280, s14;
	s9 =	sadd.s32 s11, s14;
	s10 =	sadd.s32 s12, s14  }
0x11: {  	s14 =	simm.s32 $0x3;
	s11 =	sadd.s32 s11, s31;
	s12 =	sadd.s32 s12, s31  }
.LBB2_1:
0x12: {  	[spmem:s13], [sflag:s6] =	dma.local [hbm:s5], $0x2800  }
0x13: {  	_ =	swait.ge [sflag:s14], $0x2800  }
0x14: {  	[sflag:s14] =	ssyncset.done $0x0  }
0x15: {  	[sflag:s14] =	ssyncadd.s32 $0xFFFFD800  }
0x16: {  	[bflag:$0x0] =	sbarrier.arrive $0xFFFF  }
0x17: {  	[tilespmem:s3], [sflag:$0x3] =	stream.linear.gather [hbm4b:s9+s3], $0x1400, $0x38;
	[tilespmem:$0x1E800] =	vst v63  }
0x18: {  	_ =	swait.ge [sflag:s14], $0x1400  }
0x19: {  	[sflag:s14] =	ssyncset.done $0x0  }
0x1a: {  	[sflag:s14] =	ssyncadd.s32 $0xFFFFEC00  }
0x1b: {  	[tilespmem:s15], [sflag:$0x3] =	stream.linear.gather [hbm4b:s10+s3], $0x1400, $0x38;
	[tilespmem:$0x1E800] =	vst v63  }
0x1c: {  	_ =	swait.ge [sflag:s14], $0x1400  }
0x1d: {  	[sflag:s14] =	ssyncset.done $0x0  }
0x1e: {  	[sflag:s14] =	ssyncadd.s32 $0xFFFFEC00  }
0x1f: {  	[tilespmem:s17], [sflag:$0x1] =	stream.indirect.gather [hbm4b:s4+s16], $0x80, s3, s16, $0xb8;
	[tilespmem:$0x1E800] =	vst v63  }
0x20: {  	_ = 	snop  }
0x21: {  	[tilespmem:s18], [sflag:$0x2] =	stream.indirect.gather [hbm4b:s4+s16], $0x80, s16, s16, $0xb8;
	[tilespmem:$0x1E800] =	vst v63  }
0x22: {  	_ =	swait.ge [sflag:s19], $0x4000  }
0x23: {  	[sflag:s19] =	ssyncset.done $0x0  }
0x24: {  	s24 =	simm.s32 $0x1400;
	[sflag:s19] =	ssyncadd.s32 $0xFFFFC000  }
0x25: {  	[spmem:s2] =	stream.indirect.scatter.add.f32 [tilespmem:s17], [sflag:$0x3], $0x80, s24, s16, $0xb8;
	[tilespmem:$0x1E800] =	vst v63  }
0x26: {  	_ =	swait.ge [sflag:s14], $0x4000  }
0x27: {  	[sflag:s14] =	ssyncset.done $0x0  }
0x28: {  	s30 =	simm.s32 $0x100;
	[sflag:s14] =	ssyncadd.s32 $0xFFFFC000  }
0x29: {  	[tilespmem:s17], [sflag:$0x1] =	stream.indirect.gather [hbm4b:s4+s16], $0x80, s30, s16, $0xb8;
	[tilespmem:$0x1E800] =	vst v63  }
0x2a: {  	_ =	swait.ge [sflag:s20], $0x4000  }
0x2b: {  	[sflag:s20] =	ssyncset.done $0x0  }
0x2c: {  	s31 =	simm.s32 $0x1480;
	[sflag:s20] =	ssyncadd.s32 $0xFFFFC000  }
0x2d: {  	[spmem:s2] =	stream.indirect.scatter.add.f32 [tilespmem:s18], [sflag:$0x3], $0x80, s31, s16, $0xb8;
	[tilespmem:$0x1E800] =	vst v63  }
0x2e: {  	_ =	swait.ge [sflag:s14], $0x4000  }
0x2f: {  	[sflag:s14] =	ssyncset.done $0x0  }
0x30: {  	s25 =	simm.s32 $0x180;
	s24 =	simm.s32 $0x400;
	[sflag:s14] =	ssyncadd.s32 $0xFFFFC000  }
.LBB2_2:
0x31: {  	[tilespmem:s18], [sflag:$0x2] =	stream.indirect.gather [hbm4b:s4+s16], $0x80, s25, s16, $0xb8;
	[tilespmem:$0x1E800] =	vst v63  }
0x32: {  	s25 =	smov.u32 s24  }
0x33: {  	p0 =	sne.s32 s24, $0x4800;
	s24 =	sadd.s32 $0x400, s24;
	_ =	swait.ge [sflag:s19], $0x4000  }
0x34: {  	s25 =	sshra.s32 s25, $0x2;
	[sflag:s19] =	ssyncset.done $0x0  }
0x35: {  	s26 =	sadd.s32 $0x1400, s25;
	[sflag:s19] =	ssyncadd.s32 $0xFFFFC000  }
0x36: {  	[spmem:s2] =	stream.indirect.scatter.add.f32 [tilespmem:s17], [sflag:$0x3], $0x80, s26, s16, $0xb8;
	[tilespmem:$0x1E800] =	vst v63  }
0x37: {  	_ =	swait.ge [sflag:s14], $0x4000  }
0x38: {  	[sflag:s14] =	ssyncset.done $0x0  }
0x39: {  	s26 =	sadd.s32 $0x100, s25;
	[sflag:s14] =	ssyncadd.s32 $0xFFFFC000  }
0x3a: {  	[tilespmem:s17], [sflag:$0x1] =	stream.indirect.gather [hbm4b:s4+s16], $0x80, s26, s16, $0xb8;
	[tilespmem:$0x1E800] =	vst v63  }
0x3b: {  	_ =	swait.ge [sflag:s20], $0x4000  }
0x3c: {  	[sflag:s20] =	ssyncset.done $0x0  }
.Ltmp0:
0x3d: {  	s26 =	sadd.s32 $0x1480, s25;
	[sflag:s20] =	ssyncadd.s32 $0xFFFFC000;
	(pc) =	sbr.rel @p0 .LBB2_2-.Ltmp0, $4  }
0x3e: {  	[spmem:s2] =	stream.indirect.scatter.add.f32 [tilespmem:s18], [sflag:$0x3], $0x80, s26, s16, $0xb8;
	[tilespmem:$0x1E800] =	vst v63  }
0x3f: {  	_ =	swait.ge [sflag:s14], $0x4000  }
0x40: {  	[sflag:s14] =	ssyncset.done $0x0  }
0x41: {  	s25 =	sadd.s32 $0x180, s25;
	[sflag:s14] =	ssyncadd.s32 $0xFFFFC000  }
0x42: {  	[tilespmem:s18], [sflag:$0x2] =	stream.indirect.gather [hbm4b:s4+s16], $0x80, s25, s16, $0xb8;
	[tilespmem:$0x1E800] =	vst v63  }
0x43: {  	_ =	swait.ge [sflag:s19], $0x4000  }
0x44: {  	[sflag:s19] =	ssyncset.done $0x0  }
0x45: {  	[sflag:s19] =	ssyncadd.s32 $0xFFFFC000  }
0x46: {  	[spmem:s2] =	stream.indirect.scatter.add.f32 [tilespmem:s17], [sflag:$0x3], $0x80, s21, s16, $0xb8;
	[tilespmem:$0x1E800] =	vst v63  }
0x47: {  	_ =	swait.ge [sflag:s14], $0x4000  }
0x48: {  	[sflag:s14] =	ssyncset.done $0x0  }
0x49: {  	[sflag:s14] =	ssyncadd.s32 $0xFFFFC000  }
0x4a: {  	_ =	swait.ge [sflag:s20], $0x4000  }
0x4b: {  	[sflag:s20] =	ssyncset.done $0x0  }
0x4c: {  	[sflag:s20] =	ssyncadd.s32 $0xFFFFC000  }
0x4d: {  	[spmem:s2] =	stream.indirect.scatter.add.f32 [tilespmem:s18], [sflag:$0x3], $0x80, s22, s16, $0xb8;
	[tilespmem:$0x1E800] =	vst v63  }
0x4e: {  	_ =	swait.ge [sflag:s14], $0x4000  }
0x4f: {  	[sflag:s14] =	ssyncset.done $0x0  }
0x50: {  	s24 =	simm.s32 $0x0;
	[sflag:s14] =	ssyncadd.s32 $0xFFFFC000  }
0x51: {  	[tilespmem:s24], [sflag:$0x3] =	stream.linear.gather [hbm4b:s11+s24], $0x1400, $0x38;
	[tilespmem:$0x1E800] =	vst v63  }
0x52: {  	_ =	swait.ge [sflag:s14], $0x1400  }
0x53: {  	[sflag:s14] =	ssyncset.done $0x0  }
0x54: {  	[sflag:s14] =	ssyncadd.s32 $0xFFFFEC00  }
0x55: {  	[tilespmem:s15], [sflag:$0x3] =	stream.linear.gather [hbm4b:s12+s24], $0x1400, $0x38;
	[tilespmem:$0x1E800] =	vst v63  }
0x56: {  	_ =	swait.ge [sflag:s14], $0x1400  }
0x57: {  	[sflag:s14] =	ssyncset.done $0x0  }
0x58: {  	[sflag:s14] =	ssyncadd.s32 $0xFFFFEC00  }
0x59: {  	[tilespmem:s17], [sflag:$0x1] =	stream.indirect.gather [hbm4b:s4+s16], $0x80, s24, s16, $0xb8;
	[tilespmem:$0x1E800] =	vst v63  }
0x5a: {  	_ = 	snop  }
0x5b: {  	[tilespmem:s18], [sflag:$0x2] =	stream.indirect.gather [hbm4b:s4+s16], $0x80, s16, s16, $0xb8;
	[tilespmem:$0x1E800] =	vst v63  }
0x5c: {  	_ =	swait.ge [sflag:s19], $0x4000  }
0x5d: {  	[sflag:s19] =	ssyncset.done $0x0  }
0x5e: {  	s29 =	simm.s32 $0x1400;
	[sflag:s19] =	ssyncadd.s32 $0xFFFFC000  }
0x5f: {  	[spmem:s2] =	stream.indirect.scatter.add.f32 [tilespmem:s17], [sflag:$0x3], $0x80, s29, s16, $0xb8;
	[tilespmem:$0x1E800] =	vst v63  }
0x60: {  	_ =	swait.ge [sflag:s14], $0x4000  }
0x61: {  	[sflag:s14] =	ssyncset.done $0x0  }
0x62: {  	s30 =	simm.s32 $0x100;
	[sflag:s14] =	ssyncadd.s32 $0xFFFFC000  }
0x63: {  	[tilespmem:s17], [sflag:$0x1] =	stream.indirect.gather [hbm4b:s4+s16], $0x80, s30, s16, $0xb8;
	[tilespmem:$0x1E800] =	vst v63  }
0x64: {  	_ =	swait.ge [sflag:s20], $0x4000  }
0x65: {  	[sflag:s20] =	ssyncset.done $0x0  }
0x66: {  	s31 =	simm.s32 $0x1480;
	[sflag:s20] =	ssyncadd.s32 $0xFFFFC000  }
0x67: {  	[spmem:s2] =	stream.indirect.scatter.add.f32 [tilespmem:s18], [sflag:$0x3], $0x80, s31, s16, $0xb8;
	[tilespmem:$0x1E800] =	vst v63  }
0x68: {  	_ =	swait.ge [sflag:s14], $0x4000  }
0x69: {  	[sflag:s14] =	ssyncset.done $0x0  }
0x6a: {  	s25 =	simm.s32 $0x180;
	s24 =	simm.s32 $0x400;
	[sflag:s14] =	ssyncadd.s32 $0xFFFFC000  }
.LBB2_4:
0x6b: {  	[tilespmem:s18], [sflag:$0x2] =	stream.indirect.gather [hbm4b:s4+s16], $0x80, s25, s16, $0xb8;
	[tilespmem:$0x1E800] =	vst v63  }
0x6c: {  	s25 =	smov.u32 s24  }
0x6d: {  	p0 =	sne.s32 s24, $0x4800;
	s24 =	sadd.s32 $0x400, s24;
	_ =	swait.ge [sflag:s19], $0x4000  }
0x6e: {  	s25 =	sshra.s32 s25, $0x2;
	[sflag:s19] =	ssyncset.done $0x0  }
0x6f: {  	s26 =	sadd.s32 $0x1400, s25;
	[sflag:s19] =	ssyncadd.s32 $0xFFFFC000  }
0x70: {  	[spmem:s2] =	stream.indirect.scatter.add.f32 [tilespmem:s17], [sflag:$0x3], $0x80, s26, s16, $0xb8;
	[tilespmem:$0x1E800] =	vst v63  }
0x71: {  	_ =	swait.ge [sflag:s14], $0x4000  }
0x72: {  	[sflag:s14] =	ssyncset.done $0x0  }
0x73: {  	s26 =	sadd.s32 $0x100, s25;
	[sflag:s14] =	ssyncadd.s32 $0xFFFFC000  }
0x74: {  	[tilespmem:s17], [sflag:$0x1] =	stream.indirect.gather [hbm4b:s4+s16], $0x80, s26, s16, $0xb8;
	[tilespmem:$0x1E800] =	vst v63  }
0x75: {  	_ =	swait.ge [sflag:s20], $0x4000  }
0x76: {  	[sflag:s20] =	ssyncset.done $0x0  }
.Ltmp1:
0x77: {  	s26 =	sadd.s32 $0x1480, s25;
	[sflag:s20] =	ssyncadd.s32 $0xFFFFC000;
	(pc) =	sbr.rel @p0 .LBB2_4-.Ltmp1, $4  }
0x78: {  	[spmem:s2] =	stream.indirect.scatter.add.f32 [tilespmem:s18], [sflag:$0x3], $0x80, s26, s16, $0xb8;
	[tilespmem:$0x1E800] =	vst v63  }
0x79: {  	_ =	swait.ge [sflag:s14], $0x4000  }
0x7a: {  	[sflag:s14] =	ssyncset.done $0x0  }
0x7b: {  	s25 =	sadd.s32 $0x180, s25;
	[sflag:s14] =	ssyncadd.s32 $0xFFFFC000  }
0x7c: {  	[tilespmem:s18], [sflag:$0x2] =	stream.indirect.gather [hbm4b:s4+s16], $0x80, s25, s16, $0xb8;
	[tilespmem:$0x1E800] =	vst v63  }
0x7d: {  	_ =	swait.ge [sflag:s19], $0x4000  }
0x7e: {  	[sflag:s19] =	ssyncset.done $0x0  }
0x7f: {  	[sflag:s19] =	ssyncadd.s32 $0xFFFFC000  }
0x80: {  	[spmem:s2] =	stream.indirect.scatter.add.f32 [tilespmem:s17], [sflag:$0x3], $0x80, s21, s16, $0xb8;
	[tilespmem:$0x1E800] =	vst v63  }
0x81: {  	_ =	swait.ge [sflag:s14], $0x4000  }
0x82: {  	[sflag:s14] =	ssyncset.done $0x0  }
0x83: {  	[sflag:s14] =	ssyncadd.s32 $0xFFFFC000  }
0x84: {  	_ =	swait.ge [sflag:s20], $0x4000  }
0x85: {  	[sflag:s20] =	ssyncset.done $0x0  }
0x86: {  	[sflag:s20] =	ssyncadd.s32 $0xFFFFC000  }
0x87: {  	[spmem:s2] =	stream.indirect.scatter.add.f32 [tilespmem:s18], [sflag:$0x3], $0x80, s22, s16, $0xb8;
	[tilespmem:$0x1E800] =	vst v63  }
0x88: {  	_ =	swait.ge [sflag:s14], $0x4000  }
0x89: {  	s23 =	sadd.s32 $0x1, s23;
	[sflag:s14] =	ssyncset.done $0x0  }
0x8a: {  	p0 =	sne.s32 s23, s8;
	[sflag:s14] =	ssyncadd.s32 $0xFFFFC000  }
.Ltmp2:
0x8b: {  	[bflag:$0x0] =	sbarrier.arrive $0xFFFF;
	(pc) =	sbr.rel @p0 .LBB2_1-.Ltmp2, $4  }
0x8c: {  	[hbm:s7], [sflag:s6] =	dma.local [spmem:s13], $0x2800  }
0x8d: {  	_ =	swait.ge [sflag:s14], $0x2800  }
0x8e: {  	[sflag:s14] =	ssyncset.done $0x0  }
0x8f: {  	[sflag:s14] =	ssyncadd.s32 $0xFFFFD800  }
0x90: {  	_ =	sfence.sel $0x180000  }
0x91: {  	[bflag:$0x0] =	sbarrier.arrive $0xFFFF  }
0x92: {  	p0 =	sne.s32 s1, $0x0;
	_ =	strace $0x9000004D  }
0x93: {  	s0 =	sadd.s32 @!p0 $0x100000, s0;
	[bflag:$0x2] =	sbarrier.arrive $0xFFFF  }
0x94: {  	[sflag:s0] =	ssyncadd.tile.s32 @!p0 $0x1;
	_ =	shalt  }
.Lfunc_end2:
_tile_overlayer_lowered:
.L_overlay_start_2:
0x95: {  	(tag) =	ssettag $0x2  }
0x96: {  	s0 =	rddreg [dreg:$0x0];
	s2 =	stileid.u32  }
0x97: {  	s1 =	rddreg [dreg:$0x1];
	p0 =	sne.s32 s2, $0x0  }
0x98: {  	s3 =	rddreg [dreg:$0x2];
	[bflag:$0x3] =	sbarrier.arrive $0xFFFF;
	s2 =	simm.s32 @!p0 $0x1C03  }
0x99: {  	[timem:s3], [sflag:s2] =	dma.local @!p0 [hbm:s0], s1  }
0x9a: {  	s0 =	simm.s32 @!p0 $0x3  }
0x9b: {  	_ =	swait.ge @!p0 [sflag:s0], s1  }
0x9c: {  	s1 =	ssub.s32 @!p0 $0x0, s1;
	[sflag:s0] =	ssyncset.done @!p0 $0x0  }
0x9d: {  	[sflag:s0] =	ssyncadd.s32 @!p0 s1  }
0x9e: {  	[bflag:$0x3] =	sbarrier.arrive $0xFFFF  }
0x9f: {  	_ =	shalt  }

// kernel: kernel.21.cloned.1.call-start
scs
__scs_entry_jumppad:
0x0: {  	(pc) =	sbr.rel $0x88, $3  }
0x1: {  	(tag) =	ssettag $0x0;
	lr =	simm.s32 $0x1  }
0x2: {  	[smem:$0x3F9A] =	sst lr;
	_ =	strace $0xD0000000  }
0x3: {  	_ = 	snop  }
0x4: {  	_ = 	snop  }
0x5: {  	_ = 	snop  }
0x6: {  	_ = 	snop  }
0x7: {  	_ = 	snop  }
__scs_overlays_trampoline_lowered:
0x8: {  	[smem:$0x3FA9] =	sst s0  }
0x9: {  	[smem:$0x3FAA] =	sst s1  }
0xa: {  	[smem:$0x3FAB] =	sst s2  }
0xb: {  	[smem:$0x3FAC] =	sst s3  }
0xc: {  	[smem:$0x3FAD] =	sst s4  }
0xd: {  	[smem:$0x3FAE] =	sst s5  }
0xe: {  	[smem:$0x3FAF] =	sst s6  }
0xf: {  	[smem:$0x3FB0] =	sst s7  }
0x10: {  	[smem:$0x3FB1] =	sst s8  }
0x11: {  	[smem:$0x3FB2] =	sst s9;
	s0 =	simm.s32 @!p0 $0x0  }
0x12: {  	s1 =	sld [smem:$0x3F98];
	s0 =	simm.s32 @p0 $0x1  }
0x13: {  	[smem:$0x3FB3] =	sst s0;
	s0 =	simm.s32 @!p1 $0x0  }
0x14: {  	s2 =	sld [smem:$0x3F97];
	s0 =	simm.s32 @p1 $0x1  }
0x15: {  	[smem:$0x3FB4] =	sst s0;
	s0 =	simm.s32 @!p2 $0x0  }
0x16: {  	s3 =	sld [smem:$0x3FDB];
	s0 =	simm.s32 @p2 $0x1  }
0x17: {  	s4 =	simm.s32 $0x1BF5;
	[smem:$0x3FB6] =	sst s0  }
0x18: {  	s0 =	sld [smem:$0x3F99];
	_ =	swait.ge [sflag:s4], $0x0  }
0x19: {  	s7 =	sld [smem:$0x3F9A]  }
0x1a: {  	s8 =	sadd.s32 $0xFFFFE003, lr  }
0x1b: {  	s9 =	sadd.s32 $0xFFFFFEF7, lr;
	s5 =	simm.s32 $0xFFFFFFFF;
	p2 =	slt.u32 s8, $0xFFFFF086  }
0x1c: {  	p1 =	slt.u32 s9, $0xF7A;
	s5 =	simm.s32 @!p2 $0x0  }
0x1d: {  	s5 =	simm.s32 @p1 $0x1;
	p0 =	seq.s32 s7, s2  }
0x1e: {  	s7 =	smul.u32 @!p0 $0xF7A, s2;
	p2 =	seq.s32 @!p0 s5, $0x0  }
0x1f: {  	s9 =	smul.u32 $0xF7A, s1;
	s8 =	simm.s32 @!p0 $0x1BF5;
	p2 =	por !p2, p0  }
0x20: {  	[sflag:s8] =	ssyncset.s32 @!p0 $0xFFFFF086;
	s6 =	sadd.s32 @!p0 s3, s7;
	s7 =	simm.s32 @!p0 $0x108  }
0x21: {  	s3 =	sadd.s32 s3, s9;
	s6 =	sadd.s32 @!p0 $0x88, s6;
	s7 =	simm.s32 @p2 $0x1082  }
0x22: {  	[simem:s7], [sflag:s8] =	dma.local @!p0 [hbm:s6], $0xF7A  }
0x23: {  	s9 =	sor.u32 $0xD0000000, s2;
	s6 =	simm.s32 $0x108;
	_ =	swait.ge @!p0 [sflag:s8], $0x0  }
0x24: {  	s3 =	sadd.s32 $0x88, s3;
	s6 =	simm.s32 @!p1 $0x1082;
	[sflag:s4] =	ssyncset.s32 $0xFFFFF086  }
0x25: {  	[simem:s6], [sflag:s4] =	dma.local [hbm:s3], $0xF7A  }
0x26: {  	[smem:$0x3F9A] =	sst s1;
	(tag) =	ssettag s2;
	_ =	strace s9  }
0x27: {  	s1 =	sld [smem:$0x3FAA]  }
0x28: {  	s2 =	sld [smem:$0x3FAB]  }
0x29: {  	s4 =	sld [smem:$0x3FAD]  }
0x2a: {  	p0 =	seq.s32 s5, $0x0;
	s5 =	sld [smem:$0x3FAE]  }
0x2b: {  	s6 =	sld [smem:$0x3FAF]  }
0x2c: {  	s7 =	sld [smem:$0x3FB0]  }
0x2d: {  	s3 =	simm.s32 $0x108;
	s8 =	sld [smem:$0x3FB1]  }
0x2e: {  	s3 =	simm.s32 @!p0 $0x1082;
	s9 =	sld [smem:$0x3FB2]  }
0x2f: {  	lr =	sadd.s32 s0, s3;
	s0 =	sld [smem:$0x3FA9]  }
0x30: {  	s3 =	sld [smem:$0x3FAC]  }
0x31: {  	[smem:$0x3FB5] =	sst s10  }
0x32: {  	s10 =	sld [smem:$0x3FB3];
	_ =	sdelay $0x3  }
0x33: {  	p0 =	seq.s32 s10, $0x1;
	s10 =	sld [smem:$0x3FB5];
	_ =	sdelay $0x3  }
0x34: {  	[smem:$0x3FB5] =	sst s10  }
0x35: {  	s10 =	sld [smem:$0x3FB4];
	_ =	sdelay $0x3  }
0x36: {  	p1 =	seq.s32 s10, $0x1;
	s10 =	sld [smem:$0x3FB5];
	_ =	sdelay $0x3  }
0x37: {  	[smem:$0x3FB5] =	sst s10  }
0x38: {  	s10 =	sld [smem:$0x3FB6]  }
0x39: {  	_ = 	snop;
	(pc) =	sbr.ind lr, $3  }
0x3a: {  	_ = 	snop  }
0x3b: {  	_ = 	snop  }
0x3c: {  	p2 =	seq.s32 s10, $0x1;
	s10 =	sld [smem:$0x3FB5]  }
0x3d: {  	_ =	shalt  }
0x3e: {  	_ =	shalt  }
0x3f: {  	_ =	shalt  }
0x40: {  	_ =	shalt  }
0x41: {  	_ =	shalt  }
0x42: {  	_ =	shalt  }
0x43: {  	_ =	shalt  }
0x44: {  	_ =	shalt  }
0x45: {  	_ =	shalt  }
0x46: {  	_ =	shalt  }
0x47: {  	_ =	shalt  }
0x48: {  	_ =	shalt  }
0x49: {  	_ =	shalt  }
0x4a: {  	_ =	shalt  }
0x4b: {  	_ =	shalt  }
0x4c: {  	_ =	shalt  }
0x4d: {  	_ =	shalt  }
0x4e: {  	_ =	shalt  }
0x4f: {  	_ =	shalt  }
0x50: {  	_ =	shalt  }
0x51: {  	_ =	shalt  }
0x52: {  	_ =	shalt  }
0x53: {  	_ =	shalt  }
0x54: {  	_ =	shalt  }
0x55: {  	_ =	shalt  }
0x56: {  	_ =	shalt  }
0x57: {  	_ =	shalt  }
0x58: {  	_ =	shalt  }
0x59: {  	_ =	shalt  }
0x5a: {  	_ =	shalt  }
0x5b: {  	_ =	shalt  }
0x5c: {  	_ =	shalt  }
0x5d: {  	_ =	shalt  }
0x5e: {  	_ =	shalt  }
0x5f: {  	_ =	shalt  }
0x60: {  	_ =	shalt  }
0x61: {  	_ =	shalt  }
0x62: {  	_ =	shalt  }
0x63: {  	_ =	shalt  }
0x64: {  	_ =	shalt  }
0x65: {  	_ =	shalt  }
0x66: {  	_ =	shalt  }
0x67: {  	_ =	shalt  }
0x68: {  	_ =	shalt  }
0x69: {  	_ =	shalt  }
0x6a: {  	_ =	shalt  }
0x6b: {  	_ =	shalt  }
0x6c: {  	_ =	shalt  }
0x6d: {  	_ =	shalt  }
0x6e: {  	_ =	shalt  }
0x6f: {  	_ =	shalt  }
0x70: {  	_ =	shalt  }
0x71: {  	_ =	shalt  }
0x72: {  	_ =	shalt  }
0x73: {  	_ =	shalt  }
0x74: {  	_ =	shalt  }
0x75: {  	_ =	shalt  }
0x76: {  	_ =	shalt  }
0x77: {  	_ =	shalt  }
0x78: {  	_ =	shalt  }
0x79: {  	_ =	shalt  }
0x7a: {  	_ =	shalt  }
0x7b: {  	_ =	shalt  }
0x7c: {  	_ =	shalt  }
0x7d: {  	_ =	shalt  }
0x7e: {  	_ =	shalt  }
0x7f: {  	_ =	shalt  }
0x80: {  	_ =	shalt  }
0x81: {  	_ =	shalt  }
0x82: {  	_ =	shalt  }
0x83: {  	_ =	shalt  }
0x84: {  	_ =	shalt  }
0x85: {  	_ =	shalt  }
0x86: {  	_ =	shalt  }
0x87: {  	_ =	shalt  }
.Lfunc_end0:
.L_simem_size_0:
called_computation.3_lowered:
.L_overlay_start_0:
0x88: {  	s2 =	sld [smem:$0x3FD9]  }
0x89: {  	s3 =	sld [smem:$0x3FFE];
	_ =	sdelay $0x1  }
0x8a: {  	s1 =	srdreg.scid  }
0x8b: {  	s0 =	sand.u32 $0x1, s1  }
0x8c: {  	s16 =	sshll.u32 s0, $0xA;
	s2 =	sadd.s32 s3, s2  }
0x8d: {  	s2 =	sadd.s32 s2, s16  }
0x8e: {  	[smem:$0x3FC1] =	sst s2  }
0x8f: {  	_ = 	snop  }
0x90: {  	(tm) =	ssettm $0x1  }
0x91: {  	s17 =	sld [smem:$0x3FFB];
	_ =	sdelay $0x3  }
0x92: {  	_ =	strace s17  }
0x93: {  	s2 =	sld [smem:$0x3FFC];
	_ =	sdelay $0x3  }
0x94: {  	_ =	strace s2  }
0x95: {  	s2 =	sld [smem:$0x3FFD];
	_ =	sdelay $0x3  }
0x96: {  	_ =	strace s2  }
0x97: {  	_ =	strace $0x8FFFFFFF  }
0x98: {  	s18 =	sld [smem:$0x3FDB];
	_ =	sdelay $0x1  }
0x99: {  	s19 =	simm.s32 $_scs_section_size  }
0x9a: {  	s4 =	simm.s32 $_size__tile_overlayer_lowered;
	s5 =	simm.s32 $_tile_overlayer_lowered  }
0x9b: {  	s22 =	simm.s32 $0x1BFF;
	s21 =	sshll.u32 s5, $0x1;
	s2 =	sadd.s32 s19, s18  }
0x9c: {  	s6 =	simm.s32 $0x0;
	s20 =	sshll.u32 s4, $0x1;
	s4 =	sadd.s32 s21, s2  }
0x9d: {  	[timem:s6], [sflag:s22] =	dma.local [hbm:s4], s20  }
0x9e: {  	_ =	swait.ge [sflag:s22], s20  }
0x9f: {  	s3 =	ssub.s32 $0x0, s20;
	[sflag:s22] =	ssyncset.done $0x0  }
0xa0: {  	[sflag:s22] =	ssyncadd.s32 s3;
	_ =	sdelay $0x1  }
0xa1: {  	s23 =	simm.s32 $0x1B8B  }
0xa2: {  	_ =	swait.ge [sflag:s23], $0x1  }
0xa3: {  	[sflag:s23] =	ssyncset.done $0x0  }
0xa4: {  	s25 =	simm.s32 $0x1B8E;
	s24 =	sld [smem:$0x3FFE];
	[sflag:s23] =	ssyncadd.s32 $0xFFFFFFFF  }
0xa5: {  	s26 =	simm.s32 $execute0_lowered;
	[smem:$0x3FD2] =	sst s25  }
0xa6: {  	s4 =	sshll.u32 s26, $0x1;
	_ =	strace $0x8000004F;
	[dreg:$0x1] =	wrdreg $0xFFFFFFFF  }
0xa7: {  	s28 =	simm.s32 $_size_execute0_lowered;
	s2 =	sadd.s32 s2, s4;
	[dreg:$0x0] =	wrdreg $0x0  }
0xa8: {  	s4 =	sshll.u32 s28, $0x1;
	[dreg:$0x2] =	wrdreg s2  }
0xa9: {  	[dreg:$0x3] =	wrdreg s4  }
0xaa: {  	[dreg:$0x4] =	wrdreg $0xC0  }
0xab: {  	_ =	task [dreg:s6], $0x5FFFF  }
0xac: {  	[dreg:$0x1] =	wrdreg $0xFFFFFFFF  }
0xad: {  	[dreg:$0x0] =	wrdreg $0x60  }
0xae: {  	[dreg:$0x2] =	wrdreg s24  }
0xaf: {  	[dreg:$0x3] =	wrdreg $0xA8000  }
0xb0: {  	[dreg:$0x4] =	wrdreg $0x9  }
0xb1: {  	_ =	task.clear_ibuf [dreg:s6], $0x5FFFF;
	_ =	strace $0x9000004F  }
0xb2: {  	s29 =	simm.s32 $0x9;
	_ =	strace $0x80000051  }
0xb3: {  	_ =	swait.ge [sflag:s29], $0x1  }
0xb4: {  	[sflag:s29] =	ssyncadd.s32 $0xFFFFFFFF  }
0xb5: {  	_ =	strace $0x90000051  }
0xb6: {  	_ =	sfence  }
0xb7: {  	s30 =	sld [smem:$0x0];
	_ =	sdelay $0x2  }
0xb8: {  	s31 =	sshll.u32 s1, $0xD;
	s1 =	sshrl.u32 s1, $0x2  }
0xb9: {  	s3 =	sand.u32 $0x4000, s31;
	s1 =	sadd.s32 s1, s30  }
0xba: {  	s0 =	sor.u32 s3, s0;
	s1 =	sshll.u32 s1, $0x11  }
0xbb: {  	s0 =	sor.u32 s1, s0  }
0xbc: {  	s0 =	sadd.s32 $0x8F2B, s0  }
0xbd: {  	[sflag:s0] =	ssyncadd.remote.s32 $0x1  }
0xbe: {  	_ =	sfence.sel $0xFFFF  }
0xbf: {  	[dreg:$0x0] =	wrdreg $0xFFFFFFFF;
	(pc) =	sbr.abs _section_cstart, $3  }
0xc0: {  	[dreg:$0x1] =	wrdreg $0xFFFFFFFF  }
0xc1: {  	_ =	task.clear_ibuf [dreg:s6], $0x2FFFF;
	_ =	strace $0x9FFFFFFF  }
0xc2: {  	(tm) =	ssettm $0x7FFFFFFF  }
0xc3: {  	_ =	shalt  }
tec
execute0_lowered:
.L_overlay_start_1:
0x0: {  	(tag) =	ssettag $0x1  }
0x1: {  	s6 =	rddreg [dreg:$0x0]  }
0x2: {  	s2 =	rddreg [dreg:$0x1]  }
0x3: {  	s0 =	rddreg [dreg:$0x2];
	s4 =	srdreg.scid  }
0x4: {  	s1 =	stileid.u32;
	s3 =	simm.s32 $0x0;
	s16 =	simm.s32 $0x80  }
0x5: {  	s17 =	simm.s32 $0x2800;
	s18 =	simm.s32 $0x6800;
	s19 =	simm.s32 $0x1  }
0x6: {  	s20 =	simm.s32 $0x2;
	s21 =	simm.s32 $0x2700;
	s22 =	simm.s32 $0x2780  }
0x7: {  	s23 =	simm.s32 $0x0;
	s7 =	sand.u32 $0x1, s4;
	s8 =	smul.u32 $0x2800, s1  }
0x8: {  	[smem:$0x7FF] =	sst s3;
	s4 =	sadd.s32 $0x1BA00, s6;
	s11 =	sadd.s32 $0xF200, s6  }
0x9: {  	s12 =	sadd.s32 $0x5200, s6;
	s5 =	sadd.s32 $0x19200, s6;
	s10 =	smul.u32 $0x50000, s1  }
0xa: {  	s13 =	sshll.u32 s1, $0x6;
	s9 =	smul.u32 $0x28000, s7;
	s29 =	ssub.s32 $0x2, s7  }
0xb: {  	_ =	strace $0x80000050;
	s7 =	sshll.u32 s7, $0x4;
	s30 =	sshrl.u32 s29, $0x1  }
0xc: {  	s7 =	sor.u32 s1, s7;
	s10 =	sshrl.u32 s10, $0x2;
	s8 =	sadd.s32 s8, s9  }
0xd: {  	s14 =	smul.u32 $0x500, s7;
	s9 =	ssub.s32 s29, s30;
	s15 =	sadd.s32 s10, s2  }
0xe: {  	s8 =	sadd.s32 s8, s6;
	s6 =	sor.u32 $0x1C03, s13;
	s13 =	sshrl.u32 s15, $0x3  }
0xf: {  	s15 =	simm.s32 $0x1400;
	s7 =	sadd.s32 $0x42C00, s8;
	s8 =	smax.u32 s9, $0x1  }
0x10: {  	s31 =	sadd.s32 $0x280, s14;
	s9 =	sadd.s32 s11, s14;
	s10 =	sadd.s32 s12, s14  }
0x11: {  	s14 =	simm.s32 $0x3;
	s11 =	sadd.s32 s11, s31;
	s12 =	sadd.s32 s12, s31  }
.LBB2_1:
0x12: {  	[spmem:s13], [sflag:s6] =	dma.local [hbm:s5], $0x2800  }
0x13: {  	_ =	swait.ge [sflag:s14], $0x2800  }
0x14: {  	[sflag:s14] =	ssyncset.done $0x0  }
0x15: {  	[sflag:s14] =	ssyncadd.s32 $0xFFFFD800  }
0x16: {  	[bflag:$0x0] =	sbarrier.arrive $0xFFFF  }
0x17: {  	[tilespmem:s3], [sflag:$0x3] =	stream.linear.gather [hbm4b:s9+s3], $0x1400, $0x38;
	[tilespmem:$0x1E800] =	vst v63  }
0x18: {  	_ =	swait.ge [sflag:s14], $0x1400  }
0x19: {  	[sflag:s14] =	ssyncset.done $0x0  }
0x1a: {  	[sflag:s14] =	ssyncadd.s32 $0xFFFFEC00  }
0x1b: {  	[tilespmem:s15], [sflag:$0x3] =	stream.linear.gather [hbm4b:s10+s3], $0x1400, $0x38;
	[tilespmem:$0x1E800] =	vst v63  }
0x1c: {  	_ =	swait.ge [sflag:s14], $0x1400  }
0x1d: {  	[sflag:s14] =	ssyncset.done $0x0  }
0x1e: {  	[sflag:s14] =	ssyncadd.s32 $0xFFFFEC00  }
0x1f: {  	[tilespmem:s17], [sflag:$0x1] =	stream.indirect.gather [hbm4b:s4+s16], $0x80, s3, s16, $0xb8;
	[tilespmem:$0x1E800] =	vst v63  }
0x20: {  	_ = 	snop  }
0x21: {  	[tilespmem:s18], [sflag:$0x2] =	stream.indirect.gather [hbm4b:s4+s16], $0x80, s16, s16, $0xb8;
	[tilespmem:$0x1E800] =	vst v63  }
0x22: {  	_ =	swait.ge [sflag:s19], $0x4000  }
0x23: {  	[sflag:s19] =	ssyncset.done $0x0  }
0x24: {  	s24 =	simm.s32 $0x1400;
	[sflag:s19] =	ssyncadd.s32 $0xFFFFC000  }
0x25: {  	[spmem:s2] =	stream.indirect.scatter.add.f32 [tilespmem:s17], [sflag:$0x3], $0x80, s24, s16, $0xb8;
	[tilespmem:$0x1E800] =	vst v63  }
0x26: {  	_ =	swait.ge [sflag:s14], $0x4000  }
0x27: {  	[sflag:s14] =	ssyncset.done $0x0  }
0x28: {  	s30 =	simm.s32 $0x100;
	[sflag:s14] =	ssyncadd.s32 $0xFFFFC000  }
0x29: {  	[tilespmem:s17], [sflag:$0x1] =	stream.indirect.gather [hbm4b:s4+s16], $0x80, s30, s16, $0xb8;
	[tilespmem:$0x1E800] =	vst v63  }
0x2a: {  	_ =	swait.ge [sflag:s20], $0x4000  }
0x2b: {  	[sflag:s20] =	ssyncset.done $0x0  }
0x2c: {  	s31 =	simm.s32 $0x1480;
	[sflag:s20] =	ssyncadd.s32 $0xFFFFC000  }
0x2d: {  	[spmem:s2] =	stream.indirect.scatter.add.f32 [tilespmem:s18], [sflag:$0x3], $0x80, s31, s16, $0xb8;
	[tilespmem:$0x1E800] =	vst v63  }
0x2e: {  	_ =	swait.ge [sflag:s14], $0x4000  }
0x2f: {  	[sflag:s14] =	ssyncset.done $0x0  }
0x30: {  	s25 =	simm.s32 $0x180;
	s24 =	simm.s32 $0x400;
	[sflag:s14] =	ssyncadd.s32 $0xFFFFC000  }
.LBB2_2:
0x31: {  	[tilespmem:s18], [sflag:$0x2] =	stream.indirect.gather [hbm4b:s4+s16], $0x80, s25, s16, $0xb8;
	[tilespmem:$0x1E800] =	vst v63  }
0x32: {  	s25 =	smov.u32 s24  }
0x33: {  	p0 =	sne.s32 s24, $0x4800;
	s24 =	sadd.s32 $0x400, s24;
	_ =	swait.ge [sflag:s19], $0x4000  }
0x34: {  	s25 =	sshra.s32 s25, $0x2;
	[sflag:s19] =	ssyncset.done $0x0  }
0x35: {  	s26 =	sadd.s32 $0x1400, s25;
	[sflag:s19] =	ssyncadd.s32 $0xFFFFC000  }
0x36: {  	[spmem:s2] =	stream.indirect.scatter.add.f32 [tilespmem:s17], [sflag:$0x3], $0x80, s26, s16, $0xb8;
	[tilespmem:$0x1E800] =	vst v63  }
0x37: {  	_ =	swait.ge [sflag:s14], $0x4000  }
0x38: {  	[sflag:s14] =	ssyncset.done $0x0  }
0x39: {  	s26 =	sadd.s32 $0x100, s25;
	[sflag:s14] =	ssyncadd.s32 $0xFFFFC000  }
0x3a: {  	[tilespmem:s17], [sflag:$0x1] =	stream.indirect.gather [hbm4b:s4+s16], $0x80, s26, s16, $0xb8;
	[tilespmem:$0x1E800] =	vst v63  }
0x3b: {  	_ =	swait.ge [sflag:s20], $0x4000  }
0x3c: {  	[sflag:s20] =	ssyncset.done $0x0  }
.Ltmp0:
0x3d: {  	s26 =	sadd.s32 $0x1480, s25;
	[sflag:s20] =	ssyncadd.s32 $0xFFFFC000;
	(pc) =	sbr.rel @p0 .LBB2_2-.Ltmp0, $4  }
0x3e: {  	[spmem:s2] =	stream.indirect.scatter.add.f32 [tilespmem:s18], [sflag:$0x3], $0x80, s26, s16, $0xb8;
	[tilespmem:$0x1E800] =	vst v63  }
0x3f: {  	_ =	swait.ge [sflag:s14], $0x4000  }
0x40: {  	[sflag:s14] =	ssyncset.done $0x0  }
0x41: {  	s25 =	sadd.s32 $0x180, s25;
	[sflag:s14] =	ssyncadd.s32 $0xFFFFC000  }
0x42: {  	[tilespmem:s18], [sflag:$0x2] =	stream.indirect.gather [hbm4b:s4+s16], $0x80, s25, s16, $0xb8;
	[tilespmem:$0x1E800] =	vst v63  }
0x43: {  	_ =	swait.ge [sflag:s19], $0x4000  }
0x44: {  	[sflag:s19] =	ssyncset.done $0x0  }
0x45: {  	[sflag:s19] =	ssyncadd.s32 $0xFFFFC000  }
0x46: {  	[spmem:s2] =	stream.indirect.scatter.add.f32 [tilespmem:s17], [sflag:$0x3], $0x80, s21, s16, $0xb8;
	[tilespmem:$0x1E800] =	vst v63  }
0x47: {  	_ =	swait.ge [sflag:s14], $0x4000  }
0x48: {  	[sflag:s14] =	ssyncset.done $0x0  }
0x49: {  	[sflag:s14] =	ssyncadd.s32 $0xFFFFC000  }
0x4a: {  	_ =	swait.ge [sflag:s20], $0x4000  }
0x4b: {  	[sflag:s20] =	ssyncset.done $0x0  }
0x4c: {  	[sflag:s20] =	ssyncadd.s32 $0xFFFFC000  }
0x4d: {  	[spmem:s2] =	stream.indirect.scatter.add.f32 [tilespmem:s18], [sflag:$0x3], $0x80, s22, s16, $0xb8;
	[tilespmem:$0x1E800] =	vst v63  }
0x4e: {  	_ =	swait.ge [sflag:s14], $0x4000  }
0x4f: {  	[sflag:s14] =	ssyncset.done $0x0  }
0x50: {  	s24 =	simm.s32 $0x0;
	[sflag:s14] =	ssyncadd.s32 $0xFFFFC000  }
0x51: {  	[tilespmem:s24], [sflag:$0x3] =	stream.linear.gather [hbm4b:s11+s24], $0x1400, $0x38;
	[tilespmem:$0x1E800] =	vst v63  }
0x52: {  	_ =	swait.ge [sflag:s14], $0x1400  }
0x53: {  	[sflag:s14] =	ssyncset.done $0x0  }
0x54: {  	[sflag:s14] =	ssyncadd.s32 $0xFFFFEC00  }
0x55: {  	[tilespmem:s15], [sflag:$0x3] =	stream.linear.gather [hbm4b:s12+s24], $0x1400, $0x38;
	[tilespmem:$0x1E800] =	vst v63  }
0x56: {  	_ =	swait.ge [sflag:s14], $0x1400  }
0x57: {  	[sflag:s14] =	ssyncset.done $0x0  }
0x58: {  	[sflag:s14] =	ssyncadd.s32 $0xFFFFEC00  }
0x59: {  	[tilespmem:s17], [sflag:$0x1] =	stream.indirect.gather [hbm4b:s4+s16], $0x80, s24, s16, $0xb8;
	[tilespmem:$0x1E800] =	vst v63  }
0x5a: {  	_ = 	snop  }
0x5b: {  	[tilespmem:s18], [sflag:$0x2] =	stream.indirect.gather [hbm4b:s4+s16], $0x80, s16, s16, $0xb8;
	[tilespmem:$0x1E800] =	vst v63  }
0x5c: {  	_ =	swait.ge [sflag:s19], $0x4000  }
0x5d: {  	[sflag:s19] =	ssyncset.done $0x0  }
0x5e: {  	s29 =	simm.s32 $0x1400;
	[sflag:s19] =	ssyncadd.s32 $0xFFFFC000  }
0x5f: {  	[spmem:s2] =	stream.indirect.scatter.add.f32 [tilespmem:s17], [sflag:$0x3], $0x80, s29, s16, $0xb8;
	[tilespmem:$0x1E800] =	vst v63  }
0x60: {  	_ =	swait.ge [sflag:s14], $0x4000  }
0x61: {  	[sflag:s14] =	ssyncset.done $0x0  }
0x62: {  	s30 =	simm.s32 $0x100;
	[sflag:s14] =	ssyncadd.s32 $0xFFFFC000  }
0x63: {  	[tilespmem:s17], [sflag:$0x1] =	stream.indirect.gather [hbm4b:s4+s16], $0x80, s30, s16, $0xb8;
	[tilespmem:$0x1E800] =	vst v63  }
0x64: {  	_ =	swait.ge [sflag:s20], $0x4000  }
0x65: {  	[sflag:s20] =	ssyncset.done $0x0  }
0x66: {  	s31 =	simm.s32 $0x1480;
	[sflag:s20] =	ssyncadd.s32 $0xFFFFC000  }
0x67: {  	[spmem:s2] =	stream.indirect.scatter.add.f32 [tilespmem:s18], [sflag:$0x3], $0x80, s31, s16, $0xb8;
	[tilespmem:$0x1E800] =	vst v63  }
0x68: {  	_ =	swait.ge [sflag:s14], $0x4000  }
0x69: {  	[sflag:s14] =	ssyncset.done $0x0  }
0x6a: {  	s25 =	simm.s32 $0x180;
	s24 =	simm.s32 $0x400;
	[sflag:s14] =	ssyncadd.s32 $0xFFFFC000  }
.LBB2_4:
0x6b: {  	[tilespmem:s18], [sflag:$0x2] =	stream.indirect.gather [hbm4b:s4+s16], $0x80, s25, s16, $0xb8;
	[tilespmem:$0x1E800] =	vst v63  }
0x6c: {  	s25 =	smov.u32 s24  }
0x6d: {  	p0 =	sne.s32 s24, $0x4800;
	s24 =	sadd.s32 $0x400, s24;
	_ =	swait.ge [sflag:s19], $0x4000  }
0x6e: {  	s25 =	sshra.s32 s25, $0x2;
	[sflag:s19] =	ssyncset.done $0x0  }
0x6f: {  	s26 =	sadd.s32 $0x1400, s25;
	[sflag:s19] =	ssyncadd.s32 $0xFFFFC000  }
0x70: {  	[spmem:s2] =	stream.indirect.scatter.add.f32 [tilespmem:s17], [sflag:$0x3], $0x80, s26, s16, $0xb8;
	[tilespmem:$0x1E800] =	vst v63  }
0x71: {  	_ =	swait.ge [sflag:s14], $0x4000  }
0x72: {  	[sflag:s14] =	ssyncset.done $0x0  }
0x73: {  	s26 =	sadd.s32 $0x100, s25;
	[sflag:s14] =	ssyncadd.s32 $0xFFFFC000  }
0x74: {  	[tilespmem:s17], [sflag:$0x1] =	stream.indirect.gather [hbm4b:s4+s16], $0x80, s26, s16, $0xb8;
	[tilespmem:$0x1E800] =	vst v63  }
0x75: {  	_ =	swait.ge [sflag:s20], $0x4000  }
0x76: {  	[sflag:s20] =	ssyncset.done $0x0  }
.Ltmp1:
0x77: {  	s26 =	sadd.s32 $0x1480, s25;
	[sflag:s20] =	ssyncadd.s32 $0xFFFFC000;
	(pc) =	sbr.rel @p0 .LBB2_4-.Ltmp1, $4  }
0x78: {  	[spmem:s2] =	stream.indirect.scatter.add.f32 [tilespmem:s18], [sflag:$0x3], $0x80, s26, s16, $0xb8;
	[tilespmem:$0x1E800] =	vst v63  }
0x79: {  	_ =	swait.ge [sflag:s14], $0x4000  }
0x7a: {  	[sflag:s14] =	ssyncset.done $0x0  }
0x7b: {  	s25 =	sadd.s32 $0x180, s25;
	[sflag:s14] =	ssyncadd.s32 $0xFFFFC000  }
0x7c: {  	[tilespmem:s18], [sflag:$0x2] =	stream.indirect.gather [hbm4b:s4+s16], $0x80, s25, s16, $0xb8;
	[tilespmem:$0x1E800] =	vst v63  }
0x7d: {  	_ =	swait.ge [sflag:s19], $0x4000  }
0x7e: {  	[sflag:s19] =	ssyncset.done $0x0  }
0x7f: {  	[sflag:s19] =	ssyncadd.s32 $0xFFFFC000  }
0x80: {  	[spmem:s2] =	stream.indirect.scatter.add.f32 [tilespmem:s17], [sflag:$0x3], $0x80, s21, s16, $0xb8;
	[tilespmem:$0x1E800] =	vst v63  }
0x81: {  	_ =	swait.ge [sflag:s14], $0x4000  }
0x82: {  	[sflag:s14] =	ssyncset.done $0x0  }
0x83: {  	[sflag:s14] =	ssyncadd.s32 $0xFFFFC000  }
0x84: {  	_ =	swait.ge [sflag:s20], $0x4000  }
0x85: {  	[sflag:s20] =	ssyncset.done $0x0  }
0x86: {  	[sflag:s20] =	ssyncadd.s32 $0xFFFFC000  }
0x87: {  	[spmem:s2] =	stream.indirect.scatter.add.f32 [tilespmem:s18], [sflag:$0x3], $0x80, s22, s16, $0xb8;
	[tilespmem:$0x1E800] =	vst v63  }
0x88: {  	_ =	swait.ge [sflag:s14], $0x4000  }
0x89: {  	s23 =	sadd.s32 $0x1, s23;
	[sflag:s14] =	ssyncset.done $0x0  }
0x8a: {  	p0 =	sne.s32 s23, s8;
	[sflag:s14] =	ssyncadd.s32 $0xFFFFC000  }
.Ltmp2:
0x8b: {  	[bflag:$0x0] =	sbarrier.arrive $0xFFFF;
	(pc) =	sbr.rel @p0 .LBB2_1-.Ltmp2, $4  }
0x8c: {  	[hbm:s7], [sflag:s6] =	dma.local [spmem:s13], $0x2800  }
0x8d: {  	_ =	swait.ge [sflag:s14], $0x2800  }
0x8e: {  	[sflag:s14] =	ssyncset.done $0x0  }
0x8f: {  	[sflag:s14] =	ssyncadd.s32 $0xFFFFD800  }
0x90: {  	_ =	sfence.sel $0x180000  }
0x91: {  	[bflag:$0x0] =	sbarrier.arrive $0xFFFF  }
0x92: {  	p0 =	sne.s32 s1, $0x0;
	_ =	strace $0x90000050  }
0x93: {  	s0 =	sadd.s32 @!p0 $0x100000, s0;
	[bflag:$0x2] =	sbarrier.arrive $0xFFFF  }
0x94: {  	[sflag:s0] =	ssyncadd.tile.s32 @!p0 $0x1;
	_ =	shalt  }
.Lfunc_end2:
_tile_overlayer_lowered:
.L_overlay_start_2:
0x95: {  	(tag) =	ssettag $0x2  }
0x96: {  	s0 =	rddreg [dreg:$0x0];
	s2 =	stileid.u32  }
0x97: {  	s1 =	rddreg [dreg:$0x1];
	p0 =	sne.s32 s2, $0x0  }
0x98: {  	s3 =	rddreg [dreg:$0x2];
	[bflag:$0x3] =	sbarrier.arrive $0xFFFF;
	s2 =	simm.s32 @!p0 $0x1C03  }
0x99: {  	[timem:s3], [sflag:s2] =	dma.local @!p0 [hbm:s0], s1  }
0x9a: {  	s0 =	simm.s32 @!p0 $0x3  }
0x9b: {  	_ =	swait.ge @!p0 [sflag:s0], s1  }
0x9c: {  	s1 =	ssub.s32 @!p0 $0x0, s1;
	[sflag:s0] =	ssyncset.done @!p0 $0x0  }
0x9d: {  	[sflag:s0] =	ssyncadd.s32 @!p0 s1  }
0x9e: {  	[bflag:$0x3] =	sbarrier.arrive $0xFFFF  }
0x9f: {  	_ =	shalt  }

// kernel: kernel.24.cloned.1.call-start
scs
__scs_entry_jumppad:
0x0: {  	(pc) =	sbr.rel $0x88, $3  }
0x1: {  	(tag) =	ssettag $0x0;
	lr =	simm.s32 $0x1  }
0x2: {  	[smem:$0x3F9A] =	sst lr;
	_ =	strace $0xD0000000  }
0x3: {  	_ = 	snop  }
0x4: {  	_ = 	snop  }
0x5: {  	_ = 	snop  }
0x6: {  	_ = 	snop  }
0x7: {  	_ = 	snop  }
__scs_overlays_trampoline_lowered:
0x8: {  	[smem:$0x3FA9] =	sst s0  }
0x9: {  	[smem:$0x3FAA] =	sst s1  }
0xa: {  	[smem:$0x3FAB] =	sst s2  }
0xb: {  	[smem:$0x3FAC] =	sst s3  }
0xc: {  	[smem:$0x3FAD] =	sst s4  }
0xd: {  	[smem:$0x3FAE] =	sst s5  }
0xe: {  	[smem:$0x3FAF] =	sst s6  }
0xf: {  	[smem:$0x3FB0] =	sst s7  }
0x10: {  	[smem:$0x3FB1] =	sst s8  }
0x11: {  	[smem:$0x3FB2] =	sst s9;
	s0 =	simm.s32 @!p0 $0x0  }
0x12: {  	s1 =	sld [smem:$0x3F98];
	s0 =	simm.s32 @p0 $0x1  }
0x13: {  	[smem:$0x3FB3] =	sst s0;
	s0 =	simm.s32 @!p1 $0x0  }
0x14: {  	s2 =	sld [smem:$0x3F97];
	s0 =	simm.s32 @p1 $0x1  }
0x15: {  	[smem:$0x3FB4] =	sst s0;
	s0 =	simm.s32 @!p2 $0x0  }
0x16: {  	s3 =	sld [smem:$0x3FDB];
	s0 =	simm.s32 @p2 $0x1  }
0x17: {  	s4 =	simm.s32 $0x1BF5;
	[smem:$0x3FB6] =	sst s0  }
0x18: {  	s0 =	sld [smem:$0x3F99];
	_ =	swait.ge [sflag:s4], $0x0  }
0x19: {  	s7 =	sld [smem:$0x3F9A]  }
0x1a: {  	s8 =	sadd.s32 $0xFFFFE003, lr  }
0x1b: {  	s9 =	sadd.s32 $0xFFFFFEF7, lr;
	s5 =	simm.s32 $0xFFFFFFFF;
	p2 =	slt.u32 s8, $0xFFFFF086  }
0x1c: {  	p1 =	slt.u32 s9, $0xF7A;
	s5 =	simm.s32 @!p2 $0x0  }
0x1d: {  	s5 =	simm.s32 @p1 $0x1;
	p0 =	seq.s32 s7, s2  }
0x1e: {  	s7 =	smul.u32 @!p0 $0xF7A, s2;
	p2 =	seq.s32 @!p0 s5, $0x0  }
0x1f: {  	s9 =	smul.u32 $0xF7A, s1;
	s8 =	simm.s32 @!p0 $0x1BF5;
	p2 =	por !p2, p0  }
0x20: {  	[sflag:s8] =	ssyncset.s32 @!p0 $0xFFFFF086;
	s6 =	sadd.s32 @!p0 s3, s7;
	s7 =	simm.s32 @!p0 $0x108  }
0x21: {  	s3 =	sadd.s32 s3, s9;
	s6 =	sadd.s32 @!p0 $0x88, s6;
	s7 =	simm.s32 @p2 $0x1082  }
0x22: {  	[simem:s7], [sflag:s8] =	dma.local @!p0 [hbm:s6], $0xF7A  }
0x23: {  	s9 =	sor.u32 $0xD0000000, s2;
	s6 =	simm.s32 $0x108;
	_ =	swait.ge @!p0 [sflag:s8], $0x0  }
0x24: {  	s3 =	sadd.s32 $0x88, s3;
	s6 =	simm.s32 @!p1 $0x1082;
	[sflag:s4] =	ssyncset.s32 $0xFFFFF086  }
0x25: {  	[simem:s6], [sflag:s4] =	dma.local [hbm:s3], $0xF7A  }
0x26: {  	[smem:$0x3F9A] =	sst s1;
	(tag) =	ssettag s2;
	_ =	strace s9  }
0x27: {  	s1 =	sld [smem:$0x3FAA]  }
0x28: {  	s2 =	sld [smem:$0x3FAB]  }
0x29: {  	s4 =	sld [smem:$0x3FAD]  }
0x2a: {  	p0 =	seq.s32 s5, $0x0;
	s5 =	sld [smem:$0x3FAE]  }
0x2b: {  	s6 =	sld [smem:$0x3FAF]  }
0x2c: {  	s7 =	sld [smem:$0x3FB0]  }
0x2d: {  	s3 =	simm.s32 $0x108;
	s8 =	sld [smem:$0x3FB1]  }
0x2e: {  	s3 =	simm.s32 @!p0 $0x1082;
	s9 =	sld [smem:$0x3FB2]  }
0x2f: {  	lr =	sadd.s32 s0, s3;
	s0 =	sld [smem:$0x3FA9]  }
0x30: {  	s3 =	sld [smem:$0x3FAC]  }
0x31: {  	[smem:$0x3FB5] =	sst s10  }
0x32: {  	s10 =	sld [smem:$0x3FB3];
	_ =	sdelay $0x3  }
0x33: {  	p0 =	seq.s32 s10, $0x1;
	s10 =	sld [smem:$0x3FB5];
	_ =	sdelay $0x3  }
0x34: {  	[smem:$0x3FB5] =	sst s10  }
0x35: {  	s10 =	sld [smem:$0x3FB4];
	_ =	sdelay $0x3  }
0x36: {  	p1 =	seq.s32 s10, $0x1;
	s10 =	sld [smem:$0x3FB5];
	_ =	sdelay $0x3  }
0x37: {  	[smem:$0x3FB5] =	sst s10  }
0x38: {  	s10 =	sld [smem:$0x3FB6]  }
0x39: {  	_ = 	snop;
	(pc) =	sbr.ind lr, $3  }
0x3a: {  	_ = 	snop  }
0x3b: {  	_ = 	snop  }
0x3c: {  	p2 =	seq.s32 s10, $0x1;
	s10 =	sld [smem:$0x3FB5]  }
0x3d: {  	_ =	shalt  }
0x3e: {  	_ =	shalt  }
0x3f: {  	_ =	shalt  }
0x40: {  	_ =	shalt  }
0x41: {  	_ =	shalt  }
0x42: {  	_ =	shalt  }
0x43: {  	_ =	shalt  }
0x44: {  	_ =	shalt  }
0x45: {  	_ =	shalt  }
0x46: {  	_ =	shalt  }
0x47: {  	_ =	shalt  }
0x48: {  	_ =	shalt  }
0x49: {  	_ =	shalt  }
0x4a: {  	_ =	shalt  }
0x4b: {  	_ =	shalt  }
0x4c: {  	_ =	shalt  }
0x4d: {  	_ =	shalt  }
0x4e: {  	_ =	shalt  }
0x4f: {  	_ =	shalt  }
0x50: {  	_ =	shalt  }
0x51: {  	_ =	shalt  }
0x52: {  	_ =	shalt  }
0x53: {  	_ =	shalt  }
0x54: {  	_ =	shalt  }
0x55: {  	_ =	shalt  }
0x56: {  	_ =	shalt  }
0x57: {  	_ =	shalt  }
0x58: {  	_ =	shalt  }
0x59: {  	_ =	shalt  }
0x5a: {  	_ =	shalt  }
0x5b: {  	_ =	shalt  }
0x5c: {  	_ =	shalt  }
0x5d: {  	_ =	shalt  }
0x5e: {  	_ =	shalt  }
0x5f: {  	_ =	shalt  }
0x60: {  	_ =	shalt  }
0x61: {  	_ =	shalt  }
0x62: {  	_ =	shalt  }
0x63: {  	_ =	shalt  }
0x64: {  	_ =	shalt  }
0x65: {  	_ =	shalt  }
0x66: {  	_ =	shalt  }
0x67: {  	_ =	shalt  }
0x68: {  	_ =	shalt  }
0x69: {  	_ =	shalt  }
0x6a: {  	_ =	shalt  }
0x6b: {  	_ =	shalt  }
0x6c: {  	_ =	shalt  }
0x6d: {  	_ =	shalt  }
0x6e: {  	_ =	shalt  }
0x6f: {  	_ =	shalt  }
0x70: {  	_ =	shalt  }
0x71: {  	_ =	shalt  }
0x72: {  	_ =	shalt  }
0x73: {  	_ =	shalt  }
0x74: {  	_ =	shalt  }
0x75: {  	_ =	shalt  }
0x76: {  	_ =	shalt  }
0x77: {  	_ =	shalt  }
0x78: {  	_ =	shalt  }
0x79: {  	_ =	shalt  }
0x7a: {  	_ =	shalt  }
0x7b: {  	_ =	shalt  }
0x7c: {  	_ =	shalt  }
0x7d: {  	_ =	shalt  }
0x7e: {  	_ =	shalt  }
0x7f: {  	_ =	shalt  }
0x80: {  	_ =	shalt  }
0x81: {  	_ =	shalt  }
0x82: {  	_ =	shalt  }
0x83: {  	_ =	shalt  }
0x84: {  	_ =	shalt  }
0x85: {  	_ =	shalt  }
0x86: {  	_ =	shalt  }
0x87: {  	_ =	shalt  }
.Lfunc_end0:
.L_simem_size_0:
called_computation.4_lowered:
.L_overlay_start_0:
0x88: {  	s2 =	sld [smem:$0x3FD9]  }
0x89: {  	s3 =	sld [smem:$0x3FFE];
	_ =	sdelay $0x1  }
0x8a: {  	s1 =	srdreg.scid  }
0x8b: {  	s0 =	sand.u32 $0x1, s1  }
0x8c: {  	s16 =	sshll.u32 s0, $0xA;
	s2 =	sadd.s32 s3, s2  }
0x8d: {  	s2 =	sadd.s32 s2, s16  }
0x8e: {  	[smem:$0x3FC1] =	sst s2  }
0x8f: {  	_ = 	snop  }
0x90: {  	(tm) =	ssettm $0x1  }
0x91: {  	s17 =	sld [smem:$0x3FFB];
	_ =	sdelay $0x3  }
0x92: {  	_ =	strace s17  }
0x93: {  	s2 =	sld [smem:$0x3FFC];
	_ =	sdelay $0x3  }
0x94: {  	_ =	strace s2  }
0x95: {  	s2 =	sld [smem:$0x3FFD];
	_ =	sdelay $0x3  }
0x96: {  	_ =	strace s2  }
0x97: {  	_ =	strace $0x8FFFFFFF  }
0x98: {  	s18 =	sld [smem:$0x3FDB];
	_ =	sdelay $0x1  }
0x99: {  	s19 =	simm.s32 $_scs_section_size  }
0x9a: {  	s4 =	simm.s32 $_size__tile_overlayer_lowered;
	s5 =	simm.s32 $_tile_overlayer_lowered  }
0x9b: {  	s22 =	simm.s32 $0x1BFF;
	s21 =	sshll.u32 s5, $0x1;
	s2 =	sadd.s32 s19, s18  }
0x9c: {  	s6 =	simm.s32 $0x0;
	s20 =	sshll.u32 s4, $0x1;
	s4 =	sadd.s32 s21, s2  }
0x9d: {  	[timem:s6], [sflag:s22] =	dma.local [hbm:s4], s20  }
0x9e: {  	_ =	swait.ge [sflag:s22], s20  }
0x9f: {  	s3 =	ssub.s32 $0x0, s20;
	[sflag:s22] =	ssyncset.done $0x0  }
0xa0: {  	[sflag:s22] =	ssyncadd.s32 s3;
	_ =	sdelay $0x1  }
0xa1: {  	s23 =	simm.s32 $0x1B8B  }
0xa2: {  	_ =	swait.ge [sflag:s23], $0x1  }
0xa3: {  	[sflag:s23] =	ssyncset.done $0x0  }
0xa4: {  	s25 =	simm.s32 $0x1B8E;
	s24 =	sld [smem:$0x3FFE];
	[sflag:s23] =	ssyncadd.s32 $0xFFFFFFFF  }
0xa5: {  	s26 =	simm.s32 $execute0_lowered;
	[smem:$0x3FD2] =	sst s25  }
0xa6: {  	s4 =	sshll.u32 s26, $0x1;
	_ =	strace $0x80000052;
	[dreg:$0x1] =	wrdreg $0xFFFFFFFF  }
0xa7: {  	s28 =	simm.s32 $_size_execute0_lowered;
	s2 =	sadd.s32 s2, s4;
	[dreg:$0x0] =	wrdreg $0x0  }
0xa8: {  	s4 =	sshll.u32 s28, $0x1;
	[dreg:$0x2] =	wrdreg s2  }
0xa9: {  	[dreg:$0x3] =	wrdreg s4  }
0xaa: {  	[dreg:$0x4] =	wrdreg $0xC0  }
0xab: {  	_ =	task [dreg:s6], $0x5FFFF  }
0xac: {  	[dreg:$0x1] =	wrdreg $0xFFFFFFFF  }
0xad: {  	[dreg:$0x0] =	wrdreg $0x60  }
0xae: {  	[dreg:$0x2] =	wrdreg s24  }
0xaf: {  	[dreg:$0x3] =	wrdreg $0xA8000  }
0xb0: {  	[dreg:$0x4] =	wrdreg $0x9  }
0xb1: {  	_ =	task.clear_ibuf [dreg:s6], $0x5FFFF;
	_ =	strace $0x90000052  }
0xb2: {  	s29 =	simm.s32 $0x9;
	_ =	strace $0x80000054  }
0xb3: {  	_ =	swait.ge [sflag:s29], $0x1  }
0xb4: {  	[sflag:s29] =	ssyncadd.s32 $0xFFFFFFFF  }
0xb5: {  	_ =	strace $0x90000054  }
0xb6: {  	_ =	sfence  }
0xb7: {  	s30 =	sld [smem:$0x0];
	_ =	sdelay $0x2  }
0xb8: {  	s31 =	sshll.u32 s1, $0xD;
	s1 =	sshrl.u32 s1, $0x2  }
0xb9: {  	s3 =	sand.u32 $0x4000, s31;
	s1 =	sadd.s32 s1, s30  }
0xba: {  	s0 =	sor.u32 s3, s0;
	s1 =	sshll.u32 s1, $0x11  }
0xbb: {  	s0 =	sor.u32 s1, s0  }
0xbc: {  	s0 =	sadd.s32 $0x8F2B, s0  }
0xbd: {  	[sflag:s0] =	ssyncadd.remote.s32 $0x1  }
0xbe: {  	_ =	sfence.sel $0xFFFF  }
0xbf: {  	[dreg:$0x0] =	wrdreg $0xFFFFFFFF;
	(pc) =	sbr.abs _section_cstart, $3  }
0xc0: {  	[dreg:$0x1] =	wrdreg $0xFFFFFFFF  }
0xc1: {  	_ =	task.clear_ibuf [dreg:s6], $0x2FFFF;
	_ =	strace $0x9FFFFFFF  }
0xc2: {  	(tm) =	ssettm $0x7FFFFFFF  }
0xc3: {  	_ =	shalt  }
tec
execute0_lowered:
.L_overlay_start_1:
0x0: {  	(tag) =	ssettag $0x1  }
0x1: {  	s6 =	rddreg [dreg:$0x0]  }
0x2: {  	s2 =	rddreg [dreg:$0x1]  }
0x3: {  	s0 =	rddreg [dreg:$0x2];
	s4 =	srdreg.scid  }
0x4: {  	s1 =	stileid.u32;
	s3 =	simm.s32 $0x0;
	s16 =	simm.s32 $0x80  }
0x5: {  	s17 =	simm.s32 $0x2800;
	s18 =	simm.s32 $0x6800;
	s19 =	simm.s32 $0x1  }
0x6: {  	s20 =	simm.s32 $0x2;
	s21 =	simm.s32 $0x2700;
	s22 =	simm.s32 $0x2780  }
0x7: {  	s23 =	simm.s32 $0x0;
	s7 =	sand.u32 $0x1, s4;
	s8 =	smul.u32 $0x2800, s1  }
0x8: {  	[smem:$0x7FF] =	sst s3;
	s4 =	sadd.s32 $0x1BA00, s6;
	s11 =	sadd.s32 $0xF200, s6  }
0x9: {  	s12 =	sadd.s32 $0x5200, s6;
	s5 =	sadd.s32 $0x19200, s6;
	s10 =	smul.u32 $0x50000, s1  }
0xa: {  	s13 =	sshll.u32 s1, $0x6;
	s9 =	smul.u32 $0x28000, s7;
	s29 =	ssub.s32 $0x2, s7  }
0xb: {  	_ =	strace $0x80000053;
	s7 =	sshll.u32 s7, $0x4;
	s30 =	sshrl.u32 s29, $0x1  }
0xc: {  	s7 =	sor.u32 s1, s7;
	s10 =	sshrl.u32 s10, $0x2;
	s8 =	sadd.s32 s8, s9  }
0xd: {  	s14 =	smul.u32 $0x500, s7;
	s9 =	ssub.s32 s29, s30;
	s15 =	sadd.s32 s10, s2  }
0xe: {  	s8 =	sadd.s32 s8, s6;
	s6 =	sor.u32 $0x1C03, s13;
	s13 =	sshrl.u32 s15, $0x3  }
0xf: {  	s15 =	simm.s32 $0x1400;
	s7 =	sadd.s32 $0x42C00, s8;
	s8 =	smax.u32 s9, $0x1  }
0x10: {  	s31 =	sadd.s32 $0x280, s14;
	s9 =	sadd.s32 s11, s14;
	s10 =	sadd.s32 s12, s14  }
0x11: {  	s14 =	simm.s32 $0x3;
	s11 =	sadd.s32 s11, s31;
	s12 =	sadd.s32 s12, s31  }
.LBB2_1:
0x12: {  	[spmem:s13], [sflag:s6] =	dma.local [hbm:s5], $0x2800  }
0x13: {  	_ =	swait.ge [sflag:s14], $0x2800  }
0x14: {  	[sflag:s14] =	ssyncset.done $0x0  }
0x15: {  	[sflag:s14] =	ssyncadd.s32 $0xFFFFD800  }
0x16: {  	[bflag:$0x0] =	sbarrier.arrive $0xFFFF  }
0x17: {  	[tilespmem:s3], [sflag:$0x3] =	stream.linear.gather [hbm4b:s9+s3], $0x1400, $0x38;
	[tilespmem:$0x1E800] =	vst v63  }
0x18: {  	_ =	swait.ge [sflag:s14], $0x1400  }
0x19: {  	[sflag:s14] =	ssyncset.done $0x0  }
0x1a: {  	[sflag:s14] =	ssyncadd.s32 $0xFFFFEC00  }
0x1b: {  	[tilespmem:s15], [sflag:$0x3] =	stream.linear.gather [hbm4b:s10+s3], $0x1400, $0x38;
	[tilespmem:$0x1E800] =	vst v63  }
0x1c: {  	_ =	swait.ge [sflag:s14], $0x1400  }
0x1d: {  	[sflag:s14] =	ssyncset.done $0x0  }
0x1e: {  	[sflag:s14] =	ssyncadd.s32 $0xFFFFEC00  }
0x1f: {  	[tilespmem:s17], [sflag:$0x1] =	stream.indirect.gather [hbm4b:s4+s16], $0x80, s3, s16, $0xb8;
	[tilespmem:$0x1E800] =	vst v63  }
0x20: {  	_ = 	snop  }
0x21: {  	[tilespmem:s18], [sflag:$0x2] =	stream.indirect.gather [hbm4b:s4+s16], $0x80, s16, s16, $0xb8;
	[tilespmem:$0x1E800] =	vst v63  }
0x22: {  	_ =	swait.ge [sflag:s19], $0x4000  }
0x23: {  	[sflag:s19] =	ssyncset.done $0x0  }
0x24: {  	s24 =	simm.s32 $0x1400;
	[sflag:s19] =	ssyncadd.s32 $0xFFFFC000  }
0x25: {  	[spmem:s2] =	stream.indirect.scatter.add.f32 [tilespmem:s17], [sflag:$0x3], $0x80, s24, s16, $0xb8;
	[tilespmem:$0x1E800] =	vst v63  }
0x26: {  	_ =	swait.ge [sflag:s14], $0x4000  }
0x27: {  	[sflag:s14] =	ssyncset.done $0x0  }
0x28: {  	s30 =	simm.s32 $0x100;
	[sflag:s14] =	ssyncadd.s32 $0xFFFFC000  }
0x29: {  	[tilespmem:s17], [sflag:$0x1] =	stream.indirect.gather [hbm4b:s4+s16], $0x80, s30, s16, $0xb8;
	[tilespmem:$0x1E800] =	vst v63  }
0x2a: {  	_ =	swait.ge [sflag:s20], $0x4000  }
0x2b: {  	[sflag:s20] =	ssyncset.done $0x0  }
0x2c: {  	s31 =	simm.s32 $0x1480;
	[sflag:s20] =	ssyncadd.s32 $0xFFFFC000  }
0x2d: {  	[spmem:s2] =	stream.indirect.scatter.add.f32 [tilespmem:s18], [sflag:$0x3], $0x80, s31, s16, $0xb8;
	[tilespmem:$0x1E800] =	vst v63  }
0x2e: {  	_ =	swait.ge [sflag:s14], $0x4000  }
0x2f: {  	[sflag:s14] =	ssyncset.done $0x0  }
0x30: {  	s25 =	simm.s32 $0x180;
	s24 =	simm.s32 $0x400;
	[sflag:s14] =	ssyncadd.s32 $0xFFFFC000  }
.LBB2_2:
0x31: {  	[tilespmem:s18], [sflag:$0x2] =	stream.indirect.gather [hbm4b:s4+s16], $0x80, s25, s16, $0xb8;
	[tilespmem:$0x1E800] =	vst v63  }
0x32: {  	s25 =	smov.u32 s24  }
0x33: {  	p0 =	sne.s32 s24, $0x4800;
	s24 =	sadd.s32 $0x400, s24;
	_ =	swait.ge [sflag:s19], $0x4000  }
0x34: {  	s25 =	sshra.s32 s25, $0x2;
	[sflag:s19] =	ssyncset.done $0x0  }
0x35: {  	s26 =	sadd.s32 $0x1400, s25;
	[sflag:s19] =	ssyncadd.s32 $0xFFFFC000  }
0x36: {  	[spmem:s2] =	stream.indirect.scatter.add.f32 [tilespmem:s17], [sflag:$0x3], $0x80, s26, s16, $0xb8;
	[tilespmem:$0x1E800] =	vst v63  }
0x37: {  	_ =	swait.ge [sflag:s14], $0x4000  }
0x38: {  	[sflag:s14] =	ssyncset.done $0x0  }
0x39: {  	s26 =	sadd.s32 $0x100, s25;
	[sflag:s14] =	ssyncadd.s32 $0xFFFFC000  }
0x3a: {  	[tilespmem:s17], [sflag:$0x1] =	stream.indirect.gather [hbm4b:s4+s16], $0x80, s26, s16, $0xb8;
	[tilespmem:$0x1E800] =	vst v63  }
0x3b: {  	_ =	swait.ge [sflag:s20], $0x4000  }
0x3c: {  	[sflag:s20] =	ssyncset.done $0x0  }
.Ltmp0:
0x3d: {  	s26 =	sadd.s32 $0x1480, s25;
	[sflag:s20] =	ssyncadd.s32 $0xFFFFC000;
	(pc) =	sbr.rel @p0 .LBB2_2-.Ltmp0, $4  }
0x3e: {  	[spmem:s2] =	stream.indirect.scatter.add.f32 [tilespmem:s18], [sflag:$0x3], $0x80, s26, s16, $0xb8;
	[tilespmem:$0x1E800] =	vst v63  }
0x3f: {  	_ =	swait.ge [sflag:s14], $0x4000  }
0x40: {  	[sflag:s14] =	ssyncset.done $0x0  }
0x41: {  	s25 =	sadd.s32 $0x180, s25;
	[sflag:s14] =	ssyncadd.s32 $0xFFFFC000  }
0x42: {  	[tilespmem:s18], [sflag:$0x2] =	stream.indirect.gather [hbm4b:s4+s16], $0x80, s25, s16, $0xb8;
	[tilespmem:$0x1E800] =	vst v63  }
0x43: {  	_ =	swait.ge [sflag:s19], $0x4000  }
0x44: {  	[sflag:s19] =	ssyncset.done $0x0  }
0x45: {  	[sflag:s19] =	ssyncadd.s32 $0xFFFFC000  }
0x46: {  	[spmem:s2] =	stream.indirect.scatter.add.f32 [tilespmem:s17], [sflag:$0x3], $0x80, s21, s16, $0xb8;
	[tilespmem:$0x1E800] =	vst v63  }
0x47: {  	_ =	swait.ge [sflag:s14], $0x4000  }
0x48: {  	[sflag:s14] =	ssyncset.done $0x0  }
0x49: {  	[sflag:s14] =	ssyncadd.s32 $0xFFFFC000  }
0x4a: {  	_ =	swait.ge [sflag:s20], $0x4000  }
0x4b: {  	[sflag:s20] =	ssyncset.done $0x0  }
0x4c: {  	[sflag:s20] =	ssyncadd.s32 $0xFFFFC000  }
0x4d: {  	[spmem:s2] =	stream.indirect.scatter.add.f32 [tilespmem:s18], [sflag:$0x3], $0x80, s22, s16, $0xb8;
	[tilespmem:$0x1E800] =	vst v63  }
0x4e: {  	_ =	swait.ge [sflag:s14], $0x4000  }
0x4f: {  	[sflag:s14] =	ssyncset.done $0x0  }
0x50: {  	s24 =	simm.s32 $0x0;
	[sflag:s14] =	ssyncadd.s32 $0xFFFFC000  }
0x51: {  	[tilespmem:s24], [sflag:$0x3] =	stream.linear.gather [hbm4b:s11+s24], $0x1400, $0x38;
	[tilespmem:$0x1E800] =	vst v63  }
0x52: {  	_ =	swait.ge [sflag:s14], $0x1400  }
0x53: {  	[sflag:s14] =	ssyncset.done $0x0  }
0x54: {  	[sflag:s14] =	ssyncadd.s32 $0xFFFFEC00  }
0x55: {  	[tilespmem:s15], [sflag:$0x3] =	stream.linear.gather [hbm4b:s12+s24], $0x1400, $0x38;
	[tilespmem:$0x1E800] =	vst v63  }
0x56: {  	_ =	swait.ge [sflag:s14], $0x1400  }
0x57: {  	[sflag:s14] =	ssyncset.done $0x0  }
0x58: {  	[sflag:s14] =	ssyncadd.s32 $0xFFFFEC00  }
0x59: {  	[tilespmem:s17], [sflag:$0x1] =	stream.indirect.gather [hbm4b:s4+s16], $0x80, s24, s16, $0xb8;
	[tilespmem:$0x1E800] =	vst v63  }
0x5a: {  	_ = 	snop  }
0x5b: {  	[tilespmem:s18], [sflag:$0x2] =	stream.indirect.gather [hbm4b:s4+s16], $0x80, s16, s16, $0xb8;
	[tilespmem:$0x1E800] =	vst v63  }
0x5c: {  	_ =	swait.ge [sflag:s19], $0x4000  }
0x5d: {  	[sflag:s19] =	ssyncset.done $0x0  }
0x5e: {  	s29 =	simm.s32 $0x1400;
	[sflag:s19] =	ssyncadd.s32 $0xFFFFC000  }
0x5f: {  	[spmem:s2] =	stream.indirect.scatter.add.f32 [tilespmem:s17], [sflag:$0x3], $0x80, s29, s16, $0xb8;
	[tilespmem:$0x1E800] =	vst v63  }
0x60: {  	_ =	swait.ge [sflag:s14], $0x4000  }
0x61: {  	[sflag:s14] =	ssyncset.done $0x0  }
0x62: {  	s30 =	simm.s32 $0x100;
	[sflag:s14] =	ssyncadd.s32 $0xFFFFC000  }
0x63: {  	[tilespmem:s17], [sflag:$0x1] =	stream.indirect.gather [hbm4b:s4+s16], $0x80, s30, s16, $0xb8;
	[tilespmem:$0x1E800] =	vst v63  }
0x64: {  	_ =	swait.ge [sflag:s20], $0x4000  }
0x65: {  	[sflag:s20] =	ssyncset.done $0x0  }
0x66: {  	s31 =	simm.s32 $0x1480;
	[sflag:s20] =	ssyncadd.s32 $0xFFFFC000  }
0x67: {  	[spmem:s2] =	stream.indirect.scatter.add.f32 [tilespmem:s18], [sflag:$0x3], $0x80, s31, s16, $0xb8;
	[tilespmem:$0x1E800] =	vst v63  }
0x68: {  	_ =	swait.ge [sflag:s14], $0x4000  }
0x69: {  	[sflag:s14] =	ssyncset.done $0x0  }
0x6a: {  	s25 =	simm.s32 $0x180;
	s24 =	simm.s32 $0x400;
	[sflag:s14] =	ssyncadd.s32 $0xFFFFC000  }
.LBB2_4:
0x6b: {  	[tilespmem:s18], [sflag:$0x2] =	stream.indirect.gather [hbm4b:s4+s16], $0x80, s25, s16, $0xb8;
	[tilespmem:$0x1E800] =	vst v63  }
0x6c: {  	s25 =	smov.u32 s24  }
0x6d: {  	p0 =	sne.s32 s24, $0x4800;
	s24 =	sadd.s32 $0x400, s24;
	_ =	swait.ge [sflag:s19], $0x4000  }
0x6e: {  	s25 =	sshra.s32 s25, $0x2;
	[sflag:s19] =	ssyncset.done $0x0  }
0x6f: {  	s26 =	sadd.s32 $0x1400, s25;
	[sflag:s19] =	ssyncadd.s32 $0xFFFFC000  }
0x70: {  	[spmem:s2] =	stream.indirect.scatter.add.f32 [tilespmem:s17], [sflag:$0x3], $0x80, s26, s16, $0xb8;
	[tilespmem:$0x1E800] =	vst v63  }
0x71: {  	_ =	swait.ge [sflag:s14], $0x4000  }
0x72: {  	[sflag:s14] =	ssyncset.done $0x0  }
0x73: {  	s26 =	sadd.s32 $0x100, s25;
	[sflag:s14] =	ssyncadd.s32 $0xFFFFC000  }
0x74: {  	[tilespmem:s17], [sflag:$0x1] =	stream.indirect.gather [hbm4b:s4+s16], $0x80, s26, s16, $0xb8;
	[tilespmem:$0x1E800] =	vst v63  }
0x75: {  	_ =	swait.ge [sflag:s20], $0x4000  }
0x76: {  	[sflag:s20] =	ssyncset.done $0x0  }
.Ltmp1:
0x77: {  	s26 =	sadd.s32 $0x1480, s25;
	[sflag:s20] =	ssyncadd.s32 $0xFFFFC000;
	(pc) =	sbr.rel @p0 .LBB2_4-.Ltmp1, $4  }
0x78: {  	[spmem:s2] =	stream.indirect.scatter.add.f32 [tilespmem:s18], [sflag:$0x3], $0x80, s26, s16, $0xb8;
	[tilespmem:$0x1E800] =	vst v63  }
0x79: {  	_ =	swait.ge [sflag:s14], $0x4000  }
0x7a: {  	[sflag:s14] =	ssyncset.done $0x0  }
0x7b: {  	s25 =	sadd.s32 $0x180, s25;
	[sflag:s14] =	ssyncadd.s32 $0xFFFFC000  }
0x7c: {  	[tilespmem:s18], [sflag:$0x2] =	stream.indirect.gather [hbm4b:s4+s16], $0x80, s25, s16, $0xb8;
	[tilespmem:$0x1E800] =	vst v63  }
0x7d: {  	_ =	swait.ge [sflag:s19], $0x4000  }
0x7e: {  	[sflag:s19] =	ssyncset.done $0x0  }
0x7f: {  	[sflag:s19] =	ssyncadd.s32 $0xFFFFC000  }
0x80: {  	[spmem:s2] =	stream.indirect.scatter.add.f32 [tilespmem:s17], [sflag:$0x3], $0x80, s21, s16, $0xb8;
	[tilespmem:$0x1E800] =	vst v63  }
0x81: {  	_ =	swait.ge [sflag:s14], $0x4000  }
0x82: {  	[sflag:s14] =	ssyncset.done $0x0  }
0x83: {  	[sflag:s14] =	ssyncadd.s32 $0xFFFFC000  }
0x84: {  	_ =	swait.ge [sflag:s20], $0x4000  }
0x85: {  	[sflag:s20] =	ssyncset.done $0x0  }
0x86: {  	[sflag:s20] =	ssyncadd.s32 $0xFFFFC000  }
0x87: {  	[spmem:s2] =	stream.indirect.scatter.add.f32 [tilespmem:s18], [sflag:$0x3], $0x80, s22, s16, $0xb8;
	[tilespmem:$0x1E800] =	vst v63  }
0x88: {  	_ =	swait.ge [sflag:s14], $0x4000  }
0x89: {  	s23 =	sadd.s32 $0x1, s23;
	[sflag:s14] =	ssyncset.done $0x0  }
0x8a: {  	p0 =	sne.s32 s23, s8;
	[sflag:s14] =	ssyncadd.s32 $0xFFFFC000  }
.Ltmp2:
0x8b: {  	[bflag:$0x0] =	sbarrier.arrive $0xFFFF;
	(pc) =	sbr.rel @p0 .LBB2_1-.Ltmp2, $4  }
0x8c: {  	[hbm:s7], [sflag:s6] =	dma.local [spmem:s13], $0x2800  }
0x8d: {  	_ =	swait.ge [sflag:s14], $0x2800  }
0x8e: {  	[sflag:s14] =	ssyncset.done $0x0  }
0x8f: {  	[sflag:s14] =	ssyncadd.s32 $0xFFFFD800  }
0x90: {  	_ =	sfence.sel $0x180000  }
0x91: {  	[bflag:$0x0] =	sbarrier.arrive $0xFFFF  }
0x92: {  	p0 =	sne.s32 s1, $0x0;
	_ =	strace $0x90000053  }
0x93: {  	s0 =	sadd.s32 @!p0 $0x100000, s0;
	[bflag:$0x2] =	sbarrier.arrive $0xFFFF  }
0x94: {  	[sflag:s0] =	ssyncadd.tile.s32 @!p0 $0x1;
	_ =	shalt  }
.Lfunc_end2:
_tile_overlayer_lowered:
.L_overlay_start_2:
0x95: {  	(tag) =	ssettag $0x2  }
0x96: {  	s0 =	rddreg [dreg:$0x0];
	s2 =	stileid.u32  }
0x97: {  	s1 =	rddreg [dreg:$0x1];
	p0 =	sne.s32 s2, $0x0  }
0x98: {  	s3 =	rddreg [dreg:$0x2];
	[bflag:$0x3] =	sbarrier.arrive $0xFFFF;
	s2 =	simm.s32 @!p0 $0x1C03  }
0x99: {  	[timem:s3], [sflag:s2] =	dma.local @!p0 [hbm:s0], s1  }
0x9a: {  	s0 =	simm.s32 @!p0 $0x3  }
0x9b: {  	_ =	swait.ge @!p0 [sflag:s0], s1  }
0x9c: {  	s1 =	ssub.s32 @!p0 $0x0, s1;
	[sflag:s0] =	ssyncset.done @!p0 $0x0  }
0x9d: {  	[sflag:s0] =	ssyncadd.s32 @!p0 s1  }
0x9e: {  	[bflag:$0x3] =	sbarrier.arrive $0xFFFF  }
0x9f: {  	_ =	shalt  }

</sc_bundles>
